<compile_context>
chip_gen: v7x
topology: tpu7x:2x2x1
jax: 0.10.2.dev20260603
libtpu: 0.0.44.dev20260713+nightly
codegen_flags: <defaults>
</compile_context>

<pallas_src>
import functools

import jax
import jax.numpy as jnp
from jax import lax
from jax.experimental import pallas as pl
from jax.experimental.pallas import tpu as pltpu, tpu_sc as plsc

NC = 2
NS = 16
L = 16
NW = NC * NS

N = 10000
E = 320000
D = 128

EPT = E // NW
G = EPT // L
N_PAD = 10240
NPT = N_PAD // NS
DEG_R = 640

_mesh = plsc.VectorSubcoreMesh(core_axis_name="c", subcore_axis_name="s")


@functools.partial(
    pl.kernel,
    out_type=jax.ShapeDtypeStruct((NW, N), jnp.float32),
    mesh=_mesh,
    compiler_params=pltpu.CompilerParams(needs_layout_passes=False),
    scratch_types=[
        pltpu.VMEM((EPT,), jnp.int32),
        pltpu.VMEM((N,), jnp.float32),
    ],
)
def _sc_degree3(col_hbm, zeros_hbm, out_hbm, col_v, deg_v):
    cid = lax.axis_index("c")
    sid = lax.axis_index("s")
    tid = sid * NC + cid
    pltpu.sync_copy(col_hbm.at[pl.ds(tid * EPT, EPT)], col_v)
    pltpu.sync_copy(zeros_hbm, deg_v)
    ones = jnp.ones((L,), jnp.float32)

    def body(g, carry):
        c16 = col_v[pl.ds(g * L, L)]
        plsc.addupdate_scatter(deg_v, [c16], ones)
        return carry

    lax.fori_loop(0, G, body, 0)
    pltpu.sync_copy(deg_v, out_hbm.at[tid])


@functools.partial(
    pl.kernel,
    out_type=jax.ShapeDtypeStruct((E,), jnp.float32),
    mesh=_mesh,
    compiler_params=pltpu.CompilerParams(needs_layout_passes=False),
    scratch_types=[
        pltpu.VMEM((N,), jnp.float32),
        pltpu.VMEM((EPT,), jnp.int32),
        pltpu.VMEM((EPT,), jnp.int32),
        pltpu.VMEM((EPT,), jnp.float32),
        pltpu.VMEM((EPT,), jnp.float32),
    ],
)
def _sc_edge_w(row_hbm, col_hbm, ew_hbm, dis_hbm, out_hbm,
               dis_v, row_v, col_v, ew_v, w_v):
    cid = lax.axis_index("c")
    sid = lax.axis_index("s")
    tid = sid * NC + cid
    pltpu.sync_copy(dis_hbm, dis_v)
    pltpu.sync_copy(row_hbm.at[pl.ds(tid * EPT, EPT)], row_v)
    pltpu.sync_copy(col_hbm.at[pl.ds(tid * EPT, EPT)], col_v)
    pltpu.sync_copy(ew_hbm.at[pl.ds(tid * EPT, EPT)], ew_v)

    def body(g, carry):
        sl = pl.ds(g * L, L)
        a = plsc.load_gather(dis_v, [row_v[sl]])
        b = plsc.load_gather(dis_v, [col_v[sl]])
        w_v[sl] = ew_v[sl] * (a * b)
        return carry

    lax.fori_loop(0, G, body, 0)
    pltpu.sync_copy(w_v, out_hbm.at[pl.ds(tid * EPT, EPT)])


FB = D // NW
CHUNK = 8000
NCHUNK = E // CHUNK
CG = CHUNK // L


@functools.partial(
    pl.kernel,
    out_type=jax.ShapeDtypeStruct((NW, N * FB), jnp.float32),
    mesh=_mesh,
    compiler_params=pltpu.CompilerParams(needs_layout_passes=False),
    scratch_types=[
        pltpu.VMEM((N * FB,), jnp.float32),
        pltpu.VMEM((N * FB,), jnp.float32),
        pltpu.VMEM((CHUNK,), jnp.int32),
        pltpu.VMEM((CHUNK,), jnp.int32),
        pltpu.VMEM((CHUNK,), jnp.float32),
        pltpu.VMEM((CHUNK,), jnp.int32),
        pltpu.VMEM((CHUNK,), jnp.int32),
        pltpu.VMEM((CHUNK,), jnp.float32),
        pltpu.SemaphoreType.DMA,
        pltpu.SemaphoreType.DMA,
    ],
)
def _sc_aggregate_cs(hcs_hbm, row_hbm, col_hbm, w_hbm, zeros_hbm, out_hbm,
                     h_v, acc_v, row_a, col_a, w_a, row_b, col_b, w_b,
                     sem_a, sem_b):
    cid = lax.axis_index("c")
    sid = lax.axis_index("s")
    tid = sid * NC + cid
    pltpu.sync_copy(hcs_hbm.at[tid], h_v)
    pltpu.sync_copy(zeros_hbm, acc_v)

    bufs = ((row_a, col_a, w_a, sem_a), (row_b, col_b, w_b, sem_b))
    fvecs = [jnp.full((L,), f, jnp.int32) for f in range(FB)]

    def issue(c, p):
        rv, cv, wv, sem = bufs[p]
        sl = pl.ds(c * CHUNK, CHUNK)
        pltpu.async_copy(row_hbm.at[sl], rv, sem)
        pltpu.async_copy(col_hbm.at[sl], cv, sem)
        pltpu.async_copy(w_hbm.at[sl], wv, sem)

    def drain(c, p):
        rv, cv, wv, sem = bufs[p]
        sl = pl.ds(c * CHUNK, CHUNK)
        pltpu.make_async_copy(row_hbm.at[sl], rv, sem).wait()
        pltpu.make_async_copy(col_hbm.at[sl], cv, sem).wait()
        pltpu.make_async_copy(w_hbm.at[sl], wv, sem).wait()

    def process(p):
        rv, cv, wv, _ = bufs[p]

        def body(g, carry2):
            sl = pl.ds(g * L, L)
            rb = rv[sl] * FB
            cb = cv[sl] * FB
            w16 = wv[sl]
            for f in range(FB):
                vals = plsc.load_gather(h_v, [rb + fvecs[f]])
                plsc.addupdate_scatter(acc_v, [cb + fvecs[f]], vals * w16)
            return carry2

        lax.fori_loop(0, CG, body, 0)

    issue(0, 0)

    def pair(i, carry):
        c0 = i * 2
        drain(c0, 0)

        @pl.when(c0 + 1 < NCHUNK)
        def _():
            issue(c0 + 1, 1)

        process(0)

        drain(c0 + 1, 1)

        @pl.when(c0 + 2 < NCHUNK)
        def _():
            issue(c0 + 2, 0)

        process(1)
        return carry

    lax.fori_loop(0, NCHUNK // 2, pair, 0)
    pltpu.sync_copy(acc_v, out_hbm.at[tid])


def _tc_update_body(p, cinv, w, b, out, *, relu):
    aggr = p[...] * cinv[...]
    y = jnp.dot(aggr, w[...], preferred_element_type=jnp.float32) + b[...]
    if relu:
        y = jnp.maximum(y, 0.0)
    out[...] = y


def _tc_update(p, cnt_inv, wt, b, relu):
    blk = 2000
    body = functools.partial(_tc_update_body, relu=relu)
    return pl.pallas_call(
        body,
        out_shape=jax.ShapeDtypeStruct((N, D), jnp.float32),
        grid=(N // blk,),
        in_specs=[
            pl.BlockSpec((blk, D), lambda i: (i, 0)),
            pl.BlockSpec((blk, 1), lambda i: (i, 0)),
            pl.BlockSpec((D, D), lambda i: (0, 0)),
            pl.BlockSpec((1, D), lambda i: (0, 0)),
        ],
        out_specs=pl.BlockSpec((blk, D), lambda i: (i, 0)),
    )(p, cnt_inv, wt, b)


def kernel(x, edge_index, edge_weight, W1, b1, W2, b2, W3, b3):
    row = edge_index[0]
    col = edge_index[1]
    zeros_n = jnp.zeros((N,), jnp.float32)
    deg = jnp.sum(_sc_degree3(col, zeros_n), axis=0)
    dis = jnp.where(deg > 0, 1.0 / jnp.sqrt(jnp.maximum(deg, 1.0)), 0.0)
    cnt_inv = (1.0 / jnp.maximum(deg, 1.0))[:, None]
    w = _sc_edge_w(row, col, edge_weight, dis)

    zeros_fb = jnp.zeros((N * FB,), jnp.float32)
    h = x
    for i, (W, b) in enumerate(((W1, b1), (W2, b2), (W3, b3))):
        last = i == 2
        hcs = h.reshape(N, NW, FB).transpose(1, 0, 2).reshape(NW, N * FB)
        out_cs = _sc_aggregate_cs(hcs, row, col, w, zeros_fb)
        summed = out_cs.reshape(NW, N, FB).transpose(1, 0, 2).reshape(N, D)
        h = _tc_update(summed, cnt_inv, W.T, b.reshape(1, D), relu=not last)
    return h

# --- scband reference (transcript-rebuilt; emitter-appended) ---
"""Pipeline reference for scband-graph-neural-network-81698867905110 (READ-ONLY COPY).

The authoritative reference and input builder live on the scoring server;
editing this copy changes nothing except your own understanding.
"""

import jax, jax.numpy as jnp
import numpy as np

N = 10000
E = 320000
D = 128


def _mp_layer(x, row, col, edge_weight, W, b):
    n = x.shape[0]
    deg = jnp.zeros((n,), x.dtype).at[col].add(1.0)
    deg_inv_sqrt = jnp.where(deg > 0, 1.0 / jnp.sqrt(jnp.maximum(deg, 1.0)), 0.0)
    norm = deg_inv_sqrt[row] * deg_inv_sqrt[col]
    w = edge_weight * norm
    msg = w[:, None] * x[row]
    summed = jnp.zeros((n, x.shape[1]), x.dtype).at[col].add(msg)
    cnt = jnp.maximum(deg, 1.0)
    aggr = summed / cnt[:, None]
    return aggr @ W.T + b


def setup_inputs(seed: int = 0) -> dict:
    key = jax.random.key(seed)
    ks = jax.random.split(key, 9)
    x = jax.random.normal(ks[0], (N, D), dtype=jnp.float32)
    edge_index = jax.random.randint(ks[1], (2, E), 0, N, dtype=jnp.int32)
    edge_weight = jax.random.uniform(ks[2], (E,), dtype=jnp.float32)
    W1 = jax.random.normal(ks[3], (D, D), dtype=jnp.float32) * 0.05
    b1 = jnp.zeros((D,), dtype=jnp.float32)
    W2 = jax.random.normal(ks[4], (D, D), dtype=jnp.float32) * 0.05
    b2 = jnp.zeros((D,), dtype=jnp.float32)
    W3 = jax.random.normal(ks[5], (D, D), dtype=jnp.float32) * 0.05
    b3 = jnp.zeros((D,), dtype=jnp.float32)
    return {"x": x, "edge_index": edge_index, "edge_weight": edge_weight,
            "W1": W1, "b1": b1, "W2": W2, "b2": b2, "W3": W3, "b3": b3}


def reference(x, edge_index, edge_weight, W1, b1, W2, b2, W3, b3):
    row = edge_index[0]
    col = edge_index[1]
    h = _mp_layer(x, row, col, edge_weight, W1, b1)
    h = jax.nn.relu(h)
    # dropout p=0.5 is identity in eval mode
    h = _mp_layer(h, row, col, edge_weight, W2, b2)
    h = jax.nn.relu(h)
    h = _mp_layer(h, row, col, edge_weight, W3, b3)
    return h

if __name__ == "__main__":
    import jax
    _d = setup_inputs()
    print(jax.jit(kernel)(*tuple(_d.values())))

</pallas_src>

<mosaic_0001>
#map = affine_map<(d0, d1) -> (0, 0)>
#map1 = affine_map<(d0, d1) -> (0)>
module attributes {stable_mosaic.version = 14 : i64} {
  func.func @_sc_aggregate_cs(%arg0: i32, %arg1: i32, %arg2: memref<32x40000xf32, #tpu.memory_space<hbm>>, %arg3: memref<320000xi32, #tpu.memory_space<hbm>>, %arg4: memref<320000xi32, #tpu.memory_space<hbm>>, %arg5: memref<320000xf32, #tpu.memory_space<hbm>>, %arg6: memref<40000xf32, #tpu.memory_space<hbm>>, %arg7: memref<32x40000xf32, #tpu.memory_space<hbm>>, %arg8: memref<40000xf32, #tpu.memory_space<vmem>>, %arg9: memref<40000xf32, #tpu.memory_space<vmem>>, %arg10: memref<8000xi32, #tpu.memory_space<vmem>>, %arg11: memref<8000xi32, #tpu.memory_space<vmem>>, %arg12: memref<8000xf32, #tpu.memory_space<vmem>>, %arg13: memref<8000xi32, #tpu.memory_space<vmem>>, %arg14: memref<8000xi32, #tpu.memory_space<vmem>>, %arg15: memref<8000xf32, #tpu.memory_space<vmem>>, %arg16: memref<!tpu.dma_semaphore, #tpu.memory_space<semaphore_mem>>, %arg17: memref<!tpu.dma_semaphore, #tpu.memory_space<semaphore_mem>>) attributes {dimension_semantics = [#tpu.dimension_semantics<core_parallel>, #tpu.dimension_semantics<subcore_parallel>], iteration_bounds = array<i64: 2, 16>, scalar_prefetch = 0 : i64, scratch_operands = 10 : i64, tpu.core_type = #tpu.core_type<sc_vector_subcore>, window_params = [{transform_indices = #map}, {transform_indices = #map1}, {transform_indices = #map1}, {transform_indices = #map1}, {transform_indices = #map1}, {transform_indices = #map}]} {
    %mul3A = arith.constant 2 : i32
    %mul3A_0 = arith.muli %arg1, %mul3A : i32
    %add3A = arith.addi %mul3A_0, %arg0 : i32
    "tpu.region"() ({
      %run_scoped3A = tpu.sem_alloc : memref<!tpu.dma_semaphore, #tpu.memory_space<semaphore_mem>>
      %dma_start3A_24 = arith.constant 0 : i32
      %dma_start3A_25 = tpu.memref_slice %arg2[%add3A, %dma_start3A_24] : memref<32x40000xf32, #tpu.memory_space<hbm>> -> memref<1x40000xf32, #tpu.memory_space<hbm>>
      %dma_start3A_26 = tpu.memref_squeeze %dma_start3A_25 : memref<1x40000xf32, #tpu.memory_space<hbm>> -> memref<40000xf32, #tpu.memory_space<hbm>>
      %dma_start3A_27 = arith.constant 0 : i32
      %dma_start3A_28 = tpu.memref_slice %arg2[%add3A, %dma_start3A_27] : memref<32x40000xf32, #tpu.memory_space<hbm>> -> memref<1x40000xf32, #tpu.memory_space<hbm>>
      %dma_start3A_29 = tpu.memref_squeeze %dma_start3A_28 : memref<1x40000xf32, #tpu.memory_space<hbm>> -> memref<40000xf32, #tpu.memory_space<hbm>>
      tpu.enqueue_dma source(%dma_start3A_29 : memref<40000xf32, #tpu.memory_space<hbm>>) target(%arg8 : memref<40000xf32, #tpu.memory_space<vmem>>) target_semaphore(%run_scoped3A : memref<!tpu.dma_semaphore, #tpu.memory_space<semaphore_mem>>)
      %dma_wait3A = arith.constant 0 : i32
      %dma_wait3A_30 = tpu.memref_slice %arg2[%add3A, %dma_wait3A] : memref<32x40000xf32, #tpu.memory_space<hbm>> -> memref<1x40000xf32, #tpu.memory_space<hbm>>
      %dma_wait3A_31 = tpu.memref_squeeze %dma_wait3A_30 : memref<1x40000xf32, #tpu.memory_space<hbm>> -> memref<40000xf32, #tpu.memory_space<hbm>>
      %dma_wait3A_32 = arith.constant 0 : i32
      %dma_wait3A_33 = tpu.memref_slice %arg2[%add3A, %dma_wait3A_32] : memref<32x40000xf32, #tpu.memory_space<hbm>> -> memref<1x40000xf32, #tpu.memory_space<hbm>>
      %dma_wait3A_34 = tpu.memref_squeeze %dma_wait3A_33 : memref<1x40000xf32, #tpu.memory_space<hbm>> -> memref<40000xf32, #tpu.memory_space<hbm>>
      tpu.wait_dma2 semaphore(%run_scoped3A : memref<!tpu.dma_semaphore, #tpu.memory_space<semaphore_mem>>) src(%dma_wait3A_34 : memref<40000xf32, #tpu.memory_space<hbm>>) dst(%arg8 : memref<40000xf32, #tpu.memory_space<vmem>>)
      tpu.yield
    }) : () -> ()
    "tpu.region"() ({
      %run_scoped3A = tpu.sem_alloc : memref<!tpu.dma_semaphore, #tpu.memory_space<semaphore_mem>>
      tpu.enqueue_dma source(%arg6 : memref<40000xf32, #tpu.memory_space<hbm>>) target(%arg9 : memref<40000xf32, #tpu.memory_space<vmem>>) target_semaphore(%run_scoped3A : memref<!tpu.dma_semaphore, #tpu.memory_space<semaphore_mem>>)
      tpu.wait_dma2 semaphore(%run_scoped3A : memref<!tpu.dma_semaphore, #tpu.memory_space<semaphore_mem>>) src(%arg6 : memref<40000xf32, #tpu.memory_space<hbm>>) dst(%arg9 : memref<40000xf32, #tpu.memory_space<vmem>>)
      tpu.yield
    }) : () -> ()
    %broadcast_in_dim3A = arith.constant 0 : i32
    %broadcast_in_dim3A_1 = vector.broadcast %broadcast_in_dim3A : i32 to vector<16xi32>
    %broadcast_in_dim3A_2 = arith.constant 1 : i32
    %broadcast_in_dim3A_3 = vector.broadcast %broadcast_in_dim3A_2 : i32 to vector<16xi32>
    %broadcast_in_dim3A_4 = arith.constant 2 : i32
    %broadcast_in_dim3A_5 = vector.broadcast %broadcast_in_dim3A_4 : i32 to vector<16xi32>
    %broadcast_in_dim3A_6 = arith.constant 3 : i32
    %broadcast_in_dim3A_7 = vector.broadcast %broadcast_in_dim3A_6 : i32 to vector<16xi32>
    %dma_start3A = arith.constant 0 : i32
    %dma_start3A_8 = tpu.memref_slice %arg3[%dma_start3A] : memref<320000xi32, #tpu.memory_space<hbm>> -> memref<8000xi32, #tpu.memory_space<hbm>>
    %dma_start3A_9 = arith.constant 0 : i32
    %dma_start3A_10 = tpu.memref_slice %arg3[%dma_start3A_9] : memref<320000xi32, #tpu.memory_space<hbm>> -> memref<8000xi32, #tpu.memory_space<hbm>>
    tpu.enqueue_dma source(%dma_start3A_10 : memref<8000xi32, #tpu.memory_space<hbm>>) target(%arg10 : memref<8000xi32, #tpu.memory_space<vmem>>) target_semaphore(%arg16 : memref<!tpu.dma_semaphore, #tpu.memory_space<semaphore_mem>>)
    %dma_start3A_11 = arith.constant 0 : i32
    %dma_start3A_12 = tpu.memref_slice %arg4[%dma_start3A_11] : memref<320000xi32, #tpu.memory_space<hbm>> -> memref<8000xi32, #tpu.memory_space<hbm>>
    %dma_start3A_13 = arith.constant 0 : i32
    %dma_start3A_14 = tpu.memref_slice %arg4[%dma_start3A_13] : memref<320000xi32, #tpu.memory_space<hbm>> -> memref<8000xi32, #tpu.memory_space<hbm>>
    tpu.enqueue_dma source(%dma_start3A_14 : memref<8000xi32, #tpu.memory_space<hbm>>) target(%arg11 : memref<8000xi32, #tpu.memory_space<vmem>>) target_semaphore(%arg16 : memref<!tpu.dma_semaphore, #tpu.memory_space<semaphore_mem>>)
    %dma_start3A_15 = arith.constant 0 : i32
    %dma_start3A_16 = tpu.memref_slice %arg5[%dma_start3A_15] : memref<320000xf32, #tpu.memory_space<hbm>> -> memref<8000xf32, #tpu.memory_space<hbm>>
    %dma_start3A_17 = arith.constant 0 : i32
    %dma_start3A_18 = tpu.memref_slice %arg5[%dma_start3A_17] : memref<320000xf32, #tpu.memory_space<hbm>> -> memref<8000xf32, #tpu.memory_space<hbm>>
    tpu.enqueue_dma source(%dma_start3A_18 : memref<8000xf32, #tpu.memory_space<hbm>>) target(%arg12 : memref<8000xf32, #tpu.memory_space<vmem>>) target_semaphore(%arg16 : memref<!tpu.dma_semaphore, #tpu.memory_space<semaphore_mem>>)
    %scan3A = arith.constant 0 : i32
    %scan3A_19 = arith.constant 0 : i32
    %scan3A_20 = arith.constant 20 : i32
    %scan3A_21 = arith.addi %scan3A_19, %scan3A_20 : i32
    %scan3A_22 = arith.constant 1 : i32
    scf.for %scan3A_24 = %scan3A_19 to %scan3A_21 step %scan3A_22  : i32 {
      %mul3A_25 = arith.constant 2 : i32
      %mul3A_26 = arith.muli %scan3A_24, %mul3A_25 : i32
      %mul3A_27 = arith.constant 8000 : i32
      %mul3A_28 = arith.muli %mul3A_26, %mul3A_27 : i32
      %dma_wait3A = tpu.memref_slice %arg3[%mul3A_28] : memref<320000xi32, #tpu.memory_space<hbm>> -> memref<8000xi32, #tpu.memory_space<hbm>>
      %dma_wait3A_29 = tpu.memref_slice %arg3[%mul3A_28] : memref<320000xi32, #tpu.memory_space<hbm>> -> memref<8000xi32, #tpu.memory_space<hbm>>
      tpu.wait_dma2 semaphore(%arg16 : memref<!tpu.dma_semaphore, #tpu.memory_space<semaphore_mem>>) src(%dma_wait3A_29 : memref<8000xi32, #tpu.memory_space<hbm>>) dst(%arg10 : memref<8000xi32, #tpu.memory_space<vmem>>)
      %dma_wait3A_30 = tpu.memref_slice %arg4[%mul3A_28] : memref<320000xi32, #tpu.memory_space<hbm>> -> memref<8000xi32, #tpu.memory_space<hbm>>
      %dma_wait3A_31 = tpu.memref_slice %arg4[%mul3A_28] : memref<320000xi32, #tpu.memory_space<hbm>> -> memref<8000xi32, #tpu.memory_space<hbm>>
      tpu.wait_dma2 semaphore(%arg16 : memref<!tpu.dma_semaphore, #tpu.memory_space<semaphore_mem>>) src(%dma_wait3A_31 : memref<8000xi32, #tpu.memory_space<hbm>>) dst(%arg11 : memref<8000xi32, #tpu.memory_space<vmem>>)
      %dma_wait3A_32 = tpu.memref_slice %arg5[%mul3A_28] : memref<320000xf32, #tpu.memory_space<hbm>> -> memref<8000xf32, #tpu.memory_space<hbm>>
      %dma_wait3A_33 = tpu.memref_slice %arg5[%mul3A_28] : memref<320000xf32, #tpu.memory_space<hbm>> -> memref<8000xf32, #tpu.memory_space<hbm>>
      tpu.wait_dma2 semaphore(%arg16 : memref<!tpu.dma_semaphore, #tpu.memory_space<semaphore_mem>>) src(%dma_wait3A_33 : memref<8000xf32, #tpu.memory_space<hbm>>) dst(%arg12 : memref<8000xf32, #tpu.memory_space<vmem>>)
      %add3A_34 = arith.constant 1 : i32
      %add3A_35 = arith.addi %mul3A_26, %add3A_34 : i32
      %lt3A = arith.constant 40 : i32
      %lt3A_36 = arith.cmpi slt, %add3A_35, %lt3A : i32
      %convert_element_type3A = arith.extui %lt3A_36 : i1 to i32
      %cond3A = arith.constant 0 : i32
      %cond3A_37 = arith.cmpi ne, %convert_element_type3A, %cond3A : i32
      scf.if %cond3A_37 {
        %add3A_67 = arith.constant 1 : i32
        %add3A_68 = arith.addi %mul3A_26, %add3A_67 : i32
        %mul3A_69 = arith.constant 8000 : i32
        %mul3A_70 = arith.muli %add3A_68, %mul3A_69 : i32
        %dma_start3A_71 = tpu.memref_slice %arg3[%mul3A_70] : memref<320000xi32, #tpu.memory_space<hbm>> -> memref<8000xi32, #tpu.memory_space<hbm>>
        %dma_start3A_72 = tpu.memref_slice %arg3[%mul3A_70] : memref<320000xi32, #tpu.memory_space<hbm>> -> memref<8000xi32, #tpu.memory_space<hbm>>
        tpu.enqueue_dma source(%dma_start3A_72 : memref<8000xi32, #tpu.memory_space<hbm>>) target(%arg13 : memref<8000xi32, #tpu.memory_space<vmem>>) target_semaphore(%arg17 : memref<!tpu.dma_semaphore, #tpu.memory_space<semaphore_mem>>)
        %dma_start3A_73 = tpu.memref_slice %arg4[%mul3A_70] : memref<320000xi32, #tpu.memory_space<hbm>> -> memref<8000xi32, #tpu.memory_space<hbm>>
        %dma_start3A_74 = tpu.memref_slice %arg4[%mul3A_70] : memref<320000xi32, #tpu.memory_space<hbm>> -> memref<8000xi32, #tpu.memory_space<hbm>>
        tpu.enqueue_dma source(%dma_start3A_74 : memref<8000xi32, #tpu.memory_space<hbm>>) target(%arg14 : memref<8000xi32, #tpu.memory_space<vmem>>) target_semaphore(%arg17 : memref<!tpu.dma_semaphore, #tpu.memory_space<semaphore_mem>>)
        %dma_start3A_75 = tpu.memref_slice %arg5[%mul3A_70] : memref<320000xf32, #tpu.memory_space<hbm>> -> memref<8000xf32, #tpu.memory_space<hbm>>
        %dma_start3A_76 = tpu.memref_slice %arg5[%mul3A_70] : memref<320000xf32, #tpu.memory_space<hbm>> -> memref<8000xf32, #tpu.memory_space<hbm>>
        tpu.enqueue_dma source(%dma_start3A_76 : memref<8000xf32, #tpu.memory_space<hbm>>) target(%arg15 : memref<8000xf32, #tpu.memory_space<vmem>>) target_semaphore(%arg17 : memref<!tpu.dma_semaphore, #tpu.memory_space<semaphore_mem>>)
      } else {
      }
      %scan3A_38 = arith.constant 0 : i32
      %scan3A_39 = arith.constant 0 : i32
      %scan3A_40 = arith.constant 500 : i32
      %scan3A_41 = arith.addi %scan3A_39, %scan3A_40 : i32
      %scan3A_42 = arith.constant 1 : i32
      scf.for %scan3A_67 = %scan3A_39 to %scan3A_41 step %scan3A_42  : i32 {
        %mul3A_68 = arith.constant 16 : i32
        %mul3A_69 = arith.muli %scan3A_67, %mul3A_68 : i32
        %get3A = arith.index_cast %mul3A_69 : i32 to index
        %get3A_70 = tpu.vector_load %arg10[%get3A] {strides = array<i32>} : memref<8000xi32, #tpu.memory_space<vmem>>, vector<16xi32>,
        %mul3A_71 = arith.constant 4 : i32
        %mul3A_72 = vector.broadcast %mul3A_71 : i32 to vector<16xi32>
        %mul3A_73 = arith.muli %get3A_70, %mul3A_72 : vector<16xi32>
        %get3A_74 = arith.index_cast %mul3A_69 : i32 to index
        %get3A_75 = tpu.vector_load %arg11[%get3A_74] {strides = array<i32>} : memref<8000xi32, #tpu.memory_space<vmem>>, vector<16xi32>,
        %mul3A_76 = arith.constant 4 : i32
        %mul3A_77 = vector.broadcast %mul3A_76 : i32 to vector<16xi32>
        %mul3A_78 = arith.muli %get3A_75, %mul3A_77 : vector<16xi32>
        %get3A_79 = arith.index_cast %mul3A_69 : i32 to index
        %get3A_80 = tpu.vector_load %arg12[%get3A_79] {strides = array<i32>} : memref<8000xf32, #tpu.memory_space<vmem>>, vector<16xf32>,
        %add3A_81 = arith.addi %mul3A_73, %broadcast_in_dim3A_1 : vector<16xi32>
        %gather3A = tpu.vector_load_idx %arg8[%add3A_81] : memref<40000xf32, #tpu.memory_space<vmem>>[vector<16xi32>], vector<16xf32>,
        %add3A_82 = arith.addi %mul3A_78, %broadcast_in_dim3A_1 : vector<16xi32>
        %mul3A_83 = arith.mulf %gather3A, %get3A_80 : vector<16xf32>
        tpu.vector_store_idx %arg9[%add3A_82], %mul3A_83 {add = true} : memref<40000xf32, #tpu.memory_space<vmem>>[vector<16xi32>], vector<16xf32>,
        %add3A_84 = arith.addi %mul3A_73, %broadcast_in_dim3A_3 : vector<16xi32>
        %gather3A_85 = tpu.vector_load_idx %arg8[%add3A_84] : memref<40000xf32, #tpu.memory_space<vmem>>[vector<16xi32>], vector<16xf32>,
        %add3A_86 = arith.addi %mul3A_78, %broadcast_in_dim3A_3 : vector<16xi32>
        %mul3A_87 = arith.mulf %gather3A_85, %get3A_80 : vector<16xf32>
        tpu.vector_store_idx %arg9[%add3A_86], %mul3A_87 {add = true} : memref<40000xf32, #tpu.memory_space<vmem>>[vector<16xi32>], vector<16xf32>,
        %add3A_88 = arith.addi %mul3A_73, %broadcast_in_dim3A_5 : vector<16xi32>
        %gather3A_89 = tpu.vector_load_idx %arg8[%add3A_88] : memref<40000xf32, #tpu.memory_space<vmem>>[vector<16xi32>], vector<16xf32>,
        %add3A_90 = arith.addi %mul3A_78, %broadcast_in_dim3A_5 : vector<16xi32>
        %mul3A_91 = arith.mulf %gather3A_89, %get3A_80 : vector<16xf32>
        tpu.vector_store_idx %arg9[%add3A_90], %mul3A_91 {add = true} : memref<40000xf32, #tpu.memory_space<vmem>>[vector<16xi32>], vector<16xf32>,
        %add3A_92 = arith.addi %mul3A_73, %broadcast_in_dim3A_7 : vector<16xi32>
        %gather3A_93 = tpu.vector_load_idx %arg8[%add3A_92] : memref<40000xf32, #tpu.memory_space<vmem>>[vector<16xi32>], vector<16xf32>,
        %add3A_94 = arith.addi %mul3A_78, %broadcast_in_dim3A_7 : vector<16xi32>
        %mul3A_95 = arith.mulf %gather3A_93, %get3A_80 : vector<16xf32>
        tpu.vector_store_idx %arg9[%add3A_94], %mul3A_95 {add = true} : memref<40000xf32, #tpu.memory_space<vmem>>[vector<16xi32>], vector<16xf32>,
      }
      %scan3A_43 = arith.constant 500 : i32
      %add3A_44 = arith.constant 1 : i32
      %add3A_45 = arith.addi %mul3A_26, %add3A_44 : i32
      %mul3A_46 = arith.constant 8000 : i32
      %mul3A_47 = arith.muli %add3A_45, %mul3A_46 : i32
      %dma_wait3A_48 = tpu.memref_slice %arg3[%mul3A_47] : memref<320000xi32, #tpu.memory_space<hbm>> -> memref<8000xi32, #tpu.memory_space<hbm>>
      %dma_wait3A_49 = tpu.memref_slice %arg3[%mul3A_47] : memref<320000xi32, #tpu.memory_space<hbm>> -> memref<8000xi32, #tpu.memory_space<hbm>>
      tpu.wait_dma2 semaphore(%arg17 : memref<!tpu.dma_semaphore, #tpu.memory_space<semaphore_mem>>) src(%dma_wait3A_49 : memref<8000xi32, #tpu.memory_space<hbm>>) dst(%arg13 : memref<8000xi32, #tpu.memory_space<vmem>>)
      %dma_wait3A_50 = tpu.memref_slice %arg4[%mul3A_47] : memref<320000xi32, #tpu.memory_space<hbm>> -> memref<8000xi32, #tpu.memory_space<hbm>>
      %dma_wait3A_51 = tpu.memref_slice %arg4[%mul3A_47] : memref<320000xi32, #tpu.memory_space<hbm>> -> memref<8000xi32, #tpu.memory_space<hbm>>
      tpu.wait_dma2 semaphore(%arg17 : memref<!tpu.dma_semaphore, #tpu.memory_space<semaphore_mem>>) src(%dma_wait3A_51 : memref<8000xi32, #tpu.memory_space<hbm>>) dst(%arg14 : memref<8000xi32, #tpu.memory_space<vmem>>)
      %dma_wait3A_52 = tpu.memref_slice %arg5[%mul3A_47] : memref<320000xf32, #tpu.memory_space<hbm>> -> memref<8000xf32, #tpu.memory_space<hbm>>
      %dma_wait3A_53 = tpu.memref_slice %arg5[%mul3A_47] : memref<320000xf32, #tpu.memory_space<hbm>> -> memref<8000xf32, #tpu.memory_space<hbm>>
      tpu.wait_dma2 semaphore(%arg17 : memref<!tpu.dma_semaphore, #tpu.memory_space<semaphore_mem>>) src(%dma_wait3A_53 : memref<8000xf32, #tpu.memory_space<hbm>>) dst(%arg15 : memref<8000xf32, #tpu.memory_space<vmem>>)
      %add3A_54 = arith.constant 2 : i32
      %add3A_55 = arith.addi %mul3A_26, %add3A_54 : i32
      %lt3A_56 = arith.constant 40 : i32
      %lt3A_57 = arith.cmpi slt, %add3A_55, %lt3A_56 : i32
      %convert_element_type3A_58 = arith.extui %lt3A_57 : i1 to i32
      %cond3A_59 = arith.constant 0 : i32
      %cond3A_60 = arith.cmpi ne, %convert_element_type3A_58, %cond3A_59 : i32
      scf.if %cond3A_60 {
        %add3A_67 = arith.constant 2 : i32
        %add3A_68 = arith.addi %mul3A_26, %add3A_67 : i32
        %mul3A_69 = arith.constant 8000 : i32
        %mul3A_70 = arith.muli %add3A_68, %mul3A_69 : i32
        %dma_start3A_71 = tpu.memref_slice %arg3[%mul3A_70] : memref<320000xi32, #tpu.memory_space<hbm>> -> memref<8000xi32, #tpu.memory_space<hbm>>
        %dma_start3A_72 = tpu.memref_slice %arg3[%mul3A_70] : memref<320000xi32, #tpu.memory_space<hbm>> -> memref<8000xi32, #tpu.memory_space<hbm>>
        tpu.enqueue_dma source(%dma_start3A_72 : memref<8000xi32, #tpu.memory_space<hbm>>) target(%arg10 : memref<8000xi32, #tpu.memory_space<vmem>>) target_semaphore(%arg16 : memref<!tpu.dma_semaphore, #tpu.memory_space<semaphore_mem>>)
        %dma_start3A_73 = tpu.memref_slice %arg4[%mul3A_70] : memref<320000xi32, #tpu.memory_space<hbm>> -> memref<8000xi32, #tpu.memory_space<hbm>>
        %dma_start3A_74 = tpu.memref_slice %arg4[%mul3A_70] : memref<320000xi32, #tpu.memory_space<hbm>> -> memref<8000xi32, #tpu.memory_space<hbm>>
        tpu.enqueue_dma source(%dma_start3A_74 : memref<8000xi32, #tpu.memory_space<hbm>>) target(%arg11 : memref<8000xi32, #tpu.memory_space<vmem>>) target_semaphore(%arg16 : memref<!tpu.dma_semaphore, #tpu.memory_space<semaphore_mem>>)
        %dma_start3A_75 = tpu.memref_slice %arg5[%mul3A_70] : memref<320000xf32, #tpu.memory_space<hbm>> -> memref<8000xf32, #tpu.memory_space<hbm>>
        %dma_start3A_76 = tpu.memref_slice %arg5[%mul3A_70] : memref<320000xf32, #tpu.memory_space<hbm>> -> memref<8000xf32, #tpu.memory_space<hbm>>
        tpu.enqueue_dma source(%dma_start3A_76 : memref<8000xf32, #tpu.memory_space<hbm>>) target(%arg12 : memref<8000xf32, #tpu.memory_space<vmem>>) target_semaphore(%arg16 : memref<!tpu.dma_semaphore, #tpu.memory_space<semaphore_mem>>)
      } else {
      }
      %scan3A_61 = arith.constant 0 : i32
      %scan3A_62 = arith.constant 0 : i32
      %scan3A_63 = arith.constant 500 : i32
      %scan3A_64 = arith.addi %scan3A_62, %scan3A_63 : i32
      %scan3A_65 = arith.constant 1 : i32
      scf.for %scan3A_67 = %scan3A_62 to %scan3A_64 step %scan3A_65  : i32 {
        %mul3A_68 = arith.constant 16 : i32
        %mul3A_69 = arith.muli %scan3A_67, %mul3A_68 : i32
        %get3A = arith.index_cast %mul3A_69 : i32 to index
        %get3A_70 = tpu.vector_load %arg13[%get3A] {strides = array<i32>} : memref<8000xi32, #tpu.memory_space<vmem>>, vector<16xi32>,
        %mul3A_71 = arith.constant 4 : i32
        %mul3A_72 = vector.broadcast %mul3A_71 : i32 to vector<16xi32>
        %mul3A_73 = arith.muli %get3A_70, %mul3A_72 : vector<16xi32>
        %get3A_74 = arith.index_cast %mul3A_69 : i32 to index
        %get3A_75 = tpu.vector_load %arg14[%get3A_74] {strides = array<i32>} : memref<8000xi32, #tpu.memory_space<vmem>>, vector<16xi32>,
        %mul3A_76 = arith.constant 4 : i32
        %mul3A_77 = vector.broadcast %mul3A_76 : i32 to vector<16xi32>
        %mul3A_78 = arith.muli %get3A_75, %mul3A_77 : vector<16xi32>
        %get3A_79 = arith.index_cast %mul3A_69 : i32 to index
        %get3A_80 = tpu.vector_load %arg15[%get3A_79] {strides = array<i32>} : memref<8000xf32, #tpu.memory_space<vmem>>, vector<16xf32>,
        %add3A_81 = arith.addi %mul3A_73, %broadcast_in_dim3A_1 : vector<16xi32>
        %gather3A = tpu.vector_load_idx %arg8[%add3A_81] : memref<40000xf32, #tpu.memory_space<vmem>>[vector<16xi32>], vector<16xf32>,
        %add3A_82 = arith.addi %mul3A_78, %broadcast_in_dim3A_1 : vector<16xi32>
        %mul3A_83 = arith.mulf %gather3A, %get3A_80 : vector<16xf32>
        tpu.vector_store_idx %arg9[%add3A_82], %mul3A_83 {add = true} : memref<40000xf32, #tpu.memory_space<vmem>>[vector<16xi32>], vector<16xf32>,
        %add3A_84 = arith.addi %mul3A_73, %broadcast_in_dim3A_3 : vector<16xi32>
        %gather3A_85 = tpu.vector_load_idx %arg8[%add3A_84] : memref<40000xf32, #tpu.memory_space<vmem>>[vector<16xi32>], vector<16xf32>,
        %add3A_86 = arith.addi %mul3A_78, %broadcast_in_dim3A_3 : vector<16xi32>
        %mul3A_87 = arith.mulf %gather3A_85, %get3A_80 : vector<16xf32>
        tpu.vector_store_idx %arg9[%add3A_86], %mul3A_87 {add = true} : memref<40000xf32, #tpu.memory_space<vmem>>[vector<16xi32>], vector<16xf32>,
        %add3A_88 = arith.addi %mul3A_73, %broadcast_in_dim3A_5 : vector<16xi32>
        %gather3A_89 = tpu.vector_load_idx %arg8[%add3A_88] : memref<40000xf32, #tpu.memory_space<vmem>>[vector<16xi32>], vector<16xf32>,
        %add3A_90 = arith.addi %mul3A_78, %broadcast_in_dim3A_5 : vector<16xi32>
        %mul3A_91 = arith.mulf %gather3A_89, %get3A_80 : vector<16xf32>
        tpu.vector_store_idx %arg9[%add3A_90], %mul3A_91 {add = true} : memref<40000xf32, #tpu.memory_space<vmem>>[vector<16xi32>], vector<16xf32>,
        %add3A_92 = arith.addi %mul3A_73, %broadcast_in_dim3A_7 : vector<16xi32>
        %gather3A_93 = tpu.vector_load_idx %arg8[%add3A_92] : memref<40000xf32, #tpu.memory_space<vmem>>[vector<16xi32>], vector<16xf32>,
        %add3A_94 = arith.addi %mul3A_78, %broadcast_in_dim3A_7 : vector<16xi32>
        %mul3A_95 = arith.mulf %gather3A_93, %get3A_80 : vector<16xf32>
        tpu.vector_store_idx %arg9[%add3A_94], %mul3A_95 {add = true} : memref<40000xf32, #tpu.memory_space<vmem>>[vector<16xi32>], vector<16xf32>,
      }
      %scan3A_66 = arith.constant 500 : i32
    }
    %scan3A_23 = arith.constant 20 : i32
    "tpu.region"() ({
      %run_scoped3A = tpu.sem_alloc : memref<!tpu.dma_semaphore, #tpu.memory_space<semaphore_mem>>
      %dma_start3A_24 = arith.constant 0 : i32
      %dma_start3A_25 = tpu.memref_slice %arg7[%add3A, %dma_start3A_24] : memref<32x40000xf32, #tpu.memory_space<hbm>> -> memref<1x40000xf32, #tpu.memory_space<hbm>>
      %dma_start3A_26 = tpu.memref_squeeze %dma_start3A_25 : memref<1x40000xf32, #tpu.memory_space<hbm>> -> memref<40000xf32, #tpu.memory_space<hbm>>
      %dma_start3A_27 = arith.constant 0 : i32
      %dma_start3A_28 = tpu.memref_slice %arg7[%add3A, %dma_start3A_27] : memref<32x40000xf32, #tpu.memory_space<hbm>> -> memref<1x40000xf32, #tpu.memory_space<hbm>>
      %dma_start3A_29 = tpu.memref_squeeze %dma_start3A_28 : memref<1x40000xf32, #tpu.memory_space<hbm>> -> memref<40000xf32, #tpu.memory_space<hbm>>
      tpu.enqueue_dma source(%arg9 : memref<40000xf32, #tpu.memory_space<vmem>>) target(%dma_start3A_29 : memref<40000xf32, #tpu.memory_space<hbm>>) target_semaphore(%run_scoped3A : memref<!tpu.dma_semaphore, #tpu.memory_space<semaphore_mem>>)
      %dma_wait3A = arith.constant 0 : i32
      %dma_wait3A_30 = tpu.memref_slice %arg7[%add3A, %dma_wait3A] : memref<32x40000xf32, #tpu.memory_space<hbm>> -> memref<1x40000xf32, #tpu.memory_space<hbm>>
      %dma_wait3A_31 = tpu.memref_squeeze %dma_wait3A_30 : memref<1x40000xf32, #tpu.memory_space<hbm>> -> memref<40000xf32, #tpu.memory_space<hbm>>
      %dma_wait3A_32 = arith.constant 0 : i32
      %dma_wait3A_33 = tpu.memref_slice %arg7[%add3A, %dma_wait3A_32] : memref<32x40000xf32, #tpu.memory_space<hbm>> -> memref<1x40000xf32, #tpu.memory_space<hbm>>
      %dma_wait3A_34 = tpu.memref_squeeze %dma_wait3A_33 : memref<1x40000xf32, #tpu.memory_space<hbm>> -> memref<40000xf32, #tpu.memory_space<hbm>>
      tpu.wait_dma2 semaphore(%run_scoped3A : memref<!tpu.dma_semaphore, #tpu.memory_space<semaphore_mem>>) src(%arg9 : memref<40000xf32, #tpu.memory_space<vmem>>) dst(%dma_wait3A_34 : memref<40000xf32, #tpu.memory_space<hbm>>)
      tpu.yield
    }) : () -> ()
    return
  }
}

#map = affine_map<(d0, d1) -> (0)>
#map1 = affine_map<(d0, d1) -> (0, 0)>
module attributes {stable_mosaic.version = 14 : i64} {
  func.func @_sc_degree3(%arg0: i32, %arg1: i32, %arg2: memref<320000xi32, #tpu.memory_space<hbm>>, %arg3: memref<10000xf32, #tpu.memory_space<hbm>>, %arg4: memref<32x10000xf32, #tpu.memory_space<hbm>>, %arg5: memref<10000xi32, #tpu.memory_space<vmem>>, %arg6: memref<10000xf32, #tpu.memory_space<vmem>>) attributes {dimension_semantics = [#tpu.dimension_semantics<core_parallel>, #tpu.dimension_semantics<subcore_parallel>], iteration_bounds = array<i64: 2, 16>, scalar_prefetch = 0 : i64, scratch_operands = 2 : i64, tpu.core_type = #tpu.core_type<sc_vector_subcore>, window_params = [{transform_indices = #map}, {transform_indices = #map}, {transform_indices = #map1}]} {
    %mul3A = arith.constant 2 : i32
    %mul3A_0 = arith.muli %arg1, %mul3A : i32
    %add3A = arith.addi %mul3A_0, %arg0 : i32
    %mul3A_1 = arith.constant 10000 : i32
    %mul3A_2 = arith.muli %add3A, %mul3A_1 : i32
    "tpu.region"() ({
      %run_scoped3A = tpu.sem_alloc : memref<!tpu.dma_semaphore, #tpu.memory_space<semaphore_mem>>
      %dma_start3A = tpu.memref_slice %arg2[%mul3A_2] : memref<320000xi32, #tpu.memory_space<hbm>> -> memref<10000xi32, #tpu.memory_space<hbm>>
      %dma_start3A_9 = tpu.memref_slice %arg2[%mul3A_2] : memref<320000xi32, #tpu.memory_space<hbm>> -> memref<10000xi32, #tpu.memory_space<hbm>>
      tpu.enqueue_dma source(%dma_start3A_9 : memref<10000xi32, #tpu.memory_space<hbm>>) target(%arg5 : memref<10000xi32, #tpu.memory_space<vmem>>) target_semaphore(%run_scoped3A : memref<!tpu.dma_semaphore, #tpu.memory_space<semaphore_mem>>)
      %dma_wait3A = tpu.memref_slice %arg2[%mul3A_2] : memref<320000xi32, #tpu.memory_space<hbm>> -> memref<10000xi32, #tpu.memory_space<hbm>>
      %dma_wait3A_10 = tpu.memref_slice %arg2[%mul3A_2] : memref<320000xi32, #tpu.memory_space<hbm>> -> memref<10000xi32, #tpu.memory_space<hbm>>
      tpu.wait_dma2 semaphore(%run_scoped3A : memref<!tpu.dma_semaphore, #tpu.memory_space<semaphore_mem>>) src(%dma_wait3A_10 : memref<10000xi32, #tpu.memory_space<hbm>>) dst(%arg5 : memref<10000xi32, #tpu.memory_space<vmem>>)
      tpu.yield
    }) : () -> ()
    "tpu.region"() ({
      %run_scoped3A = tpu.sem_alloc : memref<!tpu.dma_semaphore, #tpu.memory_space<semaphore_mem>>
      tpu.enqueue_dma source(%arg3 : memref<10000xf32, #tpu.memory_space<hbm>>) target(%arg6 : memref<10000xf32, #tpu.memory_space<vmem>>) target_semaphore(%run_scoped3A : memref<!tpu.dma_semaphore, #tpu.memory_space<semaphore_mem>>)
      tpu.wait_dma2 semaphore(%run_scoped3A : memref<!tpu.dma_semaphore, #tpu.memory_space<semaphore_mem>>) src(%arg3 : memref<10000xf32, #tpu.memory_space<hbm>>) dst(%arg6 : memref<10000xf32, #tpu.memory_space<vmem>>)
      tpu.yield
    }) : () -> ()
    %broadcast_in_dim3A = arith.constant 1.000000e+00 : f32
    %broadcast_in_dim3A_3 = vector.broadcast %broadcast_in_dim3A : f32 to vector<16xf32>
    %scan3A = arith.constant 0 : i32
    %scan3A_4 = arith.constant 0 : i32
    %scan3A_5 = arith.constant 625 : i32
    %scan3A_6 = arith.addi %scan3A_4, %scan3A_5 : i32
    %scan3A_7 = arith.constant 1 : i32
    scf.for %scan3A_9 = %scan3A_4 to %scan3A_6 step %scan3A_7  : i32 {
      %mul3A_10 = arith.constant 16 : i32
      %mul3A_11 = arith.muli %scan3A_9, %mul3A_10 : i32
      %get3A = arith.index_cast %mul3A_11 : i32 to index
      %get3A_12 = tpu.vector_load %arg5[%get3A] {strides = array<i32>} : memref<10000xi32, #tpu.memory_space<vmem>>, vector<16xi32>,
      tpu.vector_store_idx %arg6[%get3A_12], %broadcast_in_dim3A_3 {add = true} : memref<10000xf32, #tpu.memory_space<vmem>>[vector<16xi32>], vector<16xf32>,
    }
    %scan3A_8 = arith.constant 625 : i32
    "tpu.region"() ({
      %run_scoped3A = tpu.sem_alloc : memref<!tpu.dma_semaphore, #tpu.memory_space<semaphore_mem>>
      %dma_start3A = arith.constant 0 : i32
      %dma_start3A_9 = tpu.memref_slice %arg4[%add3A, %dma_start3A] : memref<32x10000xf32, #tpu.memory_space<hbm>> -> memref<1x10000xf32, #tpu.memory_space<hbm>>
      %dma_start3A_10 = tpu.memref_squeeze %dma_start3A_9 : memref<1x10000xf32, #tpu.memory_space<hbm>> -> memref<10000xf32, #tpu.memory_space<hbm>>
      %dma_start3A_11 = arith.constant 0 : i32
      %dma_start3A_12 = tpu.memref_slice %arg4[%add3A, %dma_start3A_11] : memref<32x10000xf32, #tpu.memory_space<hbm>> -> memref<1x10000xf32, #tpu.memory_space<hbm>>
      %dma_start3A_13 = tpu.memref_squeeze %dma_start3A_12 : memref<1x10000xf32, #tpu.memory_space<hbm>> -> memref<10000xf32, #tpu.memory_space<hbm>>
      tpu.enqueue_dma source(%arg6 : memref<10000xf32, #tpu.memory_space<vmem>>) target(%dma_start3A_13 : memref<10000xf32, #tpu.memory_space<hbm>>) target_semaphore(%run_scoped3A : memref<!tpu.dma_semaphore, #tpu.memory_space<semaphore_mem>>)
      %dma_wait3A = arith.constant 0 : i32
      %dma_wait3A_14 = tpu.memref_slice %arg4[%add3A, %dma_wait3A] : memref<32x10000xf32, #tpu.memory_space<hbm>> -> memref<1x10000xf32, #tpu.memory_space<hbm>>
      %dma_wait3A_15 = tpu.memref_squeeze %dma_wait3A_14 : memref<1x10000xf32, #tpu.memory_space<hbm>> -> memref<10000xf32, #tpu.memory_space<hbm>>
      %dma_wait3A_16 = arith.constant 0 : i32
      %dma_wait3A_17 = tpu.memref_slice %arg4[%add3A, %dma_wait3A_16] : memref<32x10000xf32, #tpu.memory_space<hbm>> -> memref<1x10000xf32, #tpu.memory_space<hbm>>
      %dma_wait3A_18 = tpu.memref_squeeze %dma_wait3A_17 : memref<1x10000xf32, #tpu.memory_space<hbm>> -> memref<10000xf32, #tpu.memory_space<hbm>>
      tpu.wait_dma2 semaphore(%run_scoped3A : memref<!tpu.dma_semaphore, #tpu.memory_space<semaphore_mem>>) src(%arg6 : memref<10000xf32, #tpu.memory_space<vmem>>) dst(%dma_wait3A_18 : memref<10000xf32, #tpu.memory_space<hbm>>)
      tpu.yield
    }) : () -> ()
    return
  }
}

#map = affine_map<(d0, d1) -> (0)>
module attributes {stable_mosaic.version = 14 : i64} {
  func.func @_sc_edge_w(%arg0: i32, %arg1: i32, %arg2: memref<320000xi32, #tpu.memory_space<hbm>>, %arg3: memref<320000xi32, #tpu.memory_space<hbm>>, %arg4: memref<320000xf32, #tpu.memory_space<hbm>>, %arg5: memref<10000xf32, #tpu.memory_space<hbm>>, %arg6: memref<320000xf32, #tpu.memory_space<hbm>>, %arg7: memref<10000xf32, #tpu.memory_space<vmem>>, %arg8: memref<10000xi32, #tpu.memory_space<vmem>>, %arg9: memref<10000xi32, #tpu.memory_space<vmem>>, %arg10: memref<10000xf32, #tpu.memory_space<vmem>>, %arg11: memref<10000xf32, #tpu.memory_space<vmem>>) attributes {dimension_semantics = [#tpu.dimension_semantics<core_parallel>, #tpu.dimension_semantics<subcore_parallel>], iteration_bounds = array<i64: 2, 16>, scalar_prefetch = 0 : i64, scratch_operands = 5 : i64, tpu.core_type = #tpu.core_type<sc_vector_subcore>, window_params = [{transform_indices = #map}, {transform_indices = #map}, {transform_indices = #map}, {transform_indices = #map}, {transform_indices = #map}]} {
    %mul3A = arith.constant 2 : i32
    %mul3A_0 = arith.muli %arg1, %mul3A : i32
    %add3A = arith.addi %mul3A_0, %arg0 : i32
    "tpu.region"() ({
      %run_scoped3A = tpu.sem_alloc : memref<!tpu.dma_semaphore, #tpu.memory_space<semaphore_mem>>
      tpu.enqueue_dma source(%arg5 : memref<10000xf32, #tpu.memory_space<hbm>>) target(%arg7 : memref<10000xf32, #tpu.memory_space<vmem>>) target_semaphore(%run_scoped3A : memref<!tpu.dma_semaphore, #tpu.memory_space<semaphore_mem>>)
      tpu.wait_dma2 semaphore(%run_scoped3A : memref<!tpu.dma_semaphore, #tpu.memory_space<semaphore_mem>>) src(%arg5 : memref<10000xf32, #tpu.memory_space<hbm>>) dst(%arg7 : memref<10000xf32, #tpu.memory_space<vmem>>)
      tpu.yield
    }) : () -> ()
    %mul3A_1 = arith.constant 10000 : i32
    %mul3A_2 = arith.muli %add3A, %mul3A_1 : i32
    "tpu.region"() ({
      %run_scoped3A = tpu.sem_alloc : memref<!tpu.dma_semaphore, #tpu.memory_space<semaphore_mem>>
      %dma_start3A = tpu.memref_slice %arg2[%mul3A_2] : memref<320000xi32, #tpu.memory_space<hbm>> -> memref<10000xi32, #tpu.memory_space<hbm>>
      %dma_start3A_14 = tpu.memref_slice %arg2[%mul3A_2] : memref<320000xi32, #tpu.memory_space<hbm>> -> memref<10000xi32, #tpu.memory_space<hbm>>
      tpu.enqueue_dma source(%dma_start3A_14 : memref<10000xi32, #tpu.memory_space<hbm>>) target(%arg8 : memref<10000xi32, #tpu.memory_space<vmem>>) target_semaphore(%run_scoped3A : memref<!tpu.dma_semaphore, #tpu.memory_space<semaphore_mem>>)
      %dma_wait3A = tpu.memref_slice %arg2[%mul3A_2] : memref<320000xi32, #tpu.memory_space<hbm>> -> memref<10000xi32, #tpu.memory_space<hbm>>
      %dma_wait3A_15 = tpu.memref_slice %arg2[%mul3A_2] : memref<320000xi32, #tpu.memory_space<hbm>> -> memref<10000xi32, #tpu.memory_space<hbm>>
      tpu.wait_dma2 semaphore(%run_scoped3A : memref<!tpu.dma_semaphore, #tpu.memory_space<semaphore_mem>>) src(%dma_wait3A_15 : memref<10000xi32, #tpu.memory_space<hbm>>) dst(%arg8 : memref<10000xi32, #tpu.memory_space<vmem>>)
      tpu.yield
    }) : () -> ()
    %mul3A_3 = arith.constant 10000 : i32
    %mul3A_4 = arith.muli %add3A, %mul3A_3 : i32
    "tpu.region"() ({
      %run_scoped3A = tpu.sem_alloc : memref<!tpu.dma_semaphore, #tpu.memory_space<semaphore_mem>>
      %dma_start3A = tpu.memref_slice %arg3[%mul3A_4] : memref<320000xi32, #tpu.memory_space<hbm>> -> memref<10000xi32, #tpu.memory_space<hbm>>
      %dma_start3A_14 = tpu.memref_slice %arg3[%mul3A_4] : memref<320000xi32, #tpu.memory_space<hbm>> -> memref<10000xi32, #tpu.memory_space<hbm>>
      tpu.enqueue_dma source(%dma_start3A_14 : memref<10000xi32, #tpu.memory_space<hbm>>) target(%arg9 : memref<10000xi32, #tpu.memory_space<vmem>>) target_semaphore(%run_scoped3A : memref<!tpu.dma_semaphore, #tpu.memory_space<semaphore_mem>>)
      %dma_wait3A = tpu.memref_slice %arg3[%mul3A_4] : memref<320000xi32, #tpu.memory_space<hbm>> -> memref<10000xi32, #tpu.memory_space<hbm>>
      %dma_wait3A_15 = tpu.memref_slice %arg3[%mul3A_4] : memref<320000xi32, #tpu.memory_space<hbm>> -> memref<10000xi32, #tpu.memory_space<hbm>>
      tpu.wait_dma2 semaphore(%run_scoped3A : memref<!tpu.dma_semaphore, #tpu.memory_space<semaphore_mem>>) src(%dma_wait3A_15 : memref<10000xi32, #tpu.memory_space<hbm>>) dst(%arg9 : memref<10000xi32, #tpu.memory_space<vmem>>)
      tpu.yield
    }) : () -> ()
    %mul3A_5 = arith.constant 10000 : i32
    %mul3A_6 = arith.muli %add3A, %mul3A_5 : i32
    "tpu.region"() ({
      %run_scoped3A = tpu.sem_alloc : memref<!tpu.dma_semaphore, #tpu.memory_space<semaphore_mem>>
      %dma_start3A = tpu.memref_slice %arg4[%mul3A_6] : memref<320000xf32, #tpu.memory_space<hbm>> -> memref<10000xf32, #tpu.memory_space<hbm>>
      %dma_start3A_14 = tpu.memref_slice %arg4[%mul3A_6] : memref<320000xf32, #tpu.memory_space<hbm>> -> memref<10000xf32, #tpu.memory_space<hbm>>
      tpu.enqueue_dma source(%dma_start3A_14 : memref<10000xf32, #tpu.memory_space<hbm>>) target(%arg10 : memref<10000xf32, #tpu.memory_space<vmem>>) target_semaphore(%run_scoped3A : memref<!tpu.dma_semaphore, #tpu.memory_space<semaphore_mem>>)
      %dma_wait3A = tpu.memref_slice %arg4[%mul3A_6] : memref<320000xf32, #tpu.memory_space<hbm>> -> memref<10000xf32, #tpu.memory_space<hbm>>
      %dma_wait3A_15 = tpu.memref_slice %arg4[%mul3A_6] : memref<320000xf32, #tpu.memory_space<hbm>> -> memref<10000xf32, #tpu.memory_space<hbm>>
      tpu.wait_dma2 semaphore(%run_scoped3A : memref<!tpu.dma_semaphore, #tpu.memory_space<semaphore_mem>>) src(%dma_wait3A_15 : memref<10000xf32, #tpu.memory_space<hbm>>) dst(%arg10 : memref<10000xf32, #tpu.memory_space<vmem>>)
      tpu.yield
    }) : () -> ()
    %scan3A = arith.constant 0 : i32
    %scan3A_7 = arith.constant 0 : i32
    %scan3A_8 = arith.constant 625 : i32
    %scan3A_9 = arith.addi %scan3A_7, %scan3A_8 : i32
    %scan3A_10 = arith.constant 1 : i32
    scf.for %scan3A_14 = %scan3A_7 to %scan3A_9 step %scan3A_10  : i32 {
      %mul3A_15 = arith.constant 16 : i32
      %mul3A_16 = arith.muli %scan3A_14, %mul3A_15 : i32
      %get3A = arith.index_cast %mul3A_16 : i32 to index
      %get3A_17 = tpu.vector_load %arg8[%get3A] {strides = array<i32>} : memref<10000xi32, #tpu.memory_space<vmem>>, vector<16xi32>,
      %gather3A = tpu.vector_load_idx %arg7[%get3A_17] : memref<10000xf32, #tpu.memory_space<vmem>>[vector<16xi32>], vector<16xf32>,
      %get3A_18 = arith.index_cast %mul3A_16 : i32 to index
      %get3A_19 = tpu.vector_load %arg9[%get3A_18] {strides = array<i32>} : memref<10000xi32, #tpu.memory_space<vmem>>, vector<16xi32>,
      %gather3A_20 = tpu.vector_load_idx %arg7[%get3A_19] : memref<10000xf32, #tpu.memory_space<vmem>>[vector<16xi32>], vector<16xf32>,
      %get3A_21 = arith.index_cast %mul3A_16 : i32 to index
      %get3A_22 = tpu.vector_load %arg10[%get3A_21] {strides = array<i32>} : memref<10000xf32, #tpu.memory_space<vmem>>, vector<16xf32>,
      %mul3A_23 = arith.mulf %gather3A, %gather3A_20 : vector<16xf32>
      %mul3A_24 = arith.mulf %get3A_22, %mul3A_23 : vector<16xf32>
      %swap3A = arith.index_cast %mul3A_16 : i32 to index
      %swap3A_25 = tpu.vector_load %arg11[%swap3A] {strides = array<i32>} : memref<10000xf32, #tpu.memory_space<vmem>>, vector<16xf32>,
      tpu.vector_store %arg11[%swap3A], %mul3A_24 {strides = array<i32>} : memref<10000xf32, #tpu.memory_space<vmem>>, vector<16xf32>,
    }
    %scan3A_11 = arith.constant 625 : i32
    %mul3A_12 = arith.constant 10000 : i32
    %mul3A_13 = arith.muli %add3A, %mul3A_12 : i32
    "tpu.region"() ({
      %run_scoped3A = tpu.sem_alloc : memref<!tpu.dma_semaphore, #tpu.memory_space<semaphore_mem>>
      %dma_start3A = tpu.memref_slice %arg6[%mul3A_13] : memref<320000xf32, #tpu.memory_space<hbm>> -> memref<10000xf32, #tpu.memory_space<hbm>>
      %dma_start3A_14 = tpu.memref_slice %arg6[%mul3A_13] : memref<320000xf32, #tpu.memory_space<hbm>> -> memref<10000xf32, #tpu.memory_space<hbm>>
      tpu.enqueue_dma source(%arg11 : memref<10000xf32, #tpu.memory_space<vmem>>) target(%dma_start3A_14 : memref<10000xf32, #tpu.memory_space<hbm>>) target_semaphore(%run_scoped3A : memref<!tpu.dma_semaphore, #tpu.memory_space<semaphore_mem>>)
      %dma_wait3A = tpu.memref_slice %arg6[%mul3A_13] : memref<320000xf32, #tpu.memory_space<hbm>> -> memref<10000xf32, #tpu.memory_space<hbm>>
      %dma_wait3A_15 = tpu.memref_slice %arg6[%mul3A_13] : memref<320000xf32, #tpu.memory_space<hbm>> -> memref<10000xf32, #tpu.memory_space<hbm>>
      tpu.wait_dma2 semaphore(%run_scoped3A : memref<!tpu.dma_semaphore, #tpu.memory_space<semaphore_mem>>) src(%arg11 : memref<10000xf32, #tpu.memory_space<vmem>>) dst(%dma_wait3A_15 : memref<10000xf32, #tpu.memory_space<hbm>>)
      tpu.yield
    }) : () -> ()
    return
  }
}

#map = affine_map<(d0, d1) -> (0, 0)>
#map1 = affine_map<(d0, d1) -> (0)>
module attributes {stable_mosaic.version = 14 : i64} {
  func.func @_sc_aggregate_cs(%arg0: i32, %arg1: i32, %arg2: memref<32x40000xf32, #tpu.memory_space<hbm>>, %arg3: memref<320000xi32, #tpu.memory_space<hbm>>, %arg4: memref<320000xi32, #tpu.memory_space<hbm>>, %arg5: memref<320000xf32, #tpu.memory_space<hbm>>, %arg6: memref<40000xf32, #tpu.memory_space<hbm>>, %arg7: memref<32x40000xf32, #tpu.memory_space<hbm>>, %arg8: memref<40000xf32, #tpu.memory_space<vmem>>, %arg9: memref<40000xf32, #tpu.memory_space<vmem>>, %arg10: memref<8000xi32, #tpu.memory_space<vmem>>, %arg11: memref<8000xi32, #tpu.memory_space<vmem>>, %arg12: memref<8000xf32, #tpu.memory_space<vmem>>, %arg13: memref<8000xi32, #tpu.memory_space<vmem>>, %arg14: memref<8000xi32, #tpu.memory_space<vmem>>, %arg15: memref<8000xf32, #tpu.memory_space<vmem>>, %arg16: memref<!tpu.dma_semaphore, #tpu.memory_space<semaphore_mem>>, %arg17: memref<!tpu.dma_semaphore, #tpu.memory_space<semaphore_mem>>) attributes {dimension_semantics = [#tpu.dimension_semantics<core_parallel>, #tpu.dimension_semantics<subcore_parallel>], iteration_bounds = array<i64: 2, 16>, scalar_prefetch = 0 : i64, scratch_operands = 10 : i64, tpu.core_type = #tpu.core_type<sc_vector_subcore>, window_params = [{transform_indices = #map}, {transform_indices = #map1}, {transform_indices = #map1}, {transform_indices = #map1}, {transform_indices = #map1}, {transform_indices = #map}]} {
    %mul3A = arith.constant 2 : i32
    %mul3A_0 = arith.muli %arg1, %mul3A : i32
    %add3A = arith.addi %mul3A_0, %arg0 : i32
    "tpu.region"() ({
      %run_scoped3A = tpu.sem_alloc : memref<!tpu.dma_semaphore, #tpu.memory_space<semaphore_mem>>
      %dma_start3A_24 = arith.constant 0 : i32
      %dma_start3A_25 = tpu.memref_slice %arg2[%add3A, %dma_start3A_24] : memref<32x40000xf32, #tpu.memory_space<hbm>> -> memref<1x40000xf32, #tpu.memory_space<hbm>>
      %dma_start3A_26 = tpu.memref_squeeze %dma_start3A_25 : memref<1x40000xf32, #tpu.memory_space<hbm>> -> memref<40000xf32, #tpu.memory_space<hbm>>
      %dma_start3A_27 = arith.constant 0 : i32
      %dma_start3A_28 = tpu.memref_slice %arg2[%add3A, %dma_start3A_27] : memref<32x40000xf32, #tpu.memory_space<hbm>> -> memref<1x40000xf32, #tpu.memory_space<hbm>>
      %dma_start3A_29 = tpu.memref_squeeze %dma_start3A_28 : memref<1x40000xf32, #tpu.memory_space<hbm>> -> memref<40000xf32, #tpu.memory_space<hbm>>
      tpu.enqueue_dma source(%dma_start3A_29 : memref<40000xf32, #tpu.memory_space<hbm>>) target(%arg8 : memref<40000xf32, #tpu.memory_space<vmem>>) target_semaphore(%run_scoped3A : memref<!tpu.dma_semaphore, #tpu.memory_space<semaphore_mem>>)
      %dma_wait3A = arith.constant 0 : i32
      %dma_wait3A_30 = tpu.memref_slice %arg2[%add3A, %dma_wait3A] : memref<32x40000xf32, #tpu.memory_space<hbm>> -> memref<1x40000xf32, #tpu.memory_space<hbm>>
      %dma_wait3A_31 = tpu.memref_squeeze %dma_wait3A_30 : memref<1x40000xf32, #tpu.memory_space<hbm>> -> memref<40000xf32, #tpu.memory_space<hbm>>
      %dma_wait3A_32 = arith.constant 0 : i32
      %dma_wait3A_33 = tpu.memref_slice %arg2[%add3A, %dma_wait3A_32] : memref<32x40000xf32, #tpu.memory_space<hbm>> -> memref<1x40000xf32, #tpu.memory_space<hbm>>
      %dma_wait3A_34 = tpu.memref_squeeze %dma_wait3A_33 : memref<1x40000xf32, #tpu.memory_space<hbm>> -> memref<40000xf32, #tpu.memory_space<hbm>>
      tpu.wait_dma2 semaphore(%run_scoped3A : memref<!tpu.dma_semaphore, #tpu.memory_space<semaphore_mem>>) src(%dma_wait3A_34 : memref<40000xf32, #tpu.memory_space<hbm>>) dst(%arg8 : memref<40000xf32, #tpu.memory_space<vmem>>)
      tpu.yield
    }) : () -> ()
    "tpu.region"() ({
      %run_scoped3A = tpu.sem_alloc : memref<!tpu.dma_semaphore, #tpu.memory_space<semaphore_mem>>
      tpu.enqueue_dma source(%arg6 : memref<40000xf32, #tpu.memory_space<hbm>>) target(%arg9 : memref<40000xf32, #tpu.memory_space<vmem>>) target_semaphore(%run_scoped3A : memref<!tpu.dma_semaphore, #tpu.memory_space<semaphore_mem>>)
      tpu.wait_dma2 semaphore(%run_scoped3A : memref<!tpu.dma_semaphore, #tpu.memory_space<semaphore_mem>>) src(%arg6 : memref<40000xf32, #tpu.memory_space<hbm>>) dst(%arg9 : memref<40000xf32, #tpu.memory_space<vmem>>)
      tpu.yield
    }) : () -> ()
    %broadcast_in_dim3A = arith.constant 0 : i32
    %broadcast_in_dim3A_1 = vector.broadcast %broadcast_in_dim3A : i32 to vector<16xi32>
    %broadcast_in_dim3A_2 = arith.constant 1 : i32
    %broadcast_in_dim3A_3 = vector.broadcast %broadcast_in_dim3A_2 : i32 to vector<16xi32>
    %broadcast_in_dim3A_4 = arith.constant 2 : i32
    %broadcast_in_dim3A_5 = vector.broadcast %broadcast_in_dim3A_4 : i32 to vector<16xi32>
    %broadcast_in_dim3A_6 = arith.constant 3 : i32
    %broadcast_in_dim3A_7 = vector.broadcast %broadcast_in_dim3A_6 : i32 to vector<16xi32>
    %dma_start3A = arith.constant 0 : i32
    %dma_start3A_8 = tpu.memref_slice %arg3[%dma_start3A] : memref<320000xi32, #tpu.memory_space<hbm>> -> memref<8000xi32, #tpu.memory_space<hbm>>
    %dma_start3A_9 = arith.constant 0 : i32
    %dma_start3A_10 = tpu.memref_slice %arg3[%dma_start3A_9] : memref<320000xi32, #tpu.memory_space<hbm>> -> memref<8000xi32, #tpu.memory_space<hbm>>
    tpu.enqueue_dma source(%dma_start3A_10 : memref<8000xi32, #tpu.memory_space<hbm>>) target(%arg10 : memref<8000xi32, #tpu.memory_space<vmem>>) target_semaphore(%arg16 : memref<!tpu.dma_semaphore, #tpu.memory_space<semaphore_mem>>)
    %dma_start3A_11 = arith.constant 0 : i32
    %dma_start3A_12 = tpu.memref_slice %arg4[%dma_start3A_11] : memref<320000xi32, #tpu.memory_space<hbm>> -> memref<8000xi32, #tpu.memory_space<hbm>>
    %dma_start3A_13 = arith.constant 0 : i32
    %dma_start3A_14 = tpu.memref_slice %arg4[%dma_start3A_13] : memref<320000xi32, #tpu.memory_space<hbm>> -> memref<8000xi32, #tpu.memory_space<hbm>>
    tpu.enqueue_dma source(%dma_start3A_14 : memref<8000xi32, #tpu.memory_space<hbm>>) target(%arg11 : memref<8000xi32, #tpu.memory_space<vmem>>) target_semaphore(%arg16 : memref<!tpu.dma_semaphore, #tpu.memory_space<semaphore_mem>>)
    %dma_start3A_15 = arith.constant 0 : i32
    %dma_start3A_16 = tpu.memref_slice %arg5[%dma_start3A_15] : memref<320000xf32, #tpu.memory_space<hbm>> -> memref<8000xf32, #tpu.memory_space<hbm>>
    %dma_start3A_17 = arith.constant 0 : i32
    %dma_start3A_18 = tpu.memref_slice %arg5[%dma_start3A_17] : memref<320000xf32, #tpu.memory_space<hbm>> -> memref<8000xf32, #tpu.memory_space<hbm>>
    tpu.enqueue_dma source(%dma_start3A_18 : memref<8000xf32, #tpu.memory_space<hbm>>) target(%arg12 : memref<8000xf32, #tpu.memory_space<vmem>>) target_semaphore(%arg16 : memref<!tpu.dma_semaphore, #tpu.memory_space<semaphore_mem>>)
    %scan3A = arith.constant 0 : i32
    %scan3A_19 = arith.constant 0 : i32
    %scan3A_20 = arith.constant 20 : i32
    %scan3A_21 = arith.addi %scan3A_19, %scan3A_20 : i32
    %scan3A_22 = arith.constant 1 : i32
    scf.for %scan3A_24 = %scan3A_19 to %scan3A_21 step %scan3A_22  : i32 {
      %mul3A_25 = arith.constant 2 : i32
      %mul3A_26 = arith.muli %scan3A_24, %mul3A_25 : i32
      %mul3A_27 = arith.constant 8000 : i32
      %mul3A_28 = arith.muli %mul3A_26, %mul3A_27 : i32
      %dma_wait3A = tpu.memref_slice %arg3[%mul3A_28] : memref<320000xi32, #tpu.memory_space<hbm>> -> memref<8000xi32, #tpu.memory_space<hbm>>
      %dma_wait3A_29 = tpu.memref_slice %arg3[%mul3A_28] : memref<320000xi32, #tpu.memory_space<hbm>> -> memref<8000xi32, #tpu.memory_space<hbm>>
      tpu.wait_dma2 semaphore(%arg16 : memref<!tpu.dma_semaphore, #tpu.memory_space<semaphore_mem>>) src(%dma_wait3A_29 : memref<8000xi32, #tpu.memory_space<hbm>>) dst(%arg10 : memref<8000xi32, #tpu.memory_space<vmem>>)
      %dma_wait3A_30 = tpu.memref_slice %arg4[%mul3A_28] : memref<320000xi32, #tpu.memory_space<hbm>> -> memref<8000xi32, #tpu.memory_space<hbm>>
      %dma_wait3A_31 = tpu.memref_slice %arg4[%mul3A_28] : memref<320000xi32, #tpu.memory_space<hbm>> -> memref<8000xi32, #tpu.memory_space<hbm>>
      tpu.wait_dma2 semaphore(%arg16 : memref<!tpu.dma_semaphore, #tpu.memory_space<semaphore_mem>>) src(%dma_wait3A_31 : memref<8000xi32, #tpu.memory_space<hbm>>) dst(%arg11 : memref<8000xi32, #tpu.memory_space<vmem>>)
      %dma_wait3A_32 = tpu.memref_slice %arg5[%mul3A_28] : memref<320000xf32, #tpu.memory_space<hbm>> -> memref<8000xf32, #tpu.memory_space<hbm>>
      %dma_wait3A_33 = tpu.memref_slice %arg5[%mul3A_28] : memref<320000xf32, #tpu.memory_space<hbm>> -> memref<8000xf32, #tpu.memory_space<hbm>>
      tpu.wait_dma2 semaphore(%arg16 : memref<!tpu.dma_semaphore, #tpu.memory_space<semaphore_mem>>) src(%dma_wait3A_33 : memref<8000xf32, #tpu.memory_space<hbm>>) dst(%arg12 : memref<8000xf32, #tpu.memory_space<vmem>>)
      %add3A_34 = arith.constant 1 : i32
      %add3A_35 = arith.addi %mul3A_26, %add3A_34 : i32
      %lt3A = arith.constant 40 : i32
      %lt3A_36 = arith.cmpi slt, %add3A_35, %lt3A : i32
      %convert_element_type3A = arith.extui %lt3A_36 : i1 to i32
      %cond3A = arith.constant 0 : i32
      %cond3A_37 = arith.cmpi ne, %convert_element_type3A, %cond3A : i32
      scf.if %cond3A_37 {
        %add3A_67 = arith.constant 1 : i32
        %add3A_68 = arith.addi %mul3A_26, %add3A_67 : i32
        %mul3A_69 = arith.constant 8000 : i32
        %mul3A_70 = arith.muli %add3A_68, %mul3A_69 : i32
        %dma_start3A_71 = tpu.memref_slice %arg3[%mul3A_70] : memref<320000xi32, #tpu.memory_space<hbm>> -> memref<8000xi32, #tpu.memory_space<hbm>>
        %dma_start3A_72 = tpu.memref_slice %arg3[%mul3A_70] : memref<320000xi32, #tpu.memory_space<hbm>> -> memref<8000xi32, #tpu.memory_space<hbm>>
        tpu.enqueue_dma source(%dma_start3A_72 : memref<8000xi32, #tpu.memory_space<hbm>>) target(%arg13 : memref<8000xi32, #tpu.memory_space<vmem>>) target_semaphore(%arg17 : memref<!tpu.dma_semaphore, #tpu.memory_space<semaphore_mem>>)
        %dma_start3A_73 = tpu.memref_slice %arg4[%mul3A_70] : memref<320000xi32, #tpu.memory_space<hbm>> -> memref<8000xi32, #tpu.memory_space<hbm>>
        %dma_start3A_74 = tpu.memref_slice %arg4[%mul3A_70] : memref<320000xi32, #tpu.memory_space<hbm>> -> memref<8000xi32, #tpu.memory_space<hbm>>
        tpu.enqueue_dma source(%dma_start3A_74 : memref<8000xi32, #tpu.memory_space<hbm>>) target(%arg14 : memref<8000xi32, #tpu.memory_space<vmem>>) target_semaphore(%arg17 : memref<!tpu.dma_semaphore, #tpu.memory_space<semaphore_mem>>)
        %dma_start3A_75 = tpu.memref_slice %arg5[%mul3A_70] : memref<320000xf32, #tpu.memory_space<hbm>> -> memref<8000xf32, #tpu.memory_space<hbm>>
        %dma_start3A_76 = tpu.memref_slice %arg5[%mul3A_70] : memref<320000xf32, #tpu.memory_space<hbm>> -> memref<8000xf32, #tpu.memory_space<hbm>>
        tpu.enqueue_dma source(%dma_start3A_76 : memref<8000xf32, #tpu.memory_space<hbm>>) target(%arg15 : memref<8000xf32, #tpu.memory_space<vmem>>) target_semaphore(%arg17 : memref<!tpu.dma_semaphore, #tpu.memory_space<semaphore_mem>>)
      } else {
      }
      %scan3A_38 = arith.constant 0 : i32
      %scan3A_39 = arith.constant 0 : i32
      %scan3A_40 = arith.constant 500 : i32
      %scan3A_41 = arith.addi %scan3A_39, %scan3A_40 : i32
      %scan3A_42 = arith.constant 1 : i32
      scf.for %scan3A_67 = %scan3A_39 to %scan3A_41 step %scan3A_42  : i32 {
        %mul3A_68 = arith.constant 16 : i32
        %mul3A_69 = arith.muli %scan3A_67, %mul3A_68 : i32
        %get3A = arith.index_cast %mul3A_69 : i32 to index
        %get3A_70 = tpu.vector_load %arg10[%get3A] {strides = array<i32>} : memref<8000xi32, #tpu.memory_space<vmem>>, vector<16xi32>,
        %mul3A_71 = arith.constant 4 : i32
        %mul3A_72 = vector.broadcast %mul3A_71 : i32 to vector<16xi32>
        %mul3A_73 = arith.muli %get3A_70, %mul3A_72 : vector<16xi32>
        %get3A_74 = arith.index_cast %mul3A_69 : i32 to index
        %get3A_75 = tpu.vector_load %arg11[%get3A_74] {strides = array<i32>} : memref<8000xi32, #tpu.memory_space<vmem>>, vector<16xi32>,
        %mul3A_76 = arith.constant 4 : i32
        %mul3A_77 = vector.broadcast %mul3A_76 : i32 to vector<16xi32>
        %mul3A_78 = arith.muli %get3A_75, %mul3A_77 : vector<16xi32>
        %get3A_79 = arith.index_cast %mul3A_69 : i32 to index
        %get3A_80 = tpu.vector_load %arg12[%get3A_79] {strides = array<i32>} : memref<8000xf32, #tpu.memory_space<vmem>>, vector<16xf32>,
        %add3A_81 = arith.addi %mul3A_73, %broadcast_in_dim3A_1 : vector<16xi32>
        %gather3A = tpu.vector_load_idx %arg8[%add3A_81] : memref<40000xf32, #tpu.memory_space<vmem>>[vector<16xi32>], vector<16xf32>,
        %add3A_82 = arith.addi %mul3A_78, %broadcast_in_dim3A_1 : vector<16xi32>
        %mul3A_83 = arith.mulf %gather3A, %get3A_80 : vector<16xf32>
        tpu.vector_store_idx %arg9[%add3A_82], %mul3A_83 {add = true} : memref<40000xf32, #tpu.memory_space<vmem>>[vector<16xi32>], vector<16xf32>,
        %add3A_84 = arith.addi %mul3A_73, %broadcast_in_dim3A_3 : vector<16xi32>
        %gather3A_85 = tpu.vector_load_idx %arg8[%add3A_84] : memref<40000xf32, #tpu.memory_space<vmem>>[vector<16xi32>], vector<16xf32>,
        %add3A_86 = arith.addi %mul3A_78, %broadcast_in_dim3A_3 : vector<16xi32>
        %mul3A_87 = arith.mulf %gather3A_85, %get3A_80 : vector<16xf32>
        tpu.vector_store_idx %arg9[%add3A_86], %mul3A_87 {add = true} : memref<40000xf32, #tpu.memory_space<vmem>>[vector<16xi32>], vector<16xf32>,
        %add3A_88 = arith.addi %mul3A_73, %broadcast_in_dim3A_5 : vector<16xi32>
        %gather3A_89 = tpu.vector_load_idx %arg8[%add3A_88] : memref<40000xf32, #tpu.memory_space<vmem>>[vector<16xi32>], vector<16xf32>,
        %add3A_90 = arith.addi %mul3A_78, %broadcast_in_dim3A_5 : vector<16xi32>
        %mul3A_91 = arith.mulf %gather3A_89, %get3A_80 : vector<16xf32>
        tpu.vector_store_idx %arg9[%add3A_90], %mul3A_91 {add = true} : memref<40000xf32, #tpu.memory_space<vmem>>[vector<16xi32>], vector<16xf32>,
        %add3A_92 = arith.addi %mul3A_73, %broadcast_in_dim3A_7 : vector<16xi32>
        %gather3A_93 = tpu.vector_load_idx %arg8[%add3A_92] : memref<40000xf32, #tpu.memory_space<vmem>>[vector<16xi32>], vector<16xf32>,
        %add3A_94 = arith.addi %mul3A_78, %broadcast_in_dim3A_7 : vector<16xi32>
        %mul3A_95 = arith.mulf %gather3A_93, %get3A_80 : vector<16xf32>
        tpu.vector_store_idx %arg9[%add3A_94], %mul3A_95 {add = true} : memref<40000xf32, #tpu.memory_space<vmem>>[vector<16xi32>], vector<16xf32>,
      }
      %scan3A_43 = arith.constant 500 : i32
      %add3A_44 = arith.constant 1 : i32
      %add3A_45 = arith.addi %mul3A_26, %add3A_44 : i32
      %mul3A_46 = arith.constant 8000 : i32
      %mul3A_47 = arith.muli %add3A_45, %mul3A_46 : i32
      %dma_wait3A_48 = tpu.memref_slice %arg3[%mul3A_47] : memref<320000xi32, #tpu.memory_space<hbm>> -> memref<8000xi32, #tpu.memory_space<hbm>>
      %dma_wait3A_49 = tpu.memref_slice %arg3[%mul3A_47] : memref<320000xi32, #tpu.memory_space<hbm>> -> memref<8000xi32, #tpu.memory_space<hbm>>
      tpu.wait_dma2 semaphore(%arg17 : memref<!tpu.dma_semaphore, #tpu.memory_space<semaphore_mem>>) src(%dma_wait3A_49 : memref<8000xi32, #tpu.memory_space<hbm>>) dst(%arg13 : memref<8000xi32, #tpu.memory_space<vmem>>)
      %dma_wait3A_50 = tpu.memref_slice %arg4[%mul3A_47] : memref<320000xi32, #tpu.memory_space<hbm>> -> memref<8000xi32, #tpu.memory_space<hbm>>
      %dma_wait3A_51 = tpu.memref_slice %arg4[%mul3A_47] : memref<320000xi32, #tpu.memory_space<hbm>> -> memref<8000xi32, #tpu.memory_space<hbm>>
      tpu.wait_dma2 semaphore(%arg17 : memref<!tpu.dma_semaphore, #tpu.memory_space<semaphore_mem>>) src(%dma_wait3A_51 : memref<8000xi32, #tpu.memory_space<hbm>>) dst(%arg14 : memref<8000xi32, #tpu.memory_space<vmem>>)
      %dma_wait3A_52 = tpu.memref_slice %arg5[%mul3A_47] : memref<320000xf32, #tpu.memory_space<hbm>> -> memref<8000xf32, #tpu.memory_space<hbm>>
      %dma_wait3A_53 = tpu.memref_slice %arg5[%mul3A_47] : memref<320000xf32, #tpu.memory_space<hbm>> -> memref<8000xf32, #tpu.memory_space<hbm>>
      tpu.wait_dma2 semaphore(%arg17 : memref<!tpu.dma_semaphore, #tpu.memory_space<semaphore_mem>>) src(%dma_wait3A_53 : memref<8000xf32, #tpu.memory_space<hbm>>) dst(%arg15 : memref<8000xf32, #tpu.memory_space<vmem>>)
      %add3A_54 = arith.constant 2 : i32
      %add3A_55 = arith.addi %mul3A_26, %add3A_54 : i32
      %lt3A_56 = arith.constant 40 : i32
      %lt3A_57 = arith.cmpi slt, %add3A_55, %lt3A_56 : i32
      %convert_element_type3A_58 = arith.extui %lt3A_57 : i1 to i32
      %cond3A_59 = arith.constant 0 : i32
      %cond3A_60 = arith.cmpi ne, %convert_element_type3A_58, %cond3A_59 : i32
      scf.if %cond3A_60 {
        %add3A_67 = arith.constant 2 : i32
        %add3A_68 = arith.addi %mul3A_26, %add3A_67 : i32
        %mul3A_69 = arith.constant 8000 : i32
        %mul3A_70 = arith.muli %add3A_68, %mul3A_69 : i32
        %dma_start3A_71 = tpu.memref_slice %arg3[%mul3A_70] : memref<320000xi32, #tpu.memory_space<hbm>> -> memref<8000xi32, #tpu.memory_space<hbm>>
        %dma_start3A_72 = tpu.memref_slice %arg3[%mul3A_70] : memref<320000xi32, #tpu.memory_space<hbm>> -> memref<8000xi32, #tpu.memory_space<hbm>>
        tpu.enqueue_dma source(%dma_start3A_72 : memref<8000xi32, #tpu.memory_space<hbm>>) target(%arg10 : memref<8000xi32, #tpu.memory_space<vmem>>) target_semaphore(%arg16 : memref<!tpu.dma_semaphore, #tpu.memory_space<semaphore_mem>>)
        %dma_start3A_73 = tpu.memref_slice %arg4[%mul3A_70] : memref<320000xi32, #tpu.memory_space<hbm>> -> memref<8000xi32, #tpu.memory_space<hbm>>
        %dma_start3A_74 = tpu.memref_slice %arg4[%mul3A_70] : memref<320000xi32, #tpu.memory_space<hbm>> -> memref<8000xi32, #tpu.memory_space<hbm>>
        tpu.enqueue_dma source(%dma_start3A_74 : memref<8000xi32, #tpu.memory_space<hbm>>) target(%arg11 : memref<8000xi32, #tpu.memory_space<vmem>>) target_semaphore(%arg16 : memref<!tpu.dma_semaphore, #tpu.memory_space<semaphore_mem>>)
        %dma_start3A_75 = tpu.memref_slice %arg5[%mul3A_70] : memref<320000xf32, #tpu.memory_space<hbm>> -> memref<8000xf32, #tpu.memory_space<hbm>>
        %dma_start3A_76 = tpu.memref_slice %arg5[%mul3A_70] : memref<320000xf32, #tpu.memory_space<hbm>> -> memref<8000xf32, #tpu.memory_space<hbm>>
        tpu.enqueue_dma source(%dma_start3A_76 : memref<8000xf32, #tpu.memory_space<hbm>>) target(%arg12 : memref<8000xf32, #tpu.memory_space<vmem>>) target_semaphore(%arg16 : memref<!tpu.dma_semaphore, #tpu.memory_space<semaphore_mem>>)
      } else {
      }
      %scan3A_61 = arith.constant 0 : i32
      %scan3A_62 = arith.constant 0 : i32
      %scan3A_63 = arith.constant 500 : i32
      %scan3A_64 = arith.addi %scan3A_62, %scan3A_63 : i32
      %scan3A_65 = arith.constant 1 : i32
      scf.for %scan3A_67 = %scan3A_62 to %scan3A_64 step %scan3A_65  : i32 {
        %mul3A_68 = arith.constant 16 : i32
        %mul3A_69 = arith.muli %scan3A_67, %mul3A_68 : i32
        %get3A = arith.index_cast %mul3A_69 : i32 to index
        %get3A_70 = tpu.vector_load %arg13[%get3A] {strides = array<i32>} : memref<8000xi32, #tpu.memory_space<vmem>>, vector<16xi32>,
        %mul3A_71 = arith.constant 4 : i32
        %mul3A_72 = vector.broadcast %mul3A_71 : i32 to vector<16xi32>
        %mul3A_73 = arith.muli %get3A_70, %mul3A_72 : vector<16xi32>
        %get3A_74 = arith.index_cast %mul3A_69 : i32 to index
        %get3A_75 = tpu.vector_load %arg14[%get3A_74] {strides = array<i32>} : memref<8000xi32, #tpu.memory_space<vmem>>, vector<16xi32>,
        %mul3A_76 = arith.constant 4 : i32
        %mul3A_77 = vector.broadcast %mul3A_76 : i32 to vector<16xi32>
        %mul3A_78 = arith.muli %get3A_75, %mul3A_77 : vector<16xi32>
        %get3A_79 = arith.index_cast %mul3A_69 : i32 to index
        %get3A_80 = tpu.vector_load %arg15[%get3A_79] {strides = array<i32>} : memref<8000xf32, #tpu.memory_space<vmem>>, vector<16xf32>,
        %add3A_81 = arith.addi %mul3A_73, %broadcast_in_dim3A_1 : vector<16xi32>
        %gather3A = tpu.vector_load_idx %arg8[%add3A_81] : memref<40000xf32, #tpu.memory_space<vmem>>[vector<16xi32>], vector<16xf32>,
        %add3A_82 = arith.addi %mul3A_78, %broadcast_in_dim3A_1 : vector<16xi32>
        %mul3A_83 = arith.mulf %gather3A, %get3A_80 : vector<16xf32>
        tpu.vector_store_idx %arg9[%add3A_82], %mul3A_83 {add = true} : memref<40000xf32, #tpu.memory_space<vmem>>[vector<16xi32>], vector<16xf32>,
        %add3A_84 = arith.addi %mul3A_73, %broadcast_in_dim3A_3 : vector<16xi32>
        %gather3A_85 = tpu.vector_load_idx %arg8[%add3A_84] : memref<40000xf32, #tpu.memory_space<vmem>>[vector<16xi32>], vector<16xf32>,
        %add3A_86 = arith.addi %mul3A_78, %broadcast_in_dim3A_3 : vector<16xi32>
        %mul3A_87 = arith.mulf %gather3A_85, %get3A_80 : vector<16xf32>
        tpu.vector_store_idx %arg9[%add3A_86], %mul3A_87 {add = true} : memref<40000xf32, #tpu.memory_space<vmem>>[vector<16xi32>], vector<16xf32>,
        %add3A_88 = arith.addi %mul3A_73, %broadcast_in_dim3A_5 : vector<16xi32>
        %gather3A_89 = tpu.vector_load_idx %arg8[%add3A_88] : memref<40000xf32, #tpu.memory_space<vmem>>[vector<16xi32>], vector<16xf32>,
        %add3A_90 = arith.addi %mul3A_78, %broadcast_in_dim3A_5 : vector<16xi32>
        %mul3A_91 = arith.mulf %gather3A_89, %get3A_80 : vector<16xf32>
        tpu.vector_store_idx %arg9[%add3A_90], %mul3A_91 {add = true} : memref<40000xf32, #tpu.memory_space<vmem>>[vector<16xi32>], vector<16xf32>,
        %add3A_92 = arith.addi %mul3A_73, %broadcast_in_dim3A_7 : vector<16xi32>
        %gather3A_93 = tpu.vector_load_idx %arg8[%add3A_92] : memref<40000xf32, #tpu.memory_space<vmem>>[vector<16xi32>], vector<16xf32>,
        %add3A_94 = arith.addi %mul3A_78, %broadcast_in_dim3A_7 : vector<16xi32>
        %mul3A_95 = arith.mulf %gather3A_93, %get3A_80 : vector<16xf32>
        tpu.vector_store_idx %arg9[%add3A_94], %mul3A_95 {add = true} : memref<40000xf32, #tpu.memory_space<vmem>>[vector<16xi32>], vector<16xf32>,
      }
      %scan3A_66 = arith.constant 500 : i32
    }
    %scan3A_23 = arith.constant 20 : i32
    "tpu.region"() ({
      %run_scoped3A = tpu.sem_alloc : memref<!tpu.dma_semaphore, #tpu.memory_space<semaphore_mem>>
      %dma_start3A_24 = arith.constant 0 : i32
      %dma_start3A_25 = tpu.memref_slice %arg7[%add3A, %dma_start3A_24] : memref<32x40000xf32, #tpu.memory_space<hbm>> -> memref<1x40000xf32, #tpu.memory_space<hbm>>
      %dma_start3A_26 = tpu.memref_squeeze %dma_start3A_25 : memref<1x40000xf32, #tpu.memory_space<hbm>> -> memref<40000xf32, #tpu.memory_space<hbm>>
      %dma_start3A_27 = arith.constant 0 : i32
      %dma_start3A_28 = tpu.memref_slice %arg7[%add3A, %dma_start3A_27] : memref<32x40000xf32, #tpu.memory_space<hbm>> -> memref<1x40000xf32, #tpu.memory_space<hbm>>
      %dma_start3A_29 = tpu.memref_squeeze %dma_start3A_28 : memref<1x40000xf32, #tpu.memory_space<hbm>> -> memref<40000xf32, #tpu.memory_space<hbm>>
      tpu.enqueue_dma source(%arg9 : memref<40000xf32, #tpu.memory_space<vmem>>) target(%dma_start3A_29 : memref<40000xf32, #tpu.memory_space<hbm>>) target_semaphore(%run_scoped3A : memref<!tpu.dma_semaphore, #tpu.memory_space<semaphore_mem>>)
      %dma_wait3A = arith.constant 0 : i32
      %dma_wait3A_30 = tpu.memref_slice %arg7[%add3A, %dma_wait3A] : memref<32x40000xf32, #tpu.memory_space<hbm>> -> memref<1x40000xf32, #tpu.memory_space<hbm>>
      %dma_wait3A_31 = tpu.memref_squeeze %dma_wait3A_30 : memref<1x40000xf32, #tpu.memory_space<hbm>> -> memref<40000xf32, #tpu.memory_space<hbm>>
      %dma_wait3A_32 = arith.constant 0 : i32
      %dma_wait3A_33 = tpu.memref_slice %arg7[%add3A, %dma_wait3A_32] : memref<32x40000xf32, #tpu.memory_space<hbm>> -> memref<1x40000xf32, #tpu.memory_space<hbm>>
      %dma_wait3A_34 = tpu.memref_squeeze %dma_wait3A_33 : memref<1x40000xf32, #tpu.memory_space<hbm>> -> memref<40000xf32, #tpu.memory_space<hbm>>
      tpu.wait_dma2 semaphore(%run_scoped3A : memref<!tpu.dma_semaphore, #tpu.memory_space<semaphore_mem>>) src(%arg9 : memref<40000xf32, #tpu.memory_space<vmem>>) dst(%dma_wait3A_34 : memref<40000xf32, #tpu.memory_space<hbm>>)
      tpu.yield
    }) : () -> ()
    return
  }
}

#map = affine_map<(d0, d1) -> (0, 0)>
#map1 = affine_map<(d0, d1) -> (0)>
module attributes {stable_mosaic.version = 14 : i64} {
  func.func @_sc_aggregate_cs(%arg0: i32, %arg1: i32, %arg2: memref<32x40000xf32, #tpu.memory_space<hbm>>, %arg3: memref<320000xi32, #tpu.memory_space<hbm>>, %arg4: memref<320000xi32, #tpu.memory_space<hbm>>, %arg5: memref<320000xf32, #tpu.memory_space<hbm>>, %arg6: memref<40000xf32, #tpu.memory_space<hbm>>, %arg7: memref<32x40000xf32, #tpu.memory_space<hbm>>, %arg8: memref<40000xf32, #tpu.memory_space<vmem>>, %arg9: memref<40000xf32, #tpu.memory_space<vmem>>, %arg10: memref<8000xi32, #tpu.memory_space<vmem>>, %arg11: memref<8000xi32, #tpu.memory_space<vmem>>, %arg12: memref<8000xf32, #tpu.memory_space<vmem>>, %arg13: memref<8000xi32, #tpu.memory_space<vmem>>, %arg14: memref<8000xi32, #tpu.memory_space<vmem>>, %arg15: memref<8000xf32, #tpu.memory_space<vmem>>, %arg16: memref<!tpu.dma_semaphore, #tpu.memory_space<semaphore_mem>>, %arg17: memref<!tpu.dma_semaphore, #tpu.memory_space<semaphore_mem>>) attributes {dimension_semantics = [#tpu.dimension_semantics<core_parallel>, #tpu.dimension_semantics<subcore_parallel>], iteration_bounds = array<i64: 2, 16>, scalar_prefetch = 0 : i64, scratch_operands = 10 : i64, tpu.core_type = #tpu.core_type<sc_vector_subcore>, window_params = [{transform_indices = #map}, {transform_indices = #map1}, {transform_indices = #map1}, {transform_indices = #map1}, {transform_indices = #map1}, {transform_indices = #map}]} {
    %mul3A = arith.constant 2 : i32
    %mul3A_0 = arith.muli %arg1, %mul3A : i32
    %add3A = arith.addi %mul3A_0, %arg0 : i32
    "tpu.region"() ({
      %run_scoped3A = tpu.sem_alloc : memref<!tpu.dma_semaphore, #tpu.memory_space<semaphore_mem>>
      %dma_start3A_24 = arith.constant 0 : i32
      %dma_start3A_25 = tpu.memref_slice %arg2[%add3A, %dma_start3A_24] : memref<32x40000xf32, #tpu.memory_space<hbm>> -> memref<1x40000xf32, #tpu.memory_space<hbm>>
      %dma_start3A_26 = tpu.memref_squeeze %dma_start3A_25 : memref<1x40000xf32, #tpu.memory_space<hbm>> -> memref<40000xf32, #tpu.memory_space<hbm>>
      %dma_start3A_27 = arith.constant 0 : i32
      %dma_start3A_28 = tpu.memref_slice %arg2[%add3A, %dma_start3A_27] : memref<32x40000xf32, #tpu.memory_space<hbm>> -> memref<1x40000xf32, #tpu.memory_space<hbm>>
      %dma_start3A_29 = tpu.memref_squeeze %dma_start3A_28 : memref<1x40000xf32, #tpu.memory_space<hbm>> -> memref<40000xf32, #tpu.memory_space<hbm>>
      tpu.enqueue_dma source(%dma_start3A_29 : memref<40000xf32, #tpu.memory_space<hbm>>) target(%arg8 : memref<40000xf32, #tpu.memory_space<vmem>>) target_semaphore(%run_scoped3A : memref<!tpu.dma_semaphore, #tpu.memory_space<semaphore_mem>>)
      %dma_wait3A = arith.constant 0 : i32
      %dma_wait3A_30 = tpu.memref_slice %arg2[%add3A, %dma_wait3A] : memref<32x40000xf32, #tpu.memory_space<hbm>> -> memref<1x40000xf32, #tpu.memory_space<hbm>>
      %dma_wait3A_31 = tpu.memref_squeeze %dma_wait3A_30 : memref<1x40000xf32, #tpu.memory_space<hbm>> -> memref<40000xf32, #tpu.memory_space<hbm>>
      %dma_wait3A_32 = arith.constant 0 : i32
      %dma_wait3A_33 = tpu.memref_slice %arg2[%add3A, %dma_wait3A_32] : memref<32x40000xf32, #tpu.memory_space<hbm>> -> memref<1x40000xf32, #tpu.memory_space<hbm>>
      %dma_wait3A_34 = tpu.memref_squeeze %dma_wait3A_33 : memref<1x40000xf32, #tpu.memory_space<hbm>> -> memref<40000xf32, #tpu.memory_space<hbm>>
      tpu.wait_dma2 semaphore(%run_scoped3A : memref<!tpu.dma_semaphore, #tpu.memory_space<semaphore_mem>>) src(%dma_wait3A_34 : memref<40000xf32, #tpu.memory_space<hbm>>) dst(%arg8 : memref<40000xf32, #tpu.memory_space<vmem>>)
      tpu.yield
    }) : () -> ()
    "tpu.region"() ({
      %run_scoped3A = tpu.sem_alloc : memref<!tpu.dma_semaphore, #tpu.memory_space<semaphore_mem>>
      tpu.enqueue_dma source(%arg6 : memref<40000xf32, #tpu.memory_space<hbm>>) target(%arg9 : memref<40000xf32, #tpu.memory_space<vmem>>) target_semaphore(%run_scoped3A : memref<!tpu.dma_semaphore, #tpu.memory_space<semaphore_mem>>)
      tpu.wait_dma2 semaphore(%run_scoped3A : memref<!tpu.dma_semaphore, #tpu.memory_space<semaphore_mem>>) src(%arg6 : memref<40000xf32, #tpu.memory_space<hbm>>) dst(%arg9 : memref<40000xf32, #tpu.memory_space<vmem>>)
      tpu.yield
    }) : () -> ()
    %broadcast_in_dim3A = arith.constant 0 : i32
    %broadcast_in_dim3A_1 = vector.broadcast %broadcast_in_dim3A : i32 to vector<16xi32>
    %broadcast_in_dim3A_2 = arith.constant 1 : i32
    %broadcast_in_dim3A_3 = vector.broadcast %broadcast_in_dim3A_2 : i32 to vector<16xi32>
    %broadcast_in_dim3A_4 = arith.constant 2 : i32
    %broadcast_in_dim3A_5 = vector.broadcast %broadcast_in_dim3A_4 : i32 to vector<16xi32>
    %broadcast_in_dim3A_6 = arith.constant 3 : i32
    %broadcast_in_dim3A_7 = vector.broadcast %broadcast_in_dim3A_6 : i32 to vector<16xi32>
    %dma_start3A = arith.constant 0 : i32
    %dma_start3A_8 = tpu.memref_slice %arg3[%dma_start3A] : memref<320000xi32, #tpu.memory_space<hbm>> -> memref<8000xi32, #tpu.memory_space<hbm>>
    %dma_start3A_9 = arith.constant 0 : i32
    %dma_start3A_10 = tpu.memref_slice %arg3[%dma_start3A_9] : memref<320000xi32, #tpu.memory_space<hbm>> -> memref<8000xi32, #tpu.memory_space<hbm>>
    tpu.enqueue_dma source(%dma_start3A_10 : memref<8000xi32, #tpu.memory_space<hbm>>) target(%arg10 : memref<8000xi32, #tpu.memory_space<vmem>>) target_semaphore(%arg16 : memref<!tpu.dma_semaphore, #tpu.memory_space<semaphore_mem>>)
    %dma_start3A_11 = arith.constant 0 : i32
    %dma_start3A_12 = tpu.memref_slice %arg4[%dma_start3A_11] : memref<320000xi32, #tpu.memory_space<hbm>> -> memref<8000xi32, #tpu.memory_space<hbm>>
    %dma_start3A_13 = arith.constant 0 : i32
    %dma_start3A_14 = tpu.memref_slice %arg4[%dma_start3A_13] : memref<320000xi32, #tpu.memory_space<hbm>> -> memref<8000xi32, #tpu.memory_space<hbm>>
    tpu.enqueue_dma source(%dma_start3A_14 : memref<8000xi32, #tpu.memory_space<hbm>>) target(%arg11 : memref<8000xi32, #tpu.memory_space<vmem>>) target_semaphore(%arg16 : memref<!tpu.dma_semaphore, #tpu.memory_space<semaphore_mem>>)
    %dma_start3A_15 = arith.constant 0 : i32
    %dma_start3A_16 = tpu.memref_slice %arg5[%dma_start3A_15] : memref<320000xf32, #tpu.memory_space<hbm>> -> memref<8000xf32, #tpu.memory_space<hbm>>
    %dma_start3A_17 = arith.constant 0 : i32
    %dma_start3A_18 = tpu.memref_slice %arg5[%dma_start3A_17] : memref<320000xf32, #tpu.memory_space<hbm>> -> memref<8000xf32, #tpu.memory_space<hbm>>
    tpu.enqueue_dma source(%dma_start3A_18 : memref<8000xf32, #tpu.memory_space<hbm>>) target(%arg12 : memref<8000xf32, #tpu.memory_space<vmem>>) target_semaphore(%arg16 : memref<!tpu.dma_semaphore, #tpu.memory_space<semaphore_mem>>)
    %scan3A = arith.constant 0 : i32
    %scan3A_19 = arith.constant 0 : i32
    %scan3A_20 = arith.constant 20 : i32
    %scan3A_21 = arith.addi %scan3A_19, %scan3A_20 : i32
    %scan3A_22 = arith.constant 1 : i32
    scf.for %scan3A_24 = %scan3A_19 to %scan3A_21 step %scan3A_22  : i32 {
      %mul3A_25 = arith.constant 2 : i32
      %mul3A_26 = arith.muli %scan3A_24, %mul3A_25 : i32
      %mul3A_27 = arith.constant 8000 : i32
      %mul3A_28 = arith.muli %mul3A_26, %mul3A_27 : i32
      %dma_wait3A = tpu.memref_slice %arg3[%mul3A_28] : memref<320000xi32, #tpu.memory_space<hbm>> -> memref<8000xi32, #tpu.memory_space<hbm>>
      %dma_wait3A_29 = tpu.memref_slice %arg3[%mul3A_28] : memref<320000xi32, #tpu.memory_space<hbm>> -> memref<8000xi32, #tpu.memory_space<hbm>>
      tpu.wait_dma2 semaphore(%arg16 : memref<!tpu.dma_semaphore, #tpu.memory_space<semaphore_mem>>) src(%dma_wait3A_29 : memref<8000xi32, #tpu.memory_space<hbm>>) dst(%arg10 : memref<8000xi32, #tpu.memory_space<vmem>>)
      %dma_wait3A_30 = tpu.memref_slice %arg4[%mul3A_28] : memref<320000xi32, #tpu.memory_space<hbm>> -> memref<8000xi32, #tpu.memory_space<hbm>>
      %dma_wait3A_31 = tpu.memref_slice %arg4[%mul3A_28] : memref<320000xi32, #tpu.memory_space<hbm>> -> memref<8000xi32, #tpu.memory_space<hbm>>
      tpu.wait_dma2 semaphore(%arg16 : memref<!tpu.dma_semaphore, #tpu.memory_space<semaphore_mem>>) src(%dma_wait3A_31 : memref<8000xi32, #tpu.memory_space<hbm>>) dst(%arg11 : memref<8000xi32, #tpu.memory_space<vmem>>)
      %dma_wait3A_32 = tpu.memref_slice %arg5[%mul3A_28] : memref<320000xf32, #tpu.memory_space<hbm>> -> memref<8000xf32, #tpu.memory_space<hbm>>
      %dma_wait3A_33 = tpu.memref_slice %arg5[%mul3A_28] : memref<320000xf32, #tpu.memory_space<hbm>> -> memref<8000xf32, #tpu.memory_space<hbm>>
      tpu.wait_dma2 semaphore(%arg16 : memref<!tpu.dma_semaphore, #tpu.memory_space<semaphore_mem>>) src(%dma_wait3A_33 : memref<8000xf32, #tpu.memory_space<hbm>>) dst(%arg12 : memref<8000xf32, #tpu.memory_space<vmem>>)
      %add3A_34 = arith.constant 1 : i32
      %add3A_35 = arith.addi %mul3A_26, %add3A_34 : i32
      %lt3A = arith.constant 40 : i32
      %lt3A_36 = arith.cmpi slt, %add3A_35, %lt3A : i32
      %convert_element_type3A = arith.extui %lt3A_36 : i1 to i32
      %cond3A = arith.constant 0 : i32
      %cond3A_37 = arith.cmpi ne, %convert_element_type3A, %cond3A : i32
      scf.if %cond3A_37 {
        %add3A_67 = arith.constant 1 : i32
        %add3A_68 = arith.addi %mul3A_26, %add3A_67 : i32
        %mul3A_69 = arith.constant 8000 : i32
        %mul3A_70 = arith.muli %add3A_68, %mul3A_69 : i32
        %dma_start3A_71 = tpu.memref_slice %arg3[%mul3A_70] : memref<320000xi32, #tpu.memory_space<hbm>> -> memref<8000xi32, #tpu.memory_space<hbm>>
        %dma_start3A_72 = tpu.memref_slice %arg3[%mul3A_70] : memref<320000xi32, #tpu.memory_space<hbm>> -> memref<8000xi32, #tpu.memory_space<hbm>>
        tpu.enqueue_dma source(%dma_start3A_72 : memref<8000xi32, #tpu.memory_space<hbm>>) target(%arg13 : memref<8000xi32, #tpu.memory_space<vmem>>) target_semaphore(%arg17 : memref<!tpu.dma_semaphore, #tpu.memory_space<semaphore_mem>>)
        %dma_start3A_73 = tpu.memref_slice %arg4[%mul3A_70] : memref<320000xi32, #tpu.memory_space<hbm>> -> memref<8000xi32, #tpu.memory_space<hbm>>
        %dma_start3A_74 = tpu.memref_slice %arg4[%mul3A_70] : memref<320000xi32, #tpu.memory_space<hbm>> -> memref<8000xi32, #tpu.memory_space<hbm>>
        tpu.enqueue_dma source(%dma_start3A_74 : memref<8000xi32, #tpu.memory_space<hbm>>) target(%arg14 : memref<8000xi32, #tpu.memory_space<vmem>>) target_semaphore(%arg17 : memref<!tpu.dma_semaphore, #tpu.memory_space<semaphore_mem>>)
        %dma_start3A_75 = tpu.memref_slice %arg5[%mul3A_70] : memref<320000xf32, #tpu.memory_space<hbm>> -> memref<8000xf32, #tpu.memory_space<hbm>>
        %dma_start3A_76 = tpu.memref_slice %arg5[%mul3A_70] : memref<320000xf32, #tpu.memory_space<hbm>> -> memref<8000xf32, #tpu.memory_space<hbm>>
        tpu.enqueue_dma source(%dma_start3A_76 : memref<8000xf32, #tpu.memory_space<hbm>>) target(%arg15 : memref<8000xf32, #tpu.memory_space<vmem>>) target_semaphore(%arg17 : memref<!tpu.dma_semaphore, #tpu.memory_space<semaphore_mem>>)
      } else {
      }
      %scan3A_38 = arith.constant 0 : i32
      %scan3A_39 = arith.constant 0 : i32
      %scan3A_40 = arith.constant 500 : i32
      %scan3A_41 = arith.addi %scan3A_39, %scan3A_40 : i32
      %scan3A_42 = arith.constant 1 : i32
      scf.for %scan3A_67 = %scan3A_39 to %scan3A_41 step %scan3A_42  : i32 {
        %mul3A_68 = arith.constant 16 : i32
        %mul3A_69 = arith.muli %scan3A_67, %mul3A_68 : i32
        %get3A = arith.index_cast %mul3A_69 : i32 to index
        %get3A_70 = tpu.vector_load %arg10[%get3A] {strides = array<i32>} : memref<8000xi32, #tpu.memory_space<vmem>>, vector<16xi32>,
        %mul3A_71 = arith.constant 4 : i32
        %mul3A_72 = vector.broadcast %mul3A_71 : i32 to vector<16xi32>
        %mul3A_73 = arith.muli %get3A_70, %mul3A_72 : vector<16xi32>
        %get3A_74 = arith.index_cast %mul3A_69 : i32 to index
        %get3A_75 = tpu.vector_load %arg11[%get3A_74] {strides = array<i32>} : memref<8000xi32, #tpu.memory_space<vmem>>, vector<16xi32>,
        %mul3A_76 = arith.constant 4 : i32
        %mul3A_77 = vector.broadcast %mul3A_76 : i32 to vector<16xi32>
        %mul3A_78 = arith.muli %get3A_75, %mul3A_77 : vector<16xi32>
        %get3A_79 = arith.index_cast %mul3A_69 : i32 to index
        %get3A_80 = tpu.vector_load %arg12[%get3A_79] {strides = array<i32>} : memref<8000xf32, #tpu.memory_space<vmem>>, vector<16xf32>,
        %add3A_81 = arith.addi %mul3A_73, %broadcast_in_dim3A_1 : vector<16xi32>
        %gather3A = tpu.vector_load_idx %arg8[%add3A_81] : memref<40000xf32, #tpu.memory_space<vmem>>[vector<16xi32>], vector<16xf32>,
        %add3A_82 = arith.addi %mul3A_78, %broadcast_in_dim3A_1 : vector<16xi32>
        %mul3A_83 = arith.mulf %gather3A, %get3A_80 : vector<16xf32>
        tpu.vector_store_idx %arg9[%add3A_82], %mul3A_83 {add = true} : memref<40000xf32, #tpu.memory_space<vmem>>[vector<16xi32>], vector<16xf32>,
        %add3A_84 = arith.addi %mul3A_73, %broadcast_in_dim3A_3 : vector<16xi32>
        %gather3A_85 = tpu.vector_load_idx %arg8[%add3A_84] : memref<40000xf32, #tpu.memory_space<vmem>>[vector<16xi32>], vector<16xf32>,
        %add3A_86 = arith.addi %mul3A_78, %broadcast_in_dim3A_3 : vector<16xi32>
        %mul3A_87 = arith.mulf %gather3A_85, %get3A_80 : vector<16xf32>
        tpu.vector_store_idx %arg9[%add3A_86], %mul3A_87 {add = true} : memref<40000xf32, #tpu.memory_space<vmem>>[vector<16xi32>], vector<16xf32>,
        %add3A_88 = arith.addi %mul3A_73, %broadcast_in_dim3A_5 : vector<16xi32>
        %gather3A_89 = tpu.vector_load_idx %arg8[%add3A_88] : memref<40000xf32, #tpu.memory_space<vmem>>[vector<16xi32>], vector<16xf32>,
        %add3A_90 = arith.addi %mul3A_78, %broadcast_in_dim3A_5 : vector<16xi32>
        %mul3A_91 = arith.mulf %gather3A_89, %get3A_80 : vector<16xf32>
        tpu.vector_store_idx %arg9[%add3A_90], %mul3A_91 {add = true} : memref<40000xf32, #tpu.memory_space<vmem>>[vector<16xi32>], vector<16xf32>,
        %add3A_92 = arith.addi %mul3A_73, %broadcast_in_dim3A_7 : vector<16xi32>
        %gather3A_93 = tpu.vector_load_idx %arg8[%add3A_92] : memref<40000xf32, #tpu.memory_space<vmem>>[vector<16xi32>], vector<16xf32>,
        %add3A_94 = arith.addi %mul3A_78, %broadcast_in_dim3A_7 : vector<16xi32>
        %mul3A_95 = arith.mulf %gather3A_93, %get3A_80 : vector<16xf32>
        tpu.vector_store_idx %arg9[%add3A_94], %mul3A_95 {add = true} : memref<40000xf32, #tpu.memory_space<vmem>>[vector<16xi32>], vector<16xf32>,
      }
      %scan3A_43 = arith.constant 500 : i32
      %add3A_44 = arith.constant 1 : i32
      %add3A_45 = arith.addi %mul3A_26, %add3A_44 : i32
      %mul3A_46 = arith.constant 8000 : i32
      %mul3A_47 = arith.muli %add3A_45, %mul3A_46 : i32
      %dma_wait3A_48 = tpu.memref_slice %arg3[%mul3A_47] : memref<320000xi32, #tpu.memory_space<hbm>> -> memref<8000xi32, #tpu.memory_space<hbm>>
      %dma_wait3A_49 = tpu.memref_slice %arg3[%mul3A_47] : memref<320000xi32, #tpu.memory_space<hbm>> -> memref<8000xi32, #tpu.memory_space<hbm>>
      tpu.wait_dma2 semaphore(%arg17 : memref<!tpu.dma_semaphore, #tpu.memory_space<semaphore_mem>>) src(%dma_wait3A_49 : memref<8000xi32, #tpu.memory_space<hbm>>) dst(%arg13 : memref<8000xi32, #tpu.memory_space<vmem>>)
      %dma_wait3A_50 = tpu.memref_slice %arg4[%mul3A_47] : memref<320000xi32, #tpu.memory_space<hbm>> -> memref<8000xi32, #tpu.memory_space<hbm>>
      %dma_wait3A_51 = tpu.memref_slice %arg4[%mul3A_47] : memref<320000xi32, #tpu.memory_space<hbm>> -> memref<8000xi32, #tpu.memory_space<hbm>>
      tpu.wait_dma2 semaphore(%arg17 : memref<!tpu.dma_semaphore, #tpu.memory_space<semaphore_mem>>) src(%dma_wait3A_51 : memref<8000xi32, #tpu.memory_space<hbm>>) dst(%arg14 : memref<8000xi32, #tpu.memory_space<vmem>>)
      %dma_wait3A_52 = tpu.memref_slice %arg5[%mul3A_47] : memref<320000xf32, #tpu.memory_space<hbm>> -> memref<8000xf32, #tpu.memory_space<hbm>>
      %dma_wait3A_53 = tpu.memref_slice %arg5[%mul3A_47] : memref<320000xf32, #tpu.memory_space<hbm>> -> memref<8000xf32, #tpu.memory_space<hbm>>
      tpu.wait_dma2 semaphore(%arg17 : memref<!tpu.dma_semaphore, #tpu.memory_space<semaphore_mem>>) src(%dma_wait3A_53 : memref<8000xf32, #tpu.memory_space<hbm>>) dst(%arg15 : memref<8000xf32, #tpu.memory_space<vmem>>)
      %add3A_54 = arith.constant 2 : i32
      %add3A_55 = arith.addi %mul3A_26, %add3A_54 : i32
      %lt3A_56 = arith.constant 40 : i32
      %lt3A_57 = arith.cmpi slt, %add3A_55, %lt3A_56 : i32
      %convert_element_type3A_58 = arith.extui %lt3A_57 : i1 to i32
      %cond3A_59 = arith.constant 0 : i32
      %cond3A_60 = arith.cmpi ne, %convert_element_type3A_58, %cond3A_59 : i32
      scf.if %cond3A_60 {
        %add3A_67 = arith.constant 2 : i32
        %add3A_68 = arith.addi %mul3A_26, %add3A_67 : i32
        %mul3A_69 = arith.constant 8000 : i32
        %mul3A_70 = arith.muli %add3A_68, %mul3A_69 : i32
        %dma_start3A_71 = tpu.memref_slice %arg3[%mul3A_70] : memref<320000xi32, #tpu.memory_space<hbm>> -> memref<8000xi32, #tpu.memory_space<hbm>>
        %dma_start3A_72 = tpu.memref_slice %arg3[%mul3A_70] : memref<320000xi32, #tpu.memory_space<hbm>> -> memref<8000xi32, #tpu.memory_space<hbm>>
        tpu.enqueue_dma source(%dma_start3A_72 : memref<8000xi32, #tpu.memory_space<hbm>>) target(%arg10 : memref<8000xi32, #tpu.memory_space<vmem>>) target_semaphore(%arg16 : memref<!tpu.dma_semaphore, #tpu.memory_space<semaphore_mem>>)
        %dma_start3A_73 = tpu.memref_slice %arg4[%mul3A_70] : memref<320000xi32, #tpu.memory_space<hbm>> -> memref<8000xi32, #tpu.memory_space<hbm>>
        %dma_start3A_74 = tpu.memref_slice %arg4[%mul3A_70] : memref<320000xi32, #tpu.memory_space<hbm>> -> memref<8000xi32, #tpu.memory_space<hbm>>
        tpu.enqueue_dma source(%dma_start3A_74 : memref<8000xi32, #tpu.memory_space<hbm>>) target(%arg11 : memref<8000xi32, #tpu.memory_space<vmem>>) target_semaphore(%arg16 : memref<!tpu.dma_semaphore, #tpu.memory_space<semaphore_mem>>)
        %dma_start3A_75 = tpu.memref_slice %arg5[%mul3A_70] : memref<320000xf32, #tpu.memory_space<hbm>> -> memref<8000xf32, #tpu.memory_space<hbm>>
        %dma_start3A_76 = tpu.memref_slice %arg5[%mul3A_70] : memref<320000xf32, #tpu.memory_space<hbm>> -> memref<8000xf32, #tpu.memory_space<hbm>>
        tpu.enqueue_dma source(%dma_start3A_76 : memref<8000xf32, #tpu.memory_space<hbm>>) target(%arg12 : memref<8000xf32, #tpu.memory_space<vmem>>) target_semaphore(%arg16 : memref<!tpu.dma_semaphore, #tpu.memory_space<semaphore_mem>>)
      } else {
      }
      %scan3A_61 = arith.constant 0 : i32
      %scan3A_62 = arith.constant 0 : i32
      %scan3A_63 = arith.constant 500 : i32
      %scan3A_64 = arith.addi %scan3A_62, %scan3A_63 : i32
      %scan3A_65 = arith.constant 1 : i32
      scf.for %scan3A_67 = %scan3A_62 to %scan3A_64 step %scan3A_65  : i32 {
        %mul3A_68 = arith.constant 16 : i32
        %mul3A_69 = arith.muli %scan3A_67, %mul3A_68 : i32
        %get3A = arith.index_cast %mul3A_69 : i32 to index
        %get3A_70 = tpu.vector_load %arg13[%get3A] {strides = array<i32>} : memref<8000xi32, #tpu.memory_space<vmem>>, vector<16xi32>,
        %mul3A_71 = arith.constant 4 : i32
        %mul3A_72 = vector.broadcast %mul3A_71 : i32 to vector<16xi32>
        %mul3A_73 = arith.muli %get3A_70, %mul3A_72 : vector<16xi32>
        %get3A_74 = arith.index_cast %mul3A_69 : i32 to index
        %get3A_75 = tpu.vector_load %arg14[%get3A_74] {strides = array<i32>} : memref<8000xi32, #tpu.memory_space<vmem>>, vector<16xi32>,
        %mul3A_76 = arith.constant 4 : i32
        %mul3A_77 = vector.broadcast %mul3A_76 : i32 to vector<16xi32>
        %mul3A_78 = arith.muli %get3A_75, %mul3A_77 : vector<16xi32>
        %get3A_79 = arith.index_cast %mul3A_69 : i32 to index
        %get3A_80 = tpu.vector_load %arg15[%get3A_79] {strides = array<i32>} : memref<8000xf32, #tpu.memory_space<vmem>>, vector<16xf32>,
        %add3A_81 = arith.addi %mul3A_73, %broadcast_in_dim3A_1 : vector<16xi32>
        %gather3A = tpu.vector_load_idx %arg8[%add3A_81] : memref<40000xf32, #tpu.memory_space<vmem>>[vector<16xi32>], vector<16xf32>,
        %add3A_82 = arith.addi %mul3A_78, %broadcast_in_dim3A_1 : vector<16xi32>
        %mul3A_83 = arith.mulf %gather3A, %get3A_80 : vector<16xf32>
        tpu.vector_store_idx %arg9[%add3A_82], %mul3A_83 {add = true} : memref<40000xf32, #tpu.memory_space<vmem>>[vector<16xi32>], vector<16xf32>,
        %add3A_84 = arith.addi %mul3A_73, %broadcast_in_dim3A_3 : vector<16xi32>
        %gather3A_85 = tpu.vector_load_idx %arg8[%add3A_84] : memref<40000xf32, #tpu.memory_space<vmem>>[vector<16xi32>], vector<16xf32>,
        %add3A_86 = arith.addi %mul3A_78, %broadcast_in_dim3A_3 : vector<16xi32>
        %mul3A_87 = arith.mulf %gather3A_85, %get3A_80 : vector<16xf32>
        tpu.vector_store_idx %arg9[%add3A_86], %mul3A_87 {add = true} : memref<40000xf32, #tpu.memory_space<vmem>>[vector<16xi32>], vector<16xf32>,
        %add3A_88 = arith.addi %mul3A_73, %broadcast_in_dim3A_5 : vector<16xi32>
        %gather3A_89 = tpu.vector_load_idx %arg8[%add3A_88] : memref<40000xf32, #tpu.memory_space<vmem>>[vector<16xi32>], vector<16xf32>,
        %add3A_90 = arith.addi %mul3A_78, %broadcast_in_dim3A_5 : vector<16xi32>
        %mul3A_91 = arith.mulf %gather3A_89, %get3A_80 : vector<16xf32>
        tpu.vector_store_idx %arg9[%add3A_90], %mul3A_91 {add = true} : memref<40000xf32, #tpu.memory_space<vmem>>[vector<16xi32>], vector<16xf32>,
        %add3A_92 = arith.addi %mul3A_73, %broadcast_in_dim3A_7 : vector<16xi32>
        %gather3A_93 = tpu.vector_load_idx %arg8[%add3A_92] : memref<40000xf32, #tpu.memory_space<vmem>>[vector<16xi32>], vector<16xf32>,
        %add3A_94 = arith.addi %mul3A_78, %broadcast_in_dim3A_7 : vector<16xi32>
        %mul3A_95 = arith.mulf %gather3A_93, %get3A_80 : vector<16xf32>
        tpu.vector_store_idx %arg9[%add3A_94], %mul3A_95 {add = true} : memref<40000xf32, #tpu.memory_space<vmem>>[vector<16xi32>], vector<16xf32>,
      }
      %scan3A_66 = arith.constant 500 : i32
    }
    %scan3A_23 = arith.constant 20 : i32
    "tpu.region"() ({
      %run_scoped3A = tpu.sem_alloc : memref<!tpu.dma_semaphore, #tpu.memory_space<semaphore_mem>>
      %dma_start3A_24 = arith.constant 0 : i32
      %dma_start3A_25 = tpu.memref_slice %arg7[%add3A, %dma_start3A_24] : memref<32x40000xf32, #tpu.memory_space<hbm>> -> memref<1x40000xf32, #tpu.memory_space<hbm>>
      %dma_start3A_26 = tpu.memref_squeeze %dma_start3A_25 : memref<1x40000xf32, #tpu.memory_space<hbm>> -> memref<40000xf32, #tpu.memory_space<hbm>>
      %dma_start3A_27 = arith.constant 0 : i32
      %dma_start3A_28 = tpu.memref_slice %arg7[%add3A, %dma_start3A_27] : memref<32x40000xf32, #tpu.memory_space<hbm>> -> memref<1x40000xf32, #tpu.memory_space<hbm>>
      %dma_start3A_29 = tpu.memref_squeeze %dma_start3A_28 : memref<1x40000xf32, #tpu.memory_space<hbm>> -> memref<40000xf32, #tpu.memory_space<hbm>>
      tpu.enqueue_dma source(%arg9 : memref<40000xf32, #tpu.memory_space<vmem>>) target(%dma_start3A_29 : memref<40000xf32, #tpu.memory_space<hbm>>) target_semaphore(%run_scoped3A : memref<!tpu.dma_semaphore, #tpu.memory_space<semaphore_mem>>)
      %dma_wait3A = arith.constant 0 : i32
      %dma_wait3A_30 = tpu.memref_slice %arg7[%add3A, %dma_wait3A] : memref<32x40000xf32, #tpu.memory_space<hbm>> -> memref<1x40000xf32, #tpu.memory_space<hbm>>
      %dma_wait3A_31 = tpu.memref_squeeze %dma_wait3A_30 : memref<1x40000xf32, #tpu.memory_space<hbm>> -> memref<40000xf32, #tpu.memory_space<hbm>>
      %dma_wait3A_32 = arith.constant 0 : i32
      %dma_wait3A_33 = tpu.memref_slice %arg7[%add3A, %dma_wait3A_32] : memref<32x40000xf32, #tpu.memory_space<hbm>> -> memref<1x40000xf32, #tpu.memory_space<hbm>>
      %dma_wait3A_34 = tpu.memref_squeeze %dma_wait3A_33 : memref<1x40000xf32, #tpu.memory_space<hbm>> -> memref<40000xf32, #tpu.memory_space<hbm>>
      tpu.wait_dma2 semaphore(%run_scoped3A : memref<!tpu.dma_semaphore, #tpu.memory_space<semaphore_mem>>) src(%arg9 : memref<40000xf32, #tpu.memory_space<vmem>>) dst(%dma_wait3A_34 : memref<40000xf32, #tpu.memory_space<hbm>>)
      tpu.yield
    }) : () -> ()
    return
  }
}

module attributes {stable_mosaic.version = 14 : i64} {
  func.func @_tc_update_body(%arg0: i32, %arg1: memref<2000x128xf32, #tpu.memory_space<vmem>>, %arg2: memref<2000x1xf32, #tpu.memory_space<vmem>>, %arg3: memref<128x128xf32, #tpu.memory_space<vmem>>, %arg4: memref<1x128xf32, #tpu.memory_space<vmem>>, %arg5: memref<2000x128xf32, #tpu.memory_space<vmem>>) attributes {dimension_semantics = [#tpu.dimension_semantics<arbitrary>], iteration_bounds = array<i64: 5>, scalar_prefetch = 0 : i64, scratch_operands = 0 : i64, tpu.core_type = #tpu.core_type<tc>, window_params = [{transform_indices = @transform_0, window_bounds = array<i64: 2000, 128>}, {transform_indices = @transform_1, window_bounds = array<i64: 2000, 1>}, {pipeline_mode = #tpu.pipeline_mode<synchronous>, transform_indices = @transform_2, window_bounds = array<i64: 128, 128>}, {pipeline_mode = #tpu.pipeline_mode<synchronous>, transform_indices = @transform_3, window_bounds = array<i64: 1, 128>}, {transform_indices = @transform_4, window_bounds = array<i64: 2000, 128>}]} {
    %get3A = arith.constant 0 : index
    %get3A_0 = arith.constant 0 : index
    %get3A_1 = vector.load %arg1[%get3A, %get3A_0] : memref<2000x128xf32, #tpu.memory_space<vmem>>, vector<2000x128xf32>
    %get3A_2 = arith.constant 0 : index
    %get3A_3 = arith.constant 0 : index
    %get3A_4 = vector.load %arg2[%get3A_2, %get3A_3] : memref<2000x1xf32, #tpu.memory_space<vmem>>, vector<2000x1xf32>
    %mul3A = vector.broadcast %get3A_4 : vector<2000x1xf32> to vector<2000x128xf32>
    %mul3A_5 = arith.mulf %get3A_1, %mul3A : vector<2000x128xf32>
    %get3A_6 = arith.constant 0 : index
    %get3A_7 = arith.constant 0 : index
    %get3A_8 = vector.load %arg3[%get3A_6, %get3A_7] : memref<128x128xf32, #tpu.memory_space<vmem>>, vector<128x128xf32>
    %dot_general3A = arith.constant dense<0.000000e+00> : vector<2000x128xf32>
    %dot_general3A_9 = tpu.matmul %mul3A_5, %get3A_8, %dot_general3A {dimension_numbers = #tpu.dot_dimension_numbers<[1], [0], [0], [1], [0, 0, 1, 1], [], []>, transpose_lhs_hint = false} : vector<2000x128xf32>, vector<128x128xf32>, vector<2000x128xf32> -> vector<2000x128xf32>
    %get3A_10 = arith.constant 0 : index
    %get3A_11 = arith.constant 0 : index
    %get3A_12 = vector.load %arg4[%get3A_10, %get3A_11] : memref<1x128xf32, #tpu.memory_space<vmem>>, vector<1x128xf32>
    %add3A = vector.broadcast %get3A_12 : vector<1x128xf32> to vector<2000x128xf32>
    %add3A_13 = arith.addf %dot_general3A_9, %add3A : vector<2000x128xf32>
    %max3A = arith.constant 0.000000e+00 : f32
    %max3A_14 = vector.broadcast %max3A : f32 to vector<2000x128xf32>
    %max3A_15 = arith.maximumf %add3A_13, %max3A_14 : vector<2000x128xf32>
    %swap3A = arith.constant 0 : index
    %swap3A_16 = arith.constant 0 : index
    %swap3A_17 = vector.load %arg5[%swap3A, %swap3A_16] : memref<2000x128xf32, #tpu.memory_space<vmem>>, vector<2000x128xf32>
    tpu.vector_store %arg5[%swap3A, %swap3A_16], %max3A_15 {strides = array<i32>} : memref<2000x128xf32, #tpu.memory_space<vmem>>, vector<2000x128xf32>,
    return
  }
  func.func @transform_0(%arg0: i32) -> (i32, i32) {
    %c0_i32 = arith.constant 0 : i32
    %c0_i32_0 = arith.constant 0 : i32
    return %arg0, %c0_i32 : i32, i32
  }
  func.func @transform_1(%arg0: i32) -> (i32, i32) {
    %c0_i32 = arith.constant 0 : i32
    %c0_i32_0 = arith.constant 0 : i32
    return %arg0, %c0_i32 : i32, i32
  }
  func.func @transform_2(%arg0: i32) -> (i32, i32) {
    %c0_i32 = arith.constant 0 : i32
    %c0_i32_0 = arith.constant 0 : i32
    %c0_i32_1 = arith.constant 0 : i32
    return %c0_i32, %c0_i32_0 : i32, i32
  }
  func.func @transform_3(%arg0: i32) -> (i32, i32) {
    %c0_i32 = arith.constant 0 : i32
    %c0_i32_0 = arith.constant 0 : i32
    %c0_i32_1 = arith.constant 0 : i32
    return %c0_i32, %c0_i32_0 : i32, i32
  }
  func.func @transform_4(%arg0: i32) -> (i32, i32) {
    %c0_i32 = arith.constant 0 : i32
    %c0_i32_0 = arith.constant 0 : i32
    return %arg0, %c0_i32 : i32, i32
  }
}

module attributes {stable_mosaic.version = 14 : i64} {
  func.func @_tc_update_body(%arg0: i32, %arg1: memref<2000x128xf32, #tpu.memory_space<vmem>>, %arg2: memref<2000x1xf32, #tpu.memory_space<vmem>>, %arg3: memref<128x128xf32, #tpu.memory_space<vmem>>, %arg4: memref<1x128xf32, #tpu.memory_space<vmem>>, %arg5: memref<2000x128xf32, #tpu.memory_space<vmem>>) attributes {dimension_semantics = [#tpu.dimension_semantics<arbitrary>], iteration_bounds = array<i64: 5>, scalar_prefetch = 0 : i64, scratch_operands = 0 : i64, tpu.core_type = #tpu.core_type<tc>, window_params = [{transform_indices = @transform_0, window_bounds = array<i64: 2000, 128>}, {transform_indices = @transform_1, window_bounds = array<i64: 2000, 1>}, {pipeline_mode = #tpu.pipeline_mode<synchronous>, transform_indices = @transform_2, window_bounds = array<i64: 128, 128>}, {pipeline_mode = #tpu.pipeline_mode<synchronous>, transform_indices = @transform_3, window_bounds = array<i64: 1, 128>}, {transform_indices = @transform_4, window_bounds = array<i64: 2000, 128>}]} {
    %get3A = arith.constant 0 : index
    %get3A_0 = arith.constant 0 : index
    %get3A_1 = vector.load %arg1[%get3A, %get3A_0] : memref<2000x128xf32, #tpu.memory_space<vmem>>, vector<2000x128xf32>
    %get3A_2 = arith.constant 0 : index
    %get3A_3 = arith.constant 0 : index
    %get3A_4 = vector.load %arg2[%get3A_2, %get3A_3] : memref<2000x1xf32, #tpu.memory_space<vmem>>, vector<2000x1xf32>
    %mul3A = vector.broadcast %get3A_4 : vector<2000x1xf32> to vector<2000x128xf32>
    %mul3A_5 = arith.mulf %get3A_1, %mul3A : vector<2000x128xf32>
    %get3A_6 = arith.constant 0 : index
    %get3A_7 = arith.constant 0 : index
    %get3A_8 = vector.load %arg3[%get3A_6, %get3A_7] : memref<128x128xf32, #tpu.memory_space<vmem>>, vector<128x128xf32>
    %dot_general3A = arith.constant dense<0.000000e+00> : vector<2000x128xf32>
    %dot_general3A_9 = tpu.matmul %mul3A_5, %get3A_8, %dot_general3A {dimension_numbers = #tpu.dot_dimension_numbers<[1], [0], [0], [1], [0, 0, 1, 1], [], []>, transpose_lhs_hint = false} : vector<2000x128xf32>, vector<128x128xf32>, vector<2000x128xf32> -> vector<2000x128xf32>
    %get3A_10 = arith.constant 0 : index
    %get3A_11 = arith.constant 0 : index
    %get3A_12 = vector.load %arg4[%get3A_10, %get3A_11] : memref<1x128xf32, #tpu.memory_space<vmem>>, vector<1x128xf32>
    %add3A = vector.broadcast %get3A_12 : vector<1x128xf32> to vector<2000x128xf32>
    %add3A_13 = arith.addf %dot_general3A_9, %add3A : vector<2000x128xf32>
    %swap3A = arith.constant 0 : index
    %swap3A_14 = arith.constant 0 : index
    %swap3A_15 = vector.load %arg5[%swap3A, %swap3A_14] : memref<2000x128xf32, #tpu.memory_space<vmem>>, vector<2000x128xf32>
    tpu.vector_store %arg5[%swap3A, %swap3A_14], %add3A_13 {strides = array<i32>} : memref<2000x128xf32, #tpu.memory_space<vmem>>, vector<2000x128xf32>,
    return
  }
  func.func @transform_0(%arg0: i32) -> (i32, i32) {
    %c0_i32 = arith.constant 0 : i32
    %c0_i32_0 = arith.constant 0 : i32
    return %arg0, %c0_i32 : i32, i32
  }
  func.func @transform_1(%arg0: i32) -> (i32, i32) {
    %c0_i32 = arith.constant 0 : i32
    %c0_i32_0 = arith.constant 0 : i32
    return %arg0, %c0_i32 : i32, i32
  }
  func.func @transform_2(%arg0: i32) -> (i32, i32) {
    %c0_i32 = arith.constant 0 : i32
    %c0_i32_0 = arith.constant 0 : i32
    %c0_i32_1 = arith.constant 0 : i32
    return %c0_i32, %c0_i32_0 : i32, i32
  }
  func.func @transform_3(%arg0: i32) -> (i32, i32) {
    %c0_i32 = arith.constant 0 : i32
    %c0_i32_0 = arith.constant 0 : i32
    %c0_i32_1 = arith.constant 0 : i32
    return %c0_i32, %c0_i32_0 : i32, i32
  }
  func.func @transform_4(%arg0: i32) -> (i32, i32) {
    %c0_i32 = arith.constant 0 : i32
    %c0_i32_0 = arith.constant 0 : i32
    return %arg0, %c0_i32 : i32, i32
  }
}

</mosaic_0001>

<sc_bundles>
// kernel: kernel.10.cloned.1.call-start
scs
__scs_entry_jumppad:
0x0: {  	(pc) =	sbr.rel $0x88, $3  }
0x1: {  	(tag) =	ssettag $0x0;
	lr =	simm.s32 $0x1  }
0x2: {  	[smem:$0x3F98] =	sst lr;
	_ =	strace $0xD0000000  }
0x3: {  	_ = 	snop  }
0x4: {  	_ = 	snop  }
0x5: {  	_ = 	snop  }
0x6: {  	_ = 	snop  }
0x7: {  	_ = 	snop  }
__scs_overlays_trampoline_lowered:
0x8: {  	[smem:$0x3FA7] =	sst s0  }
0x9: {  	[smem:$0x3FA8] =	sst s1  }
0xa: {  	[smem:$0x3FA9] =	sst s2  }
0xb: {  	[smem:$0x3FAA] =	sst s3  }
0xc: {  	[smem:$0x3FAB] =	sst s4  }
0xd: {  	[smem:$0x3FAC] =	sst s5  }
0xe: {  	[smem:$0x3FAD] =	sst s6  }
0xf: {  	[smem:$0x3FAE] =	sst s7  }
0x10: {  	[smem:$0x3FAF] =	sst s8  }
0x11: {  	[smem:$0x3FB0] =	sst s9;
	s0 =	simm.s32 @!p0 $0x0  }
0x12: {  	s1 =	sld [smem:$0x3F96];
	s0 =	simm.s32 @p0 $0x1  }
0x13: {  	[smem:$0x3FB1] =	sst s0;
	s0 =	simm.s32 @!p1 $0x0  }
0x14: {  	s2 =	sld [smem:$0x3F95];
	s0 =	simm.s32 @p1 $0x1  }
0x15: {  	[smem:$0x3FB2] =	sst s0;
	s0 =	simm.s32 @!p2 $0x0  }
0x16: {  	s3 =	sld [smem:$0x3FDB];
	s0 =	simm.s32 @p2 $0x1  }
0x17: {  	s4 =	simm.s32 $0x1BF5;
	[smem:$0x3FB4] =	sst s0  }
0x18: {  	s0 =	sld [smem:$0x3F97];
	_ =	swait.ge [sflag:s4], $0x0  }
0x19: {  	s7 =	sld [smem:$0x3F98]  }
0x1a: {  	s8 =	sadd.s32 $0xFFFFE003, lr  }
0x1b: {  	s9 =	sadd.s32 $0xFFFFFEF7, lr;
	s5 =	simm.s32 $0xFFFFFFFF;
	p2 =	slt.u32 s8, $0xFFFFF086  }
0x1c: {  	p1 =	slt.u32 s9, $0xF7A;
	s5 =	simm.s32 @!p2 $0x0  }
0x1d: {  	s5 =	simm.s32 @p1 $0x1;
	p0 =	seq.s32 s7, s2  }
0x1e: {  	s7 =	smul.u32 @!p0 $0xF7A, s2;
	p2 =	seq.s32 @!p0 s5, $0x0  }
0x1f: {  	s9 =	smul.u32 $0xF7A, s1;
	s8 =	simm.s32 @!p0 $0x1BF5;
	p2 =	por !p2, p0  }
0x20: {  	[sflag:s8] =	ssyncset.s32 @!p0 $0xFFFFF086;
	s6 =	sadd.s32 @!p0 s3, s7;
	s7 =	simm.s32 @!p0 $0x108  }
0x21: {  	s3 =	sadd.s32 s3, s9;
	s6 =	sadd.s32 @!p0 $0x88, s6;
	s7 =	simm.s32 @p2 $0x1082  }
0x22: {  	[simem:s7], [sflag:s8] =	dma.local @!p0 [hbm:s6], $0xF7A  }
0x23: {  	s9 =	sor.u32 $0xD0000000, s2;
	s6 =	simm.s32 $0x108;
	_ =	swait.ge @!p0 [sflag:s8], $0x0  }
0x24: {  	s3 =	sadd.s32 $0x88, s3;
	s6 =	simm.s32 @!p1 $0x1082;
	[sflag:s4] =	ssyncset.s32 $0xFFFFF086  }
0x25: {  	[simem:s6], [sflag:s4] =	dma.local [hbm:s3], $0xF7A  }
0x26: {  	[smem:$0x3F98] =	sst s1;
	(tag) =	ssettag s2;
	_ =	strace s9  }
0x27: {  	s1 =	sld [smem:$0x3FA8]  }
0x28: {  	s2 =	sld [smem:$0x3FA9]  }
0x29: {  	s4 =	sld [smem:$0x3FAB]  }
0x2a: {  	p0 =	seq.s32 s5, $0x0;
	s5 =	sld [smem:$0x3FAC]  }
0x2b: {  	s6 =	sld [smem:$0x3FAD]  }
0x2c: {  	s7 =	sld [smem:$0x3FAE]  }
0x2d: {  	s3 =	simm.s32 $0x108;
	s8 =	sld [smem:$0x3FAF]  }
0x2e: {  	s3 =	simm.s32 @!p0 $0x1082;
	s9 =	sld [smem:$0x3FB0]  }
0x2f: {  	lr =	sadd.s32 s0, s3;
	s0 =	sld [smem:$0x3FA7]  }
0x30: {  	s3 =	sld [smem:$0x3FAA]  }
0x31: {  	[smem:$0x3FB3] =	sst s10  }
0x32: {  	s10 =	sld [smem:$0x3FB1];
	_ =	sdelay $0x3  }
0x33: {  	p0 =	seq.s32 s10, $0x1;
	s10 =	sld [smem:$0x3FB3];
	_ =	sdelay $0x3  }
0x34: {  	[smem:$0x3FB3] =	sst s10  }
0x35: {  	s10 =	sld [smem:$0x3FB2];
	_ =	sdelay $0x3  }
0x36: {  	p1 =	seq.s32 s10, $0x1;
	s10 =	sld [smem:$0x3FB3];
	_ =	sdelay $0x3  }
0x37: {  	[smem:$0x3FB3] =	sst s10  }
0x38: {  	s10 =	sld [smem:$0x3FB4]  }
0x39: {  	_ = 	snop;
	(pc) =	sbr.ind lr, $3  }
0x3a: {  	_ = 	snop  }
0x3b: {  	_ = 	snop  }
0x3c: {  	p2 =	seq.s32 s10, $0x1;
	s10 =	sld [smem:$0x3FB3]  }
0x3d: {  	_ =	shalt  }
0x3e: {  	_ =	shalt  }
0x3f: {  	_ =	shalt  }
0x40: {  	_ =	shalt  }
0x41: {  	_ =	shalt  }
0x42: {  	_ =	shalt  }
0x43: {  	_ =	shalt  }
0x44: {  	_ =	shalt  }
0x45: {  	_ =	shalt  }
0x46: {  	_ =	shalt  }
0x47: {  	_ =	shalt  }
0x48: {  	_ =	shalt  }
0x49: {  	_ =	shalt  }
0x4a: {  	_ =	shalt  }
0x4b: {  	_ =	shalt  }
0x4c: {  	_ =	shalt  }
0x4d: {  	_ =	shalt  }
0x4e: {  	_ =	shalt  }
0x4f: {  	_ =	shalt  }
0x50: {  	_ =	shalt  }
0x51: {  	_ =	shalt  }
0x52: {  	_ =	shalt  }
0x53: {  	_ =	shalt  }
0x54: {  	_ =	shalt  }
0x55: {  	_ =	shalt  }
0x56: {  	_ =	shalt  }
0x57: {  	_ =	shalt  }
0x58: {  	_ =	shalt  }
0x59: {  	_ =	shalt  }
0x5a: {  	_ =	shalt  }
0x5b: {  	_ =	shalt  }
0x5c: {  	_ =	shalt  }
0x5d: {  	_ =	shalt  }
0x5e: {  	_ =	shalt  }
0x5f: {  	_ =	shalt  }
0x60: {  	_ =	shalt  }
0x61: {  	_ =	shalt  }
0x62: {  	_ =	shalt  }
0x63: {  	_ =	shalt  }
0x64: {  	_ =	shalt  }
0x65: {  	_ =	shalt  }
0x66: {  	_ =	shalt  }
0x67: {  	_ =	shalt  }
0x68: {  	_ =	shalt  }
0x69: {  	_ =	shalt  }
0x6a: {  	_ =	shalt  }
0x6b: {  	_ =	shalt  }
0x6c: {  	_ =	shalt  }
0x6d: {  	_ =	shalt  }
0x6e: {  	_ =	shalt  }
0x6f: {  	_ =	shalt  }
0x70: {  	_ =	shalt  }
0x71: {  	_ =	shalt  }
0x72: {  	_ =	shalt  }
0x73: {  	_ =	shalt  }
0x74: {  	_ =	shalt  }
0x75: {  	_ =	shalt  }
0x76: {  	_ =	shalt  }
0x77: {  	_ =	shalt  }
0x78: {  	_ =	shalt  }
0x79: {  	_ =	shalt  }
0x7a: {  	_ =	shalt  }
0x7b: {  	_ =	shalt  }
0x7c: {  	_ =	shalt  }
0x7d: {  	_ =	shalt  }
0x7e: {  	_ =	shalt  }
0x7f: {  	_ =	shalt  }
0x80: {  	_ =	shalt  }
0x81: {  	_ =	shalt  }
0x82: {  	_ =	shalt  }
0x83: {  	_ =	shalt  }
0x84: {  	_ =	shalt  }
0x85: {  	_ =	shalt  }
0x86: {  	_ =	shalt  }
0x87: {  	_ =	shalt  }
.Lfunc_end0:
.L_simem_size_0:
called_computation_lowered:
.L_overlay_start_0:
0x88: {  	s2 =	sld [smem:$0x3FD9]  }
0x89: {  	s3 =	sld [smem:$0x3FFE];
	_ =	sdelay $0x1  }
0x8a: {  	s1 =	srdreg.scid  }
0x8b: {  	s0 =	sand.u32 $0x1, s1  }
0x8c: {  	s17 =	sshll.u32 s0, $0xA;
	s2 =	sadd.s32 s3, s2  }
0x8d: {  	s2 =	sadd.s32 s2, s17  }
0x8e: {  	[smem:$0x3FBF] =	sst s2  }
0x8f: {  	_ = 	snop  }
0x90: {  	s2 =	sld [smem:$0x3FD0];
	(tm) =	ssettm $0x1  }
0x91: {  	s18 =	sld [smem:$0x3FFB];
	_ =	sdelay $0x3  }
0x92: {  	_ =	strace s18  }
0x93: {  	s3 =	sld [smem:$0x3FFC];
	_ =	sdelay $0x3  }
0x94: {  	_ =	strace s3  }
0x95: {  	s3 =	sld [smem:$0x3FFD];
	_ =	sdelay $0x3  }
0x96: {  	_ =	strace s3  }
0x97: {  	_ =	strace $0x8FFFFFFF  }
0x98: {  	s19 =	sld [smem:$0x3FDB];
	_ =	sdelay $0x1  }
0x99: {  	s4 =	simm.s32 $_scs_section_size  }
0x9a: {  	s5 =	simm.s32 $_size__tile_overlayer_lowered;
	s6 =	simm.s32 $_tile_overlayer_lowered  }
0x9b: {  	s22 =	simm.s32 $0x1BFF;
	s21 =	sshll.u32 s6, $0x1;
	s3 =	sadd.s32 s4, s19  }
0x9c: {  	s7 =	simm.s32 $0x0;
	s20 =	sshll.u32 s5, $0x1;
	s5 =	sadd.s32 s21, s3  }
0x9d: {  	[timem:s7], [sflag:s22] =	dma.local [hbm:s5], s20  }
0x9e: {  	_ =	swait.ge [sflag:s22], s20  }
0x9f: {  	s4 =	ssub.s32 $0x0, s20;
	[sflag:s22] =	ssyncset.done $0x0  }
0xa0: {  	[sflag:s22] =	ssyncadd.s32 s4;
	_ =	sdelay $0x1  }
0xa1: {  	s23 =	simm.s32 $0x1B8B  }
0xa2: {  	_ =	swait.ge [sflag:s23], $0x1  }
0xa3: {  	[sflag:s23] =	ssyncset.done $0x0  }
0xa4: {  	s25 =	simm.s32 $0x1B8E;
	s24 =	sld [smem:$0x3FFE];
	[sflag:s23] =	ssyncadd.s32 $0xFFFFFFFF  }
0xa5: {  	s26 =	simm.s32 $execute0_lowered;
	[smem:$0x3FD2] =	sst s25  }
0xa6: {  	s5 =	sshll.u32 s26, $0x1;
	_ =	strace $0x80000046;
	[dreg:$0x1] =	wrdreg $0xFFFFFFFF  }
0xa7: {  	s28 =	simm.s32 $_size_execute0_lowered;
	s3 =	sadd.s32 s3, s5;
	[dreg:$0x0] =	wrdreg $0x0  }
0xa8: {  	s5 =	sshll.u32 s28, $0x1;
	[dreg:$0x2] =	wrdreg s3  }
0xa9: {  	[dreg:$0x3] =	wrdreg s5  }
0xaa: {  	[dreg:$0x4] =	wrdreg $0xC0  }
0xab: {  	_ =	task [dreg:s7], $0x5FFFF  }
0xac: {  	[dreg:$0x1] =	wrdreg $0xFFFFFFFF  }
0xad: {  	[dreg:$0x0] =	wrdreg $0x60  }
0xae: {  	[dreg:$0x2] =	wrdreg s24  }
0xaf: {  	[dreg:$0x3] =	wrdreg s2  }
0xb0: {  	[dreg:$0x4] =	wrdreg $0x9  }
0xb1: {  	_ =	task.clear_ibuf [dreg:s7], $0x5FFFF;
	_ =	strace $0x90000046  }
0xb2: {  	s29 =	simm.s32 $0x9;
	_ =	strace $0x80000048  }
0xb3: {  	_ =	swait.ge [sflag:s29], $0x1  }
0xb4: {  	[sflag:s29] =	ssyncadd.s32 $0xFFFFFFFF  }
0xb5: {  	_ =	strace $0x90000048  }
0xb6: {  	_ =	sfence  }
0xb7: {  	s30 =	sld [smem:$0x0];
	_ =	sdelay $0x2  }
0xb8: {  	s31 =	sshll.u32 s1, $0xD;
	s1 =	sshrl.u32 s1, $0x2  }
0xb9: {  	s3 =	sand.u32 $0x4000, s31;
	s1 =	sadd.s32 s1, s30  }
0xba: {  	s0 =	sor.u32 s3, s0;
	s1 =	sshll.u32 s1, $0x11  }
0xbb: {  	s0 =	sor.u32 s1, s0  }
0xbc: {  	s0 =	sadd.s32 $0x8F2B, s0  }
0xbd: {  	[sflag:s0] =	ssyncadd.remote.s32 $0x1  }
0xbe: {  	_ =	sfence.sel $0xFFFF  }
0xbf: {  	[dreg:$0x0] =	wrdreg $0xFFFFFFFF;
	(pc) =	sbr.abs _section_cstart, $3  }
0xc0: {  	[dreg:$0x1] =	wrdreg $0xFFFFFFFF  }
0xc1: {  	_ =	task.clear_ibuf [dreg:s7], $0x2FFFF;
	_ =	strace $0x9FFFFFFF  }
0xc2: {  	(tm) =	ssettm $0x7FFFFFFF  }
0xc3: {  	_ =	shalt  }
tec
execute0_lowered:
.L_overlay_start_1:
0x0: {  	(tag) =	ssettag $0x1  }
0x1: {  	s3 =	rddreg [dreg:$0x0];
	s1 =	srdreg.scid  }
0x2: {  	s0 =	stileid.u32;
	s5 =	rddreg [dreg:$0x1]  }
0x3: {  	s9 =	simm.s32 $0x80;
	s10 =	simm.s32 $0x400;
	s11 =	simm.s32 $0x0  }
0x4: {  	s4 =	sand.u32 $0x1, s1;
	s2 =	sshll.u32 s0, $0x1;
	s8 =	sshrl.u32 s0, $0x2  }
0x5: {  	s1 =	rddreg [dreg:$0x2];
	s6 =	sor.u32 s4, s2;
	s8 =	smul.u32 $0x13C00, s8  }
0x6: {  	s2 =	simm.s32 $0x0;
	s4 =	ssub.s32 $0x2, s4;
	s7 =	smul.u32 $0x4E2, s6  }
0x7: {  	[smem:$0x7FF] =	sst s2;
	s6 =	sshll.u32 s6, $0x7;
	s31 =	sshrl.u32 s4, $0x1  }
0x8: {  	_ =	strace $0x80000047;
	s6 =	sand.u32 $0x380, s6;
	s7 =	sadd.s32 s7, s3  }
0x9: {  	s6 =	sor.u32 s8, s6;
	s3 =	sadd.s32 $0x15800, s3;
	s8 =	ssub.s32 s4, s31  }
0xa: {  	s6 =	sshrl.u32 s6, $0x3;
	s4 =	sadd.s32 $0x1C00, s7;
	s7 =	simm.s32 $0x1  }
0xb: {  	v0 =	vimm.f32 $1.000000000e+00;
	s5 =	sadd.s32 s5, s6;
	s6 =	smax.u32 s8, $0x1;
	s8 =	simm.s32 $0x2780  }
.LBB2_1:
0xc: {  	[tilespmem:s2], [sflag:$0x1] =	stream.linear.gather [hbm4b:s4+s2], $0x2710, $0x38;
	[tilespmem:$0x4F00] =	vst v63  }
0xd: {  	_ =	swait.ge [sflag:s7], $0x2710  }
0xe: {  	[sflag:s7] =	ssyncset.done $0x0  }
0xf: {  	[sflag:s7] =	ssyncadd.s32 $0xFFFFD8F0  }
0x10: {  	[tilespmem:s8], [sflag:$0x1] =	stream.linear.gather [hbm4b:s3+s2], $0x2780, $0x38;
	[tilespmem:$0x4F00] =	vst v63  }
0x11: {  	_ =	swait.ge [sflag:s7], $0x2780  }
0x12: {  	[sflag:s7] =	ssyncset.done $0x0  }
0x13: {  	s13 =	simm.s32 $0x0;
	s12 =	simm.s32 $0x40;
	[sflag:s7] =	ssyncadd.s32 $0xFFFFD880  }
.LBB2_2:
0x14: {  	p0 =	sne.s32 s12, $0x9C00;
	v1 =	vld [tilespmem:s13+$0x0];
	_ =	sdelay $0x3  }
.Ltmp0:
0x15: {  	(pc) =	sbr.rel @p0 .LBB2_2-.Ltmp0, $2  }
0x16: {  	_ =	sdelay $0x2  }
0x17: {  	s13 =	sshra.s32 s12, $0x2;
	s12 =	sadd.s32 $0x40, s12;
	[tilespmem:v1+s8+$0x0] =	vst.idx.add.f32.msk $0xffff, v0  }
0x18: {  	v1 =	vld [tilespmem:s13+$0x0];
	_ =	sdelay $0x5  }
0x19: {  	s11 =	sadd.s32 $0x1, s11  }
0x1a: {  	p0 =	sne.s32 s11, s6  }
.Ltmp1:
0x1b: {  	[tilespmem:v1+s8+$0x0] =	vst.idx.add.f32.msk $0xffff, v0;
	(pc) =	sbr.rel @p0 .LBB2_1-.Ltmp1, $4  }
0x1c: {  	[hbm4b:s5+s9] =	stream.strided.scatter [tilespmem:s8], [sflag:$0x1], $0x2780, s10, s9, $0x38;
	[tilespmem:$0x4F00] =	vst v63  }
0x1d: {  	_ =	swait.ge [sflag:s7], $0x2780  }
0x1e: {  	[sflag:s7] =	ssyncset.done $0x0  }
0x1f: {  	[sflag:s7] =	ssyncadd.s32 $0xFFFFD880  }
0x20: {  	_ =	sfence.sel $0x180000  }
0x21: {  	[bflag:$0x0] =	sbarrier.arrive $0xFFFF  }
0x22: {  	p0 =	sne.s32 s0, $0x0;
	_ =	strace $0x90000047  }
0x23: {  	s0 =	sadd.s32 @!p0 $0x100000, s1;
	[bflag:$0x2] =	sbarrier.arrive $0xFFFF  }
0x24: {  	[sflag:s0] =	ssyncadd.tile.s32 @!p0 $0x1;
	_ =	shalt  }
.Lfunc_end2:
_tile_overlayer_lowered:
.L_overlay_start_2:
0x25: {  	(tag) =	ssettag $0x2  }
0x26: {  	s0 =	rddreg [dreg:$0x0];
	s2 =	stileid.u32  }
0x27: {  	s1 =	rddreg [dreg:$0x1];
	p0 =	sne.s32 s2, $0x0  }
0x28: {  	s3 =	rddreg [dreg:$0x2];
	[bflag:$0x3] =	sbarrier.arrive $0xFFFF;
	s2 =	simm.s32 @!p0 $0x1C01  }
0x29: {  	[timem:s3], [sflag:s2] =	dma.local @!p0 [hbm:s0], s1  }
0x2a: {  	s0 =	simm.s32 @!p0 $0x1  }
0x2b: {  	_ =	swait.ge @!p0 [sflag:s0], s1  }
0x2c: {  	s1 =	ssub.s32 @!p0 $0x0, s1;
	[sflag:s0] =	ssyncset.done @!p0 $0x0  }
0x2d: {  	[sflag:s0] =	ssyncadd.s32 @!p0 s1  }
0x2e: {  	[bflag:$0x3] =	sbarrier.arrive $0xFFFF  }
0x2f: {  	_ =	shalt  }

// kernel: kernel.13.cloned.1.call-start
scs
__scs_entry_jumppad:
0x0: {  	(pc) =	sbr.rel $0x88, $3  }
0x1: {  	(tag) =	ssettag $0x0;
	lr =	simm.s32 $0x1  }
0x2: {  	[smem:$0x3F98] =	sst lr;
	_ =	strace $0xD0000000  }
0x3: {  	_ = 	snop  }
0x4: {  	_ = 	snop  }
0x5: {  	_ = 	snop  }
0x6: {  	_ = 	snop  }
0x7: {  	_ = 	snop  }
__scs_overlays_trampoline_lowered:
0x8: {  	[smem:$0x3FA7] =	sst s0  }
0x9: {  	[smem:$0x3FA8] =	sst s1  }
0xa: {  	[smem:$0x3FA9] =	sst s2  }
0xb: {  	[smem:$0x3FAA] =	sst s3  }
0xc: {  	[smem:$0x3FAB] =	sst s4  }
0xd: {  	[smem:$0x3FAC] =	sst s5  }
0xe: {  	[smem:$0x3FAD] =	sst s6  }
0xf: {  	[smem:$0x3FAE] =	sst s7  }
0x10: {  	[smem:$0x3FAF] =	sst s8  }
0x11: {  	[smem:$0x3FB0] =	sst s9;
	s0 =	simm.s32 @!p0 $0x0  }
0x12: {  	s1 =	sld [smem:$0x3F96];
	s0 =	simm.s32 @p0 $0x1  }
0x13: {  	[smem:$0x3FB1] =	sst s0;
	s0 =	simm.s32 @!p1 $0x0  }
0x14: {  	s2 =	sld [smem:$0x3F95];
	s0 =	simm.s32 @p1 $0x1  }
0x15: {  	[smem:$0x3FB2] =	sst s0;
	s0 =	simm.s32 @!p2 $0x0  }
0x16: {  	s3 =	sld [smem:$0x3FDB];
	s0 =	simm.s32 @p2 $0x1  }
0x17: {  	s4 =	simm.s32 $0x1BF5;
	[smem:$0x3FB4] =	sst s0  }
0x18: {  	s0 =	sld [smem:$0x3F97];
	_ =	swait.ge [sflag:s4], $0x0  }
0x19: {  	s7 =	sld [smem:$0x3F98]  }
0x1a: {  	s8 =	sadd.s32 $0xFFFFE003, lr  }
0x1b: {  	s9 =	sadd.s32 $0xFFFFFEF7, lr;
	s5 =	simm.s32 $0xFFFFFFFF;
	p2 =	slt.u32 s8, $0xFFFFF086  }
0x1c: {  	p1 =	slt.u32 s9, $0xF7A;
	s5 =	simm.s32 @!p2 $0x0  }
0x1d: {  	s5 =	simm.s32 @p1 $0x1;
	p0 =	seq.s32 s7, s2  }
0x1e: {  	s7 =	smul.u32 @!p0 $0xF7A, s2;
	p2 =	seq.s32 @!p0 s5, $0x0  }
0x1f: {  	s9 =	smul.u32 $0xF7A, s1;
	s8 =	simm.s32 @!p0 $0x1BF5;
	p2 =	por !p2, p0  }
0x20: {  	[sflag:s8] =	ssyncset.s32 @!p0 $0xFFFFF086;
	s6 =	sadd.s32 @!p0 s3, s7;
	s7 =	simm.s32 @!p0 $0x108  }
0x21: {  	s3 =	sadd.s32 s3, s9;
	s6 =	sadd.s32 @!p0 $0x88, s6;
	s7 =	simm.s32 @p2 $0x1082  }
0x22: {  	[simem:s7], [sflag:s8] =	dma.local @!p0 [hbm:s6], $0xF7A  }
0x23: {  	s9 =	sor.u32 $0xD0000000, s2;
	s6 =	simm.s32 $0x108;
	_ =	swait.ge @!p0 [sflag:s8], $0x0  }
0x24: {  	s3 =	sadd.s32 $0x88, s3;
	s6 =	simm.s32 @!p1 $0x1082;
	[sflag:s4] =	ssyncset.s32 $0xFFFFF086  }
0x25: {  	[simem:s6], [sflag:s4] =	dma.local [hbm:s3], $0xF7A  }
0x26: {  	[smem:$0x3F98] =	sst s1;
	(tag) =	ssettag s2;
	_ =	strace s9  }
0x27: {  	s1 =	sld [smem:$0x3FA8]  }
0x28: {  	s2 =	sld [smem:$0x3FA9]  }
0x29: {  	s4 =	sld [smem:$0x3FAB]  }
0x2a: {  	p0 =	seq.s32 s5, $0x0;
	s5 =	sld [smem:$0x3FAC]  }
0x2b: {  	s6 =	sld [smem:$0x3FAD]  }
0x2c: {  	s7 =	sld [smem:$0x3FAE]  }
0x2d: {  	s3 =	simm.s32 $0x108;
	s8 =	sld [smem:$0x3FAF]  }
0x2e: {  	s3 =	simm.s32 @!p0 $0x1082;
	s9 =	sld [smem:$0x3FB0]  }
0x2f: {  	lr =	sadd.s32 s0, s3;
	s0 =	sld [smem:$0x3FA7]  }
0x30: {  	s3 =	sld [smem:$0x3FAA]  }
0x31: {  	[smem:$0x3FB3] =	sst s10  }
0x32: {  	s10 =	sld [smem:$0x3FB1];
	_ =	sdelay $0x3  }
0x33: {  	p0 =	seq.s32 s10, $0x1;
	s10 =	sld [smem:$0x3FB3];
	_ =	sdelay $0x3  }
0x34: {  	[smem:$0x3FB3] =	sst s10  }
0x35: {  	s10 =	sld [smem:$0x3FB2];
	_ =	sdelay $0x3  }
0x36: {  	p1 =	seq.s32 s10, $0x1;
	s10 =	sld [smem:$0x3FB3];
	_ =	sdelay $0x3  }
0x37: {  	[smem:$0x3FB3] =	sst s10  }
0x38: {  	s10 =	sld [smem:$0x3FB4]  }
0x39: {  	_ = 	snop;
	(pc) =	sbr.ind lr, $3  }
0x3a: {  	_ = 	snop  }
0x3b: {  	_ = 	snop  }
0x3c: {  	p2 =	seq.s32 s10, $0x1;
	s10 =	sld [smem:$0x3FB3]  }
0x3d: {  	_ =	shalt  }
0x3e: {  	_ =	shalt  }
0x3f: {  	_ =	shalt  }
0x40: {  	_ =	shalt  }
0x41: {  	_ =	shalt  }
0x42: {  	_ =	shalt  }
0x43: {  	_ =	shalt  }
0x44: {  	_ =	shalt  }
0x45: {  	_ =	shalt  }
0x46: {  	_ =	shalt  }
0x47: {  	_ =	shalt  }
0x48: {  	_ =	shalt  }
0x49: {  	_ =	shalt  }
0x4a: {  	_ =	shalt  }
0x4b: {  	_ =	shalt  }
0x4c: {  	_ =	shalt  }
0x4d: {  	_ =	shalt  }
0x4e: {  	_ =	shalt  }
0x4f: {  	_ =	shalt  }
0x50: {  	_ =	shalt  }
0x51: {  	_ =	shalt  }
0x52: {  	_ =	shalt  }
0x53: {  	_ =	shalt  }
0x54: {  	_ =	shalt  }
0x55: {  	_ =	shalt  }
0x56: {  	_ =	shalt  }
0x57: {  	_ =	shalt  }
0x58: {  	_ =	shalt  }
0x59: {  	_ =	shalt  }
0x5a: {  	_ =	shalt  }
0x5b: {  	_ =	shalt  }
0x5c: {  	_ =	shalt  }
0x5d: {  	_ =	shalt  }
0x5e: {  	_ =	shalt  }
0x5f: {  	_ =	shalt  }
0x60: {  	_ =	shalt  }
0x61: {  	_ =	shalt  }
0x62: {  	_ =	shalt  }
0x63: {  	_ =	shalt  }
0x64: {  	_ =	shalt  }
0x65: {  	_ =	shalt  }
0x66: {  	_ =	shalt  }
0x67: {  	_ =	shalt  }
0x68: {  	_ =	shalt  }
0x69: {  	_ =	shalt  }
0x6a: {  	_ =	shalt  }
0x6b: {  	_ =	shalt  }
0x6c: {  	_ =	shalt  }
0x6d: {  	_ =	shalt  }
0x6e: {  	_ =	shalt  }
0x6f: {  	_ =	shalt  }
0x70: {  	_ =	shalt  }
0x71: {  	_ =	shalt  }
0x72: {  	_ =	shalt  }
0x73: {  	_ =	shalt  }
0x74: {  	_ =	shalt  }
0x75: {  	_ =	shalt  }
0x76: {  	_ =	shalt  }
0x77: {  	_ =	shalt  }
0x78: {  	_ =	shalt  }
0x79: {  	_ =	shalt  }
0x7a: {  	_ =	shalt  }
0x7b: {  	_ =	shalt  }
0x7c: {  	_ =	shalt  }
0x7d: {  	_ =	shalt  }
0x7e: {  	_ =	shalt  }
0x7f: {  	_ =	shalt  }
0x80: {  	_ =	shalt  }
0x81: {  	_ =	shalt  }
0x82: {  	_ =	shalt  }
0x83: {  	_ =	shalt  }
0x84: {  	_ =	shalt  }
0x85: {  	_ =	shalt  }
0x86: {  	_ =	shalt  }
0x87: {  	_ =	shalt  }
.Lfunc_end0:
.L_simem_size_0:
called_computation.1_lowered:
.L_overlay_start_0:
0x88: {  	s2 =	sld [smem:$0x3FD9]  }
0x89: {  	s3 =	sld [smem:$0x3FFE];
	_ =	sdelay $0x1  }
0x8a: {  	s1 =	srdreg.scid  }
0x8b: {  	s0 =	sand.u32 $0x1, s1  }
0x8c: {  	s17 =	sshll.u32 s0, $0xA;
	s2 =	sadd.s32 s3, s2  }
0x8d: {  	s2 =	sadd.s32 s2, s17  }
0x8e: {  	[smem:$0x3FBF] =	sst s2  }
0x8f: {  	_ = 	snop  }
0x90: {  	s2 =	sld [smem:$0x3FC7]  }
0x91: {  	s18 =	sld [smem:$0x3FD0];
	(tm) =	ssettm $0x1  }
0x92: {  	s4 =	sld [smem:$0x3FFB];
	_ =	sdelay $0x3  }
0x93: {  	_ =	strace s4  }
0x94: {  	s4 =	sld [smem:$0x3FFC];
	_ =	sdelay $0x3  }
0x95: {  	_ =	strace s4  }
0x96: {  	s4 =	sld [smem:$0x3FFD];
	_ =	sdelay $0x3  }
0x97: {  	_ =	strace s4  }
0x98: {  	_ =	strace $0x8FFFFFFF  }
0x99: {  	s19 =	sld [smem:$0x3FDB];
	_ =	sdelay $0x1  }
0x9a: {  	s5 =	simm.s32 $_scs_section_size  }
0x9b: {  	s6 =	simm.s32 $_size__tile_overlayer_lowered;
	s7 =	simm.s32 $_tile_overlayer_lowered  }
0x9c: {  	s22 =	simm.s32 $0x1BFF;
	s21 =	sshll.u32 s7, $0x1;
	s4 =	sadd.s32 s5, s19  }
0x9d: {  	s8 =	simm.s32 $0x0;
	s20 =	sshll.u32 s6, $0x1;
	s6 =	sadd.s32 s21, s4  }
0x9e: {  	[timem:s8], [sflag:s22] =	dma.local [hbm:s6], s20  }
0x9f: {  	_ =	swait.ge [sflag:s22], s20  }
0xa0: {  	s5 =	ssub.s32 $0x0, s20;
	[sflag:s22] =	ssyncset.done $0x0  }
0xa1: {  	[sflag:s22] =	ssyncadd.s32 s5;
	_ =	sdelay $0x1  }
0xa2: {  	s23 =	simm.s32 $0x1B8B  }
0xa3: {  	_ =	swait.ge [sflag:s23], $0x1  }
0xa4: {  	[sflag:s23] =	ssyncset.done $0x0  }
0xa5: {  	s25 =	simm.s32 $0x1B8E;
	s24 =	sld [smem:$0x3FFE];
	[sflag:s23] =	ssyncadd.s32 $0xFFFFFFFF  }
0xa6: {  	s26 =	simm.s32 $execute0_lowered;
	[smem:$0x3FD2] =	sst s25  }
0xa7: {  	s6 =	sshll.u32 s26, $0x1;
	_ =	strace $0x80000049;
	[dreg:$0x1] =	wrdreg $0xFFFFFFFF  }
0xa8: {  	s28 =	simm.s32 $_size_execute0_lowered;
	s4 =	sadd.s32 s4, s6;
	[dreg:$0x0] =	wrdreg $0x0  }
0xa9: {  	s6 =	sshll.u32 s28, $0x1;
	[dreg:$0x2] =	wrdreg s4  }
0xaa: {  	[dreg:$0x3] =	wrdreg s6  }
0xab: {  	[dreg:$0x4] =	wrdreg $0xC0  }
0xac: {  	_ =	task [dreg:s8], $0x5FFFF  }
0xad: {  	[dreg:$0x1] =	wrdreg $0xFFFFFFFF  }
0xae: {  	[dreg:$0x0] =	wrdreg $0x60  }
0xaf: {  	[dreg:$0x2] =	wrdreg s24  }
0xb0: {  	[dreg:$0x3] =	wrdreg s2  }
0xb1: {  	[dreg:$0x4] =	wrdreg s18  }
0xb2: {  	[dreg:$0x5] =	wrdreg $0x9  }
0xb3: {  	_ =	task.clear_ibuf [dreg:s8], $0x6FFFF;
	_ =	strace $0x90000049  }
0xb4: {  	s29 =	simm.s32 $0x9;
	_ =	strace $0x8000004B  }
0xb5: {  	_ =	swait.ge [sflag:s29], $0x1  }
0xb6: {  	[sflag:s29] =	ssyncadd.s32 $0xFFFFFFFF  }
0xb7: {  	_ =	strace $0x9000004B  }
0xb8: {  	_ =	sfence  }
0xb9: {  	s30 =	sld [smem:$0x0];
	_ =	sdelay $0x2  }
0xba: {  	s31 =	sshll.u32 s1, $0xD;
	s1 =	sshrl.u32 s1, $0x2  }
0xbb: {  	s3 =	sand.u32 $0x4000, s31;
	s1 =	sadd.s32 s1, s30  }
0xbc: {  	s0 =	sor.u32 s3, s0;
	s1 =	sshll.u32 s1, $0x11  }
0xbd: {  	s0 =	sor.u32 s1, s0  }
0xbe: {  	s0 =	sadd.s32 $0x8F2B, s0  }
0xbf: {  	[sflag:s0] =	ssyncadd.remote.s32 $0x1  }
0xc0: {  	_ =	sfence.sel $0xFFFF  }
0xc1: {  	[dreg:$0x0] =	wrdreg $0xFFFFFFFF;
	(pc) =	sbr.abs _section_cstart, $3  }
0xc2: {  	[dreg:$0x1] =	wrdreg $0xFFFFFFFF  }
0xc3: {  	_ =	task.clear_ibuf [dreg:s8], $0x2FFFF;
	_ =	strace $0x9FFFFFFF  }
0xc4: {  	(tm) =	ssettm $0x7FFFFFFF  }
0xc5: {  	_ =	shalt  }
tec
execute0_lowered:
.L_overlay_start_1:
0x0: {  	(tag) =	ssettag $0x1  }
0x1: {  	s3 =	rddreg [dreg:$0x0]  }
0x2: {  	s6 =	rddreg [dreg:$0x1];
	s1 =	srdreg.scid  }
0x3: {  	s0 =	stileid.u32;
	s7 =	rddreg [dreg:$0x2]  }
0x4: {  	s2 =	simm.s32 $0x0;
	s10 =	simm.s32 $0x2780;
	s11 =	simm.s32 $0x4F00  }
0x5: {  	s12 =	simm.s32 $0x7680;
	s4 =	sand.u32 $0x1, s1;
	s5 =	sshll.u32 s0, $0x1  }
0x6: {  	s13 =	simm.s32 $0x9E00;
	s14 =	simm.s32 $0x0;
	s5 =	sor.u32 s4, s5  }
0x7: {  	[smem:$0x7FF] =	sst s2;
	s4 =	ssub.s32 $0x2, s4;
	s8 =	smul.u32 $0x4E2, s5  }
0x8: {  	s1 =	rddreg [dreg:$0x3];
	_ =	strace $0x8000004A;
	s9 =	sshrl.u32 s4, $0x1  }
0x9: {  	s9 =	ssub.s32 s4, s9;
	s5 =	sadd.s32 s8, s3;
	s3 =	sadd.s32 $0x15800, s3  }
0xa: {  	s6 =	sadd.s32 s6, s8;
	s7 =	sadd.s32 s7, s8;
	s8 =	smax.u32 s9, $0x1  }
0xb: {  	s9 =	simm.s32 $0x1;
	s4 =	sadd.s32 $0xBA00, s5;
	s5 =	sadd.s32 $0x1C00, s5  }
.LBB2_1:
0xc: {  	[tilespmem:s2], [sflag:$0x1] =	stream.linear.gather [hbm4b:s3+s2], $0x2780, $0x38;
	[tilespmem:$0xC580] =	vst v63  }
0xd: {  	_ =	swait.ge [sflag:s9], $0x2780  }
0xe: {  	[sflag:s9] =	ssyncset.done $0x0  }
0xf: {  	[sflag:s9] =	ssyncadd.s32 $0xFFFFD880  }
0x10: {  	[tilespmem:s10], [sflag:$0x1] =	stream.linear.gather [hbm4b:s4+s2], $0x2710, $0x38;
	[tilespmem:$0xC580] =	vst v63  }
0x11: {  	_ =	swait.ge [sflag:s9], $0x2710  }
0x12: {  	[sflag:s9] =	ssyncset.done $0x0  }
0x13: {  	[sflag:s9] =	ssyncadd.s32 $0xFFFFD8F0  }
0x14: {  	[tilespmem:s11], [sflag:$0x1] =	stream.linear.gather [hbm4b:s5+s2], $0x2710, $0x38;
	[tilespmem:$0xC580] =	vst v63  }
0x15: {  	_ =	swait.ge [sflag:s9], $0x2710  }
0x16: {  	[sflag:s9] =	ssyncset.done $0x0  }
0x17: {  	[sflag:s9] =	ssyncadd.s32 $0xFFFFD8F0  }
0x18: {  	[tilespmem:s12], [sflag:$0x1] =	stream.linear.gather [hbm4b:s6+s2], $0x2710, $0x38;
	[tilespmem:$0xC580] =	vst v63  }
0x19: {  	_ =	swait.ge [sflag:s9], $0x2710  }
0x1a: {  	[sflag:s9] =	ssyncset.done $0x0  }
0x1b: {  	s15 =	simm.s32 $0x0;
	[sflag:s9] =	ssyncadd.s32 $0xFFFFD8F0  }
0x1c: {  	v0 =	vld [tilespmem:s15+$0x4F00]  }
0x1d: {  	v1 =	vld [tilespmem:s15+$0x2780];
	_ =	sdelay $0x6  }
0x1e: {  	v0 =	vld.idx.msk [tilespmem:v0+s2+$0x0], $0xffff  }
0x1f: {  	v2 =	vld.idx.msk [tilespmem:v1+s2+$0x0], $0xffff  }
0x20: {  	s16 =	simm.s32 $0x10;
	v3 =	vld [tilespmem:s15+$0x7680]  }
0x21: {  	s17 =	simm.s32 $0x80;
	v1 =	vld [tilespmem:s16+$0x4F00]  }
.LBB2_2:
0x22: {  	p0 =	sne.s32 s17, $0x9C00;
	v4 =	vld [tilespmem:s16+$0x2780];
	_ =	sdelay $0x1  }
0x23: {  	v0 =	vmul.f32 v0, v2;
	_ =	sdelay $0x1  }
0x24: {  	v0 =	vmul.f32 v0, v3;
	_ =	sdelay $0x1  }
0x25: {  	[tilespmem:s15+$0x9E00] =	vst v0;
	s15 =	smov.u32 s16  }
.Ltmp0:
0x26: {  	v0 =	vld.idx.msk [tilespmem:v1+s2+$0x0], $0xffff;
	(pc) =	sbr.rel @p0 .LBB2_2-.Ltmp0, $3  }
0x27: {  	v2 =	vld.idx.msk [tilespmem:v4+s2+$0x0], $0xffff;
	_ =	sdelay $0x1  }
0x28: {  	s16 =	sshra.s32 s17, $0x2;
	v3 =	vld [tilespmem:s15+$0x7680]  }
0x29: {  	s17 =	sadd.s32 $0x40, s17;
	v1 =	vld [tilespmem:s16+$0x4F00]  }
0x2a: {  	_ = 	snop  }
0x2b: {  	v4 =	vld [tilespmem:s16+$0x2780];
	_ =	sdelay $0x1  }
0x2c: {  	v0 =	vmul.f32 v0, v2;
	_ =	sdelay $0x1  }
0x2d: {  	v0 =	vmul.f32 v0, v3;
	_ =	sdelay $0x1  }
0x2e: {  	[tilespmem:s15+$0x9E00] =	vst v0  }
0x2f: {  	v0 =	vld.idx.msk [tilespmem:v1+s2+$0x0], $0xffff  }
0x30: {  	v62 =	vld.idx.msk [tilespmem:v4+s2+$0x0], $0xffff;
	_ =	sdelay $0x1  }
0x31: {  	v63 =	vld [tilespmem:s16+$0x7680];
	_ =	sdelay $0x2  }
0x32: {  	v0 =	vmul.f32 v0, v62;
	_ =	sdelay $0x1  }
0x33: {  	s14 =	sadd.s32 $0x1, s14;
	v0 =	vmul.f32 v0, v63  }
0x34: {  	p0 =	sne.s32 s14, s8  }
.Ltmp1:
0x35: {  	[tilespmem:s16+$0x9E00] =	vst v0;
	(pc) =	sbr.rel @p0 .LBB2_1-.Ltmp1, $4  }
0x36: {  	[hbm4b:s7+s2] =	stream.linear.scatter [tilespmem:s13], [sflag:$0x1], $0x2710, $0x38;
	[tilespmem:$0xC580] =	vst v63  }
0x37: {  	_ =	swait.ge [sflag:s9], $0x2710  }
0x38: {  	[sflag:s9] =	ssyncset.done $0x0  }
0x39: {  	[sflag:s9] =	ssyncadd.s32 $0xFFFFD8F0  }
0x3a: {  	_ =	sfence.sel $0x180000  }
0x3b: {  	[bflag:$0x0] =	sbarrier.arrive $0xFFFF  }
0x3c: {  	p0 =	sne.s32 s0, $0x0;
	_ =	strace $0x9000004A  }
0x3d: {  	s0 =	sadd.s32 @!p0 $0x100000, s1;
	[bflag:$0x2] =	sbarrier.arrive $0xFFFF  }
0x3e: {  	[sflag:s0] =	ssyncadd.tile.s32 @!p0 $0x1;
	_ =	shalt  }
.Lfunc_end2:
_tile_overlayer_lowered:
.L_overlay_start_2:
0x3f: {  	(tag) =	ssettag $0x2  }
0x40: {  	s0 =	rddreg [dreg:$0x0];
	s2 =	stileid.u32  }
0x41: {  	s1 =	rddreg [dreg:$0x1];
	p0 =	sne.s32 s2, $0x0  }
0x42: {  	s3 =	rddreg [dreg:$0x2];
	[bflag:$0x3] =	sbarrier.arrive $0xFFFF;
	s2 =	simm.s32 @!p0 $0x1C01  }
0x43: {  	[timem:s3], [sflag:s2] =	dma.local @!p0 [hbm:s0], s1  }
0x44: {  	s0 =	simm.s32 @!p0 $0x1  }
0x45: {  	_ =	swait.ge @!p0 [sflag:s0], s1  }
0x46: {  	s1 =	ssub.s32 @!p0 $0x0, s1;
	[sflag:s0] =	ssyncset.done @!p0 $0x0  }
0x47: {  	[sflag:s0] =	ssyncadd.s32 @!p0 s1  }
0x48: {  	[bflag:$0x3] =	sbarrier.arrive $0xFFFF  }
0x49: {  	_ =	shalt  }

// kernel: kernel.16.cloned.1.call-start
scs
__scs_entry_jumppad:
0x0: {  	(pc) =	sbr.rel $0x88, $3  }
0x1: {  	(tag) =	ssettag $0x0;
	lr =	simm.s32 $0x1  }
0x2: {  	[smem:$0x3F98] =	sst lr;
	_ =	strace $0xD0000000  }
0x3: {  	_ = 	snop  }
0x4: {  	_ = 	snop  }
0x5: {  	_ = 	snop  }
0x6: {  	_ = 	snop  }
0x7: {  	_ = 	snop  }
__scs_overlays_trampoline_lowered:
0x8: {  	[smem:$0x3FA7] =	sst s0  }
0x9: {  	[smem:$0x3FA8] =	sst s1  }
0xa: {  	[smem:$0x3FA9] =	sst s2  }
0xb: {  	[smem:$0x3FAA] =	sst s3  }
0xc: {  	[smem:$0x3FAB] =	sst s4  }
0xd: {  	[smem:$0x3FAC] =	sst s5  }
0xe: {  	[smem:$0x3FAD] =	sst s6  }
0xf: {  	[smem:$0x3FAE] =	sst s7  }
0x10: {  	[smem:$0x3FAF] =	sst s8  }
0x11: {  	[smem:$0x3FB0] =	sst s9;
	s0 =	simm.s32 @!p0 $0x0  }
0x12: {  	s1 =	sld [smem:$0x3F96];
	s0 =	simm.s32 @p0 $0x1  }
0x13: {  	[smem:$0x3FB1] =	sst s0;
	s0 =	simm.s32 @!p1 $0x0  }
0x14: {  	s2 =	sld [smem:$0x3F95];
	s0 =	simm.s32 @p1 $0x1  }
0x15: {  	[smem:$0x3FB2] =	sst s0;
	s0 =	simm.s32 @!p2 $0x0  }
0x16: {  	s3 =	sld [smem:$0x3FDB];
	s0 =	simm.s32 @p2 $0x1  }
0x17: {  	s4 =	simm.s32 $0x1BF5;
	[smem:$0x3FB4] =	sst s0  }
0x18: {  	s0 =	sld [smem:$0x3F97];
	_ =	swait.ge [sflag:s4], $0x0  }
0x19: {  	s7 =	sld [smem:$0x3F98]  }
0x1a: {  	s8 =	sadd.s32 $0xFFFFE003, lr  }
0x1b: {  	s9 =	sadd.s32 $0xFFFFFEF7, lr;
	s5 =	simm.s32 $0xFFFFFFFF;
	p2 =	slt.u32 s8, $0xFFFFF086  }
0x1c: {  	p1 =	slt.u32 s9, $0xF7A;
	s5 =	simm.s32 @!p2 $0x0  }
0x1d: {  	s5 =	simm.s32 @p1 $0x1;
	p0 =	seq.s32 s7, s2  }
0x1e: {  	s7 =	smul.u32 @!p0 $0xF7A, s2;
	p2 =	seq.s32 @!p0 s5, $0x0  }
0x1f: {  	s9 =	smul.u32 $0xF7A, s1;
	s8 =	simm.s32 @!p0 $0x1BF5;
	p2 =	por !p2, p0  }
0x20: {  	[sflag:s8] =	ssyncset.s32 @!p0 $0xFFFFF086;
	s6 =	sadd.s32 @!p0 s3, s7;
	s7 =	simm.s32 @!p0 $0x108  }
0x21: {  	s3 =	sadd.s32 s3, s9;
	s6 =	sadd.s32 @!p0 $0x88, s6;
	s7 =	simm.s32 @p2 $0x1082  }
0x22: {  	[simem:s7], [sflag:s8] =	dma.local @!p0 [hbm:s6], $0xF7A  }
0x23: {  	s9 =	sor.u32 $0xD0000000, s2;
	s6 =	simm.s32 $0x108;
	_ =	swait.ge @!p0 [sflag:s8], $0x0  }
0x24: {  	s3 =	sadd.s32 $0x88, s3;
	s6 =	simm.s32 @!p1 $0x1082;
	[sflag:s4] =	ssyncset.s32 $0xFFFFF086  }
0x25: {  	[simem:s6], [sflag:s4] =	dma.local [hbm:s3], $0xF7A  }
0x26: {  	[smem:$0x3F98] =	sst s1;
	(tag) =	ssettag s2;
	_ =	strace s9  }
0x27: {  	s1 =	sld [smem:$0x3FA8]  }
0x28: {  	s2 =	sld [smem:$0x3FA9]  }
0x29: {  	s4 =	sld [smem:$0x3FAB]  }
0x2a: {  	p0 =	seq.s32 s5, $0x0;
	s5 =	sld [smem:$0x3FAC]  }
0x2b: {  	s6 =	sld [smem:$0x3FAD]  }
0x2c: {  	s7 =	sld [smem:$0x3FAE]  }
0x2d: {  	s3 =	simm.s32 $0x108;
	s8 =	sld [smem:$0x3FAF]  }
0x2e: {  	s3 =	simm.s32 @!p0 $0x1082;
	s9 =	sld [smem:$0x3FB0]  }
0x2f: {  	lr =	sadd.s32 s0, s3;
	s0 =	sld [smem:$0x3FA7]  }
0x30: {  	s3 =	sld [smem:$0x3FAA]  }
0x31: {  	[smem:$0x3FB3] =	sst s10  }
0x32: {  	s10 =	sld [smem:$0x3FB1];
	_ =	sdelay $0x3  }
0x33: {  	p0 =	seq.s32 s10, $0x1;
	s10 =	sld [smem:$0x3FB3];
	_ =	sdelay $0x3  }
0x34: {  	[smem:$0x3FB3] =	sst s10  }
0x35: {  	s10 =	sld [smem:$0x3FB2];
	_ =	sdelay $0x3  }
0x36: {  	p1 =	seq.s32 s10, $0x1;
	s10 =	sld [smem:$0x3FB3];
	_ =	sdelay $0x3  }
0x37: {  	[smem:$0x3FB3] =	sst s10  }
0x38: {  	s10 =	sld [smem:$0x3FB4]  }
0x39: {  	_ = 	snop;
	(pc) =	sbr.ind lr, $3  }
0x3a: {  	_ = 	snop  }
0x3b: {  	_ = 	snop  }
0x3c: {  	p2 =	seq.s32 s10, $0x1;
	s10 =	sld [smem:$0x3FB3]  }
0x3d: {  	_ =	shalt  }
0x3e: {  	_ =	shalt  }
0x3f: {  	_ =	shalt  }
0x40: {  	_ =	shalt  }
0x41: {  	_ =	shalt  }
0x42: {  	_ =	shalt  }
0x43: {  	_ =	shalt  }
0x44: {  	_ =	shalt  }
0x45: {  	_ =	shalt  }
0x46: {  	_ =	shalt  }
0x47: {  	_ =	shalt  }
0x48: {  	_ =	shalt  }
0x49: {  	_ =	shalt  }
0x4a: {  	_ =	shalt  }
0x4b: {  	_ =	shalt  }
0x4c: {  	_ =	shalt  }
0x4d: {  	_ =	shalt  }
0x4e: {  	_ =	shalt  }
0x4f: {  	_ =	shalt  }
0x50: {  	_ =	shalt  }
0x51: {  	_ =	shalt  }
0x52: {  	_ =	shalt  }
0x53: {  	_ =	shalt  }
0x54: {  	_ =	shalt  }
0x55: {  	_ =	shalt  }
0x56: {  	_ =	shalt  }
0x57: {  	_ =	shalt  }
0x58: {  	_ =	shalt  }
0x59: {  	_ =	shalt  }
0x5a: {  	_ =	shalt  }
0x5b: {  	_ =	shalt  }
0x5c: {  	_ =	shalt  }
0x5d: {  	_ =	shalt  }
0x5e: {  	_ =	shalt  }
0x5f: {  	_ =	shalt  }
0x60: {  	_ =	shalt  }
0x61: {  	_ =	shalt  }
0x62: {  	_ =	shalt  }
0x63: {  	_ =	shalt  }
0x64: {  	_ =	shalt  }
0x65: {  	_ =	shalt  }
0x66: {  	_ =	shalt  }
0x67: {  	_ =	shalt  }
0x68: {  	_ =	shalt  }
0x69: {  	_ =	shalt  }
0x6a: {  	_ =	shalt  }
0x6b: {  	_ =	shalt  }
0x6c: {  	_ =	shalt  }
0x6d: {  	_ =	shalt  }
0x6e: {  	_ =	shalt  }
0x6f: {  	_ =	shalt  }
0x70: {  	_ =	shalt  }
0x71: {  	_ =	shalt  }
0x72: {  	_ =	shalt  }
0x73: {  	_ =	shalt  }
0x74: {  	_ =	shalt  }
0x75: {  	_ =	shalt  }
0x76: {  	_ =	shalt  }
0x77: {  	_ =	shalt  }
0x78: {  	_ =	shalt  }
0x79: {  	_ =	shalt  }
0x7a: {  	_ =	shalt  }
0x7b: {  	_ =	shalt  }
0x7c: {  	_ =	shalt  }
0x7d: {  	_ =	shalt  }
0x7e: {  	_ =	shalt  }
0x7f: {  	_ =	shalt  }
0x80: {  	_ =	shalt  }
0x81: {  	_ =	shalt  }
0x82: {  	_ =	shalt  }
0x83: {  	_ =	shalt  }
0x84: {  	_ =	shalt  }
0x85: {  	_ =	shalt  }
0x86: {  	_ =	shalt  }
0x87: {  	_ =	shalt  }
.Lfunc_end0:
.L_simem_size_0:
called_computation.2_lowered:
.L_overlay_start_0:
0x88: {  	s2 =	sld [smem:$0x3FD9]  }
0x89: {  	s3 =	sld [smem:$0x3FFE];
	_ =	sdelay $0x1  }
0x8a: {  	s1 =	srdreg.scid  }
0x8b: {  	s0 =	sand.u32 $0x1, s1  }
0x8c: {  	s17 =	sshll.u32 s0, $0xA;
	s2 =	sadd.s32 s3, s2  }
0x8d: {  	s2 =	sadd.s32 s2, s17  }
0x8e: {  	[smem:$0x3FBF] =	sst s2  }
0x8f: {  	_ = 	snop  }
0x90: {  	s2 =	sld [smem:$0x3FD0];
	(tm) =	ssettm $0x1  }
0x91: {  	s18 =	sld [smem:$0x3FFB];
	_ =	sdelay $0x3  }
0x92: {  	_ =	strace s18  }
0x93: {  	s3 =	sld [smem:$0x3FFC];
	_ =	sdelay $0x3  }
0x94: {  	_ =	strace s3  }
0x95: {  	s3 =	sld [smem:$0x3FFD];
	_ =	sdelay $0x3  }
0x96: {  	_ =	strace s3  }
0x97: {  	_ =	strace $0x8FFFFFFF  }
0x98: {  	s19 =	sld [smem:$0x3FDB];
	_ =	sdelay $0x1  }
0x99: {  	s4 =	simm.s32 $_scs_section_size  }
0x9a: {  	s5 =	simm.s32 $_size__tile_overlayer_lowered;
	s6 =	simm.s32 $_tile_overlayer_lowered  }
0x9b: {  	s22 =	simm.s32 $0x1BFF;
	s21 =	sshll.u32 s6, $0x1;
	s3 =	sadd.s32 s4, s19  }
0x9c: {  	s7 =	simm.s32 $0x0;
	s20 =	sshll.u32 s5, $0x1;
	s5 =	sadd.s32 s21, s3  }
0x9d: {  	[timem:s7], [sflag:s22] =	dma.local [hbm:s5], s20  }
0x9e: {  	_ =	swait.ge [sflag:s22], s20  }
0x9f: {  	s4 =	ssub.s32 $0x0, s20;
	[sflag:s22] =	ssyncset.done $0x0  }
0xa0: {  	[sflag:s22] =	ssyncadd.s32 s4;
	_ =	sdelay $0x1  }
0xa1: {  	s23 =	simm.s32 $0x1B8B  }
0xa2: {  	_ =	swait.ge [sflag:s23], $0x1  }
0xa3: {  	[sflag:s23] =	ssyncset.done $0x0  }
0xa4: {  	s25 =	simm.s32 $0x1B8E;
	s24 =	sld [smem:$0x3FFE];
	[sflag:s23] =	ssyncadd.s32 $0xFFFFFFFF  }
0xa5: {  	s26 =	simm.s32 $execute0_lowered;
	[smem:$0x3FD2] =	sst s25  }
0xa6: {  	s5 =	sshll.u32 s26, $0x1;
	_ =	strace $0x8000004C;
	[dreg:$0x1] =	wrdreg $0xFFFFFFFF  }
0xa7: {  	s28 =	simm.s32 $_size_execute0_lowered;
	s3 =	sadd.s32 s3, s5;
	[dreg:$0x0] =	wrdreg $0x0  }
0xa8: {  	s5 =	sshll.u32 s28, $0x1;
	[dreg:$0x2] =	wrdreg s3  }
0xa9: {  	[dreg:$0x3] =	wrdreg s5  }
0xaa: {  	[dreg:$0x4] =	wrdreg $0xC0  }
0xab: {  	_ =	task [dreg:s7], $0x5FFFF  }
0xac: {  	[dreg:$0x1] =	wrdreg $0xFFFFFFFF  }
0xad: {  	[dreg:$0x0] =	wrdreg $0x60  }
0xae: {  	[dreg:$0x2] =	wrdreg s24  }
0xaf: {  	[dreg:$0x3] =	wrdreg s2  }
0xb0: {  	[dreg:$0x4] =	wrdreg $0x9  }
0xb1: {  	_ =	task.clear_ibuf [dreg:s7], $0x5FFFF;
	_ =	strace $0x9000004C  }
0xb2: {  	s29 =	simm.s32 $0x9;
	_ =	strace $0x8000004E  }
0xb3: {  	_ =	swait.ge [sflag:s29], $0x1  }
0xb4: {  	[sflag:s29] =	ssyncadd.s32 $0xFFFFFFFF  }
0xb5: {  	_ =	strace $0x9000004E  }
0xb6: {  	_ =	sfence  }
0xb7: {  	s30 =	sld [smem:$0x0];
	_ =	sdelay $0x2  }
0xb8: {  	s31 =	sshll.u32 s1, $0xD;
	s1 =	sshrl.u32 s1, $0x2  }
0xb9: {  	s3 =	sand.u32 $0x4000, s31;
	s1 =	sadd.s32 s1, s30  }
0xba: {  	s0 =	sor.u32 s3, s0;
	s1 =	sshll.u32 s1, $0x11  }
0xbb: {  	s0 =	sor.u32 s1, s0  }
0xbc: {  	s0 =	sadd.s32 $0x8F2B, s0  }
0xbd: {  	[sflag:s0] =	ssyncadd.remote.s32 $0x1  }
0xbe: {  	_ =	sfence.sel $0xFFFF  }
0xbf: {  	[dreg:$0x0] =	wrdreg $0xFFFFFFFF;
	(pc) =	sbr.abs _section_cstart, $3  }
0xc0: {  	[dreg:$0x1] =	wrdreg $0xFFFFFFFF  }
0xc1: {  	_ =	task.clear_ibuf [dreg:s7], $0x2FFFF;
	_ =	strace $0x9FFFFFFF  }
0xc2: {  	(tm) =	ssettm $0x7FFFFFFF  }
0xc3: {  	_ =	shalt  }
tec
execute0_lowered:
.L_overlay_start_1:
0x0: {  	(tag) =	ssettag $0x1  }
0x1: {  	s6 =	rddreg [dreg:$0x0]  }
0x2: {  	s2 =	rddreg [dreg:$0x1]  }
0x3: {  	s0 =	rddreg [dreg:$0x2];
	s3 =	simm.s32 $0x0  }
0x4: {  	s4 =	srdreg.scid;
	s1 =	stileid.u32;
	s11 =	simm.s32 $0x400  }
0x5: {  	s12 =	simm.s32 $0x3;
	s13 =	simm.s32 $0x9C80;
	s14 =	simm.s32 $0x13900  }
0x6: {  	s15 =	simm.s32 $0x15880;
	s16 =	simm.s32 $0x17800;
	s17 =	simm.s32 $0x1  }
0x7: {  	s18 =	simm.s32 $0x19780;
	s19 =	simm.s32 $0x1B700;
	s20 =	simm.s32 $0x1D680  }
0x8: {  	s5 =	sand.u32 $0x1, s4;
	s29 =	sshrl.u32 s1, $0x2;
	s7 =	sshll.u32 s1, $0x8  }
0x9: {  	s4 =	smul.u32 $0x4E400, s29;
	s8 =	sshll.u32 s5, $0x7;
	s7 =	sand.u32 $0x300, s7  }
0xa: {  	s21 =	simm.s32 $0x2;
	[smem:$0x7FF] =	sst s3;
	s7 =	sor.u32 s8, s7  }
0xb: {  	s22 =	simm.s32 $0x0;
	_ =	strace $0x8000004D;
	s7 =	sor.u32 s4, s7  }
0xc: {  	s30 =	ssub.s32 $0x2, s5;
	s5 =	sadd.s32 $0x1C00, s6;
	s7 =	sshrl.u32 s7, $0x3  }
0xd: {  	s31 =	sshrl.u32 s30, $0x1;
	s4 =	sadd.s32 $0xBA00, s6;
	s9 =	sadd.s32 s7, s6  }
0xe: {  	s10 =	ssub.s32 s30, s31;
	s6 =	sadd.s32 $0x3D000, s6;
	s7 =	sadd.s32 $0x15E00, s9  }
0xf: {  	s8 =	sadd.s32 $0x3E400, s9;
	s9 =	smax.u32 s10, $0x1;
	s10 =	simm.s32 $0x80  }
.LBB2_1:
0x10: {  	[tilespmem:s3], [sflag:$0x3] =	stream.strided.gather [hbm4b:s7+s10], $0x9C80, s11, s10, $0x38;
	[tilespmem:$0x1F600] =	vst v63  }
0x11: {  	_ =	swait.ge [sflag:s12], $0x9C80  }
0x12: {  	[sflag:s12] =	ssyncset.done $0x0  }
0x13: {  	[sflag:s12] =	ssyncadd.s32 $0xFFFF6380  }
0x14: {  	[tilespmem:s13], [sflag:$0x3] =	stream.linear.gather [hbm4b:s6+s3], $0x9C80, $0x38;
	[tilespmem:$0x1F600] =	vst v63  }
0x15: {  	_ =	swait.ge [sflag:s12], $0x9C80  }
0x16: {  	[sflag:s12] =	ssyncset.done $0x0  }
0x17: {  	[sflag:s12] =	ssyncadd.s32 $0xFFFF6380  }
0x18: {  	[tilespmem:s14], [sflag:$0x1] =	stream.linear.gather [hbm4b:s4+s3], $0x1F40, $0x38;
	[tilespmem:$0x1F600] =	vst v63  }
0x19: {  	_ = 	snop  }
0x1a: {  	[tilespmem:s15], [sflag:$0x1] =	stream.linear.gather [hbm4b:s5+s3], $0x1F40, $0x38;
	[tilespmem:$0x1F600] =	vst v63  }
0x1b: {  	s23 =	simm.s32 $0x0  }
0x1c: {  	[tilespmem:s16], [sflag:$0x1] =	stream.linear.gather [hbm4b:s2+s3], $0x1F40, $0x38;
	[tilespmem:$0x1F600] =	vst v63  }
.LBB2_2:
0x1d: {  	_ =	swait.ge [sflag:s17], $0x1F40  }
0x1e: {  	[sflag:s17] =	ssyncset.done $0x0  }
0x1f: {  	[sflag:s17] =	ssyncadd.s32 $0xFFFFE0C0  }
0x20: {  	_ =	swait.ge [sflag:s17], $0x1F40  }
0x21: {  	s24 =	smul.u32 $0x3E80, s23;
	[sflag:s17] =	ssyncset.done $0x0  }
0x22: {  	[sflag:s17] =	ssyncadd.s32 $0xFFFFE0C0  }
0x23: {  	s25 =	sshrl.u32 s24, $0x3;
	_ =	swait.ge [sflag:s17], $0x1F40  }
0x24: {  	s25 =	sadd.s32 $0x3E8, s25;
	[sflag:s17] =	ssyncset.done $0x0  }
0x25: {  	s28 =	simm.s32 $0x0;
	s26 =	sadd.s32 s4, s25;
	[sflag:s17] =	ssyncadd.s32 $0xFFFFE0C0  }
0x26: {  	[tilespmem:s18], [sflag:$0x2] =	stream.linear.gather [hbm4b:s26+s28], $0x1F40, $0x38;
	[tilespmem:$0x1F600] =	vst v63  }
0x27: {  	s31 =	sadd.s32 s5, s25  }
0x28: {  	[tilespmem:s19], [sflag:$0x2] =	stream.linear.gather [hbm4b:s31+s28], $0x1F40, $0x38;
	[tilespmem:$0x1F600] =	vst v63  }
0x29: {  	s25 =	sadd.s32 s2, s25  }
0x2a: {  	[tilespmem:s20], [sflag:$0x2] =	stream.linear.gather [hbm4b:s25+s28], $0x1F40, $0x38;
	[tilespmem:$0x1F600] =	vst v63  }
0x2b: {  	s26 =	simm.s32 $0x0;
	s25 =	simm.s32 $0x40  }
.LBB2_3:
0x2c: {  	p0 =	sne.s32 s25, $0x7CC0;
	v0 =	vld [tilespmem:s26+$0x13900]  }
0x2d: {  	v1 =	vld [tilespmem:s26+$0x15880]  }
0x2e: {  	v2 =	vld [tilespmem:s26+$0x17800];
	_ =	sdelay $0x2  }
0x2f: {  	v0 =	vshll.u32 v0, $0x2;
	_ =	sdelay $0x4  }
0x30: {  	v3 =	vld.idx.msk [tilespmem:v0+s3+$0x0], $0xffff;
	_ =	sdelay $0x2  }
0x31: {  	v1 =	vshll.u32 v1, $0x2  }
0x32: {  	v4 =	vor.u32 $0x1, v0;
	_ =	sdelay $0x1  }
0x33: {  	v3 =	vmul.f32 v3, v2;
	_ =	sdelay $0x1  }
0x34: {  	[tilespmem:v1+s13+$0x0] =	vst.idx.add.f32.msk $0xffff, v3  }
0x35: {  	v3 =	vld.idx.msk [tilespmem:v4+s3+$0x0], $0xffff;
	_ =	sdelay $0x2  }
0x36: {  	v4 =	vor.u32 $0x1, v1  }
0x37: {  	v5 =	vor.u32 $0x2, v0;
	_ =	sdelay $0x1  }
0x38: {  	v3 =	vmul.f32 v3, v2;
	_ =	sdelay $0x1  }
0x39: {  	[tilespmem:v4+s13+$0x0] =	vst.idx.add.f32.msk $0xffff, v3  }
0x3a: {  	v3 =	vld.idx.msk [tilespmem:v5+s3+$0x0], $0xffff;
	_ =	sdelay $0x2  }
0x3b: {  	v4 =	vor.u32 $0x2, v1  }
0x3c: {  	v0 =	vor.u32 $0x3, v0;
	_ =	sdelay $0x1  }
0x3d: {  	v3 =	vmul.f32 v3, v2;
	_ =	sdelay $0x1  }
0x3e: {  	[tilespmem:v4+s13+$0x0] =	vst.idx.add.f32.msk $0xffff, v3  }
0x3f: {  	v0 =	vld.idx.msk [tilespmem:v0+s3+$0x0], $0xffff;
	_ =	sdelay $0x2  }
0x40: {  	v1 =	vor.u32 $0x3, v1  }
.Ltmp0:
0x41: {  	(pc) =	sbr.rel @p0 .LBB2_3-.Ltmp0, $3  }
0x42: {  	_ = 	snop  }
0x43: {  	v0 =	vmul.f32 v0, v2;
	_ =	sdelay $0x1  }
0x44: {  	s26 =	sshra.s32 s25, $0x2;
	s25 =	sadd.s32 $0x40, s25;
	[tilespmem:v1+s13+$0x0] =	vst.idx.add.f32.msk $0xffff, v0  }
0x45: {  	v0 =	vld [tilespmem:s26+$0x13900];
	_ =	sdelay $0x4  }
0x46: {  	v0 =	vshll.u32 v0, $0x2;
	_ =	sdelay $0x1  }
0x47: {  	v1 =	vld [tilespmem:s26+$0x15880];
	_ =	sdelay $0x1  }
0x48: {  	v2 =	vld [tilespmem:s26+$0x17800]  }
0x49: {  	v3 =	vld.idx.msk [tilespmem:v0+s3+$0x0], $0xffff;
	_ =	sdelay $0x1  }
0x4a: {  	v1 =	vshll.u32 v1, $0x2  }
0x4b: {  	v4 =	vor.u32 $0x1, v0;
	_ =	sdelay $0x1  }
0x4c: {  	v3 =	vmul.f32 v3, v2;
	_ =	sdelay $0x1  }
0x4d: {  	[tilespmem:v1+s13+$0x0] =	vst.idx.add.f32.msk $0xffff, v3  }
0x4e: {  	v3 =	vld.idx.msk [tilespmem:v4+s3+$0x0], $0xffff;
	_ =	sdelay $0x1  }
0x4f: {  	v62 =	vor.u32 $0x1, v1  }
0x50: {  	v5 =	vor.u32 $0x2, v0;
	_ =	sdelay $0x1  }
0x51: {  	v3 =	vmul.f32 v3, v2;
	_ =	sdelay $0x1  }
0x52: {  	[tilespmem:v62+s13+$0x0] =	vst.idx.add.f32.msk $0xffff, v3  }
0x53: {  	v3 =	vld.idx.msk [tilespmem:v5+s3+$0x0], $0xffff;
	_ =	sdelay $0x1  }
0x54: {  	v63 =	vor.u32 $0x2, v1  }
0x55: {  	v0 =	vor.u32 $0x3, v0;
	_ =	sdelay $0x1  }
0x56: {  	v3 =	vmul.f32 v3, v2;
	_ =	sdelay $0x1  }
0x57: {  	[tilespmem:v63+s13+$0x0] =	vst.idx.add.f32.msk $0xffff, v3  }
0x58: {  	v0 =	vld.idx.msk [tilespmem:v0+s3+$0x0], $0xffff;
	_ =	sdelay $0x1  }
0x59: {  	v1 =	vor.u32 $0x3, v1;
	_ =	sdelay $0x2  }
0x5a: {  	v0 =	vmul.f32 v0, v2;
	_ =	sdelay $0x1  }
0x5b: {  	[tilespmem:v1+s13+$0x0] =	vst.idx.add.f32.msk $0xffff, v0  }
0x5c: {  	_ =	swait.ge [sflag:s21], $0x1F40  }
0x5d: {  	[sflag:s21] =	ssyncset.done $0x0  }
0x5e: {  	[sflag:s21] =	ssyncadd.s32 $0xFFFFE0C0  }
0x5f: {  	_ =	swait.ge [sflag:s21], $0x1F40  }
0x60: {  	[sflag:s21] =	ssyncset.done $0x0  }
0x61: {  	p0 =	seq.s32 s23, $0x13;
	[sflag:s21] =	ssyncadd.s32 $0xFFFFE0C0  }
0x62: {  	s24 =	sshrl.u32 @!p0 s24, $0x3;
	_ =	swait.ge [sflag:s21], $0x1F40  }
0x63: {  	s26 =	simm.s32 @!p0 $0x0;
	s24 =	sadd.s32 @!p0 $0x7D0, s24;
	[sflag:s21] =	ssyncset.done $0x0  }
0x64: {  	s28 =	simm.s32 @!p0 $0x13900;
	s25 =	sadd.s32 @!p0 s4, s24;
	[sflag:s21] =	ssyncadd.s32 $0xFFFFE0C0  }
0x65: {  	[tilespmem:s28], [sflag:$0x1] =	stream.linear.gather @!p0 [hbm4b:s25+s26], $0x1F40, $0x38;
	[tilespmem:$0x1F600] =	vst v63  }
0x66: {  	s25 =	sadd.s32 @!p0 s5, s24;
	s28 =	simm.s32 @!p0 $0x15880  }
0x67: {  	[tilespmem:s28], [sflag:$0x1] =	stream.linear.gather @!p0 [hbm4b:s25+s26], $0x1F40, $0x38;
	[tilespmem:$0x1F600] =	vst v63  }
0x68: {  	s24 =	sadd.s32 @!p0 s2, s24;
	s25 =	simm.s32 @!p0 $0x17800  }
0x69: {  	[tilespmem:s25], [sflag:$0x1] =	stream.linear.gather @!p0 [hbm4b:s24+s26], $0x1F40, $0x38;
	[tilespmem:$0x1F600] =	vst v63  }
0x6a: {  	s25 =	simm.s32 $0x0;
	s24 =	simm.s32 $0x40  }
.LBB2_5:
0x6b: {  	p0 =	sne.s32 s24, $0x7CC0;
	v0 =	vld [tilespmem:s25+$0x19780]  }
0x6c: {  	v1 =	vld [tilespmem:s25+$0x1B700]  }
0x6d: {  	v2 =	vld [tilespmem:s25+$0x1D680];
	_ =	sdelay $0x2  }
0x6e: {  	v0 =	vshll.u32 v0, $0x2;
	_ =	sdelay $0x4  }
0x6f: {  	v3 =	vld.idx.msk [tilespmem:v0+s3+$0x0], $0xffff;
	_ =	sdelay $0x2  }
0x70: {  	v1 =	vshll.u32 v1, $0x2  }
0x71: {  	v4 =	vor.u32 $0x1, v0;
	_ =	sdelay $0x1  }
0x72: {  	v3 =	vmul.f32 v3, v2;
	_ =	sdelay $0x1  }
0x73: {  	[tilespmem:v1+s13+$0x0] =	vst.idx.add.f32.msk $0xffff, v3  }
0x74: {  	v3 =	vld.idx.msk [tilespmem:v4+s3+$0x0], $0xffff;
	_ =	sdelay $0x2  }
0x75: {  	v4 =	vor.u32 $0x1, v1  }
0x76: {  	v5 =	vor.u32 $0x2, v0;
	_ =	sdelay $0x1  }
0x77: {  	v3 =	vmul.f32 v3, v2;
	_ =	sdelay $0x1  }
0x78: {  	[tilespmem:v4+s13+$0x0] =	vst.idx.add.f32.msk $0xffff, v3  }
0x79: {  	v3 =	vld.idx.msk [tilespmem:v5+s3+$0x0], $0xffff;
	_ =	sdelay $0x2  }
0x7a: {  	v4 =	vor.u32 $0x2, v1  }
0x7b: {  	v0 =	vor.u32 $0x3, v0;
	_ =	sdelay $0x1  }
0x7c: {  	v3 =	vmul.f32 v3, v2;
	_ =	sdelay $0x1  }
0x7d: {  	[tilespmem:v4+s13+$0x0] =	vst.idx.add.f32.msk $0xffff, v3  }
0x7e: {  	v0 =	vld.idx.msk [tilespmem:v0+s3+$0x0], $0xffff;
	_ =	sdelay $0x2  }
0x7f: {  	v1 =	vor.u32 $0x3, v1  }
.Ltmp1:
0x80: {  	(pc) =	sbr.rel @p0 .LBB2_5-.Ltmp1, $3  }
0x81: {  	_ = 	snop  }
0x82: {  	v0 =	vmul.f32 v0, v2;
	_ =	sdelay $0x1  }
0x83: {  	s25 =	sshra.s32 s24, $0x2;
	s24 =	sadd.s32 $0x40, s24;
	[tilespmem:v1+s13+$0x0] =	vst.idx.add.f32.msk $0xffff, v0  }
0x84: {  	v0 =	vld [tilespmem:s25+$0x19780];
	_ =	sdelay $0x4  }
0x85: {  	v0 =	vshll.u32 v0, $0x2;
	_ =	sdelay $0x1  }
0x86: {  	v1 =	vld [tilespmem:s25+$0x1B700];
	_ =	sdelay $0x1  }
0x87: {  	v2 =	vld [tilespmem:s25+$0x1D680]  }
0x88: {  	v3 =	vld.idx.msk [tilespmem:v0+s3+$0x0], $0xffff;
	_ =	sdelay $0x1  }
0x89: {  	v1 =	vshll.u32 v1, $0x2  }
0x8a: {  	v4 =	vor.u32 $0x1, v0;
	_ =	sdelay $0x1  }
0x8b: {  	v3 =	vmul.f32 v3, v2;
	_ =	sdelay $0x1  }
0x8c: {  	[tilespmem:v1+s13+$0x0] =	vst.idx.add.f32.msk $0xffff, v3  }
0x8d: {  	v3 =	vld.idx.msk [tilespmem:v4+s3+$0x0], $0xffff;
	_ =	sdelay $0x1  }
0x8e: {  	v62 =	vor.u32 $0x1, v1  }
0x8f: {  	v5 =	vor.u32 $0x2, v0;
	_ =	sdelay $0x1  }
0x90: {  	v3 =	vmul.f32 v3, v2;
	_ =	sdelay $0x1  }
0x91: {  	[tilespmem:v62+s13+$0x0] =	vst.idx.add.f32.msk $0xffff, v3  }
0x92: {  	v3 =	vld.idx.msk [tilespmem:v5+s3+$0x0], $0xffff;
	_ =	sdelay $0x1  }
0x93: {  	v63 =	vor.u32 $0x2, v1  }
0x94: {  	v0 =	vor.u32 $0x3, v0;
	_ =	sdelay $0x1  }
0x95: {  	v3 =	vmul.f32 v3, v2;
	_ =	sdelay $0x1  }
0x96: {  	[tilespmem:v63+s13+$0x0] =	vst.idx.add.f32.msk $0xffff, v3  }
0x97: {  	v0 =	vld.idx.msk [tilespmem:v0+s3+$0x0], $0xffff  }
0x98: {  	s23 =	sadd.s32 $0x1, s23  }
0x99: {  	p0 =	sne.s32 s23, $0x14;
	v1 =	vor.u32 $0x3, v1  }
.Ltmp2:
0x9a: {  	_ = 	snop;
	(pc) =	sbr.rel @p0 .LBB2_2-.Ltmp2, $3  }
0x9b: {  	_ = 	snop  }
0x9c: {  	v0 =	vmul.f32 v0, v2;
	_ =	sdelay $0x1  }
0x9d: {  	[tilespmem:v1+s13+$0x0] =	vst.idx.add.f32.msk $0xffff, v0  }
0x9e: {  	s22 =	sadd.s32 $0x1, s22  }
0x9f: {  	p0 =	sne.s32 s22, s9  }
.Ltmp3:
0xa0: {  	_ = 	snop;
	(pc) =	sbr.rel @p0 .LBB2_1-.Ltmp3, $4  }
0xa1: {  	[hbm4b:s8+s10] =	stream.strided.scatter [tilespmem:s13], [sflag:$0x3], $0x9C80, s11, s10, $0x38;
	[tilespmem:$0x1F600] =	vst v63  }
0xa2: {  	_ =	swait.ge [sflag:s12], $0x9C80  }
0xa3: {  	[sflag:s12] =	ssyncset.done $0x0  }
0xa4: {  	[sflag:s12] =	ssyncadd.s32 $0xFFFF6380  }
0xa5: {  	_ =	sfence.sel $0x180000  }
0xa6: {  	[bflag:$0x0] =	sbarrier.arrive $0xFFFF  }
0xa7: {  	p0 =	sne.s32 s1, $0x0;
	_ =	strace $0x9000004D  }
0xa8: {  	s0 =	sadd.s32 @!p0 $0x100000, s0;
	[bflag:$0x2] =	sbarrier.arrive $0xFFFF  }
0xa9: {  	[sflag:s0] =	ssyncadd.tile.s32 @!p0 $0x1;
	_ =	shalt  }
.Lfunc_end2:
_tile_overlayer_lowered:
.L_overlay_start_2:
0xaa: {  	(tag) =	ssettag $0x2  }
0xab: {  	s0 =	rddreg [dreg:$0x0];
	s2 =	stileid.u32  }
0xac: {  	s1 =	rddreg [dreg:$0x1];
	p0 =	sne.s32 s2, $0x0  }
0xad: {  	s3 =	rddreg [dreg:$0x2];
	[bflag:$0x3] =	sbarrier.arrive $0xFFFF;
	s2 =	simm.s32 @!p0 $0x1C03  }
0xae: {  	[timem:s3], [sflag:s2] =	dma.local @!p0 [hbm:s0], s1  }
0xaf: {  	s0 =	simm.s32 @!p0 $0x3  }
0xb0: {  	_ =	swait.ge @!p0 [sflag:s0], s1  }
0xb1: {  	s1 =	ssub.s32 @!p0 $0x0, s1;
	[sflag:s0] =	ssyncset.done @!p0 $0x0  }
0xb2: {  	[sflag:s0] =	ssyncadd.s32 @!p0 s1  }
0xb3: {  	[bflag:$0x3] =	sbarrier.arrive $0xFFFF  }
0xb4: {  	_ =	shalt  }

// kernel: kernel.19.cloned.1.call-start
scs
__scs_entry_jumppad:
0x0: {  	(pc) =	sbr.rel $0x88, $3  }
0x1: {  	(tag) =	ssettag $0x0;
	lr =	simm.s32 $0x1  }
0x2: {  	[smem:$0x3F98] =	sst lr;
	_ =	strace $0xD0000000  }
0x3: {  	_ = 	snop  }
0x4: {  	_ = 	snop  }
0x5: {  	_ = 	snop  }
0x6: {  	_ = 	snop  }
0x7: {  	_ = 	snop  }
__scs_overlays_trampoline_lowered:
0x8: {  	[smem:$0x3FA7] =	sst s0  }
0x9: {  	[smem:$0x3FA8] =	sst s1  }
0xa: {  	[smem:$0x3FA9] =	sst s2  }
0xb: {  	[smem:$0x3FAA] =	sst s3  }
0xc: {  	[smem:$0x3FAB] =	sst s4  }
0xd: {  	[smem:$0x3FAC] =	sst s5  }
0xe: {  	[smem:$0x3FAD] =	sst s6  }
0xf: {  	[smem:$0x3FAE] =	sst s7  }
0x10: {  	[smem:$0x3FAF] =	sst s8  }
0x11: {  	[smem:$0x3FB0] =	sst s9;
	s0 =	simm.s32 @!p0 $0x0  }
0x12: {  	s1 =	sld [smem:$0x3F96];
	s0 =	simm.s32 @p0 $0x1  }
0x13: {  	[smem:$0x3FB1] =	sst s0;
	s0 =	simm.s32 @!p1 $0x0  }
0x14: {  	s2 =	sld [smem:$0x3F95];
	s0 =	simm.s32 @p1 $0x1  }
0x15: {  	[smem:$0x3FB2] =	sst s0;
	s0 =	simm.s32 @!p2 $0x0  }
0x16: {  	s3 =	sld [smem:$0x3FDB];
	s0 =	simm.s32 @p2 $0x1  }
0x17: {  	s4 =	simm.s32 $0x1BF5;
	[smem:$0x3FB4] =	sst s0  }
0x18: {  	s0 =	sld [smem:$0x3F97];
	_ =	swait.ge [sflag:s4], $0x0  }
0x19: {  	s7 =	sld [smem:$0x3F98]  }
0x1a: {  	s8 =	sadd.s32 $0xFFFFE003, lr  }
0x1b: {  	s9 =	sadd.s32 $0xFFFFFEF7, lr;
	s5 =	simm.s32 $0xFFFFFFFF;
	p2 =	slt.u32 s8, $0xFFFFF086  }
0x1c: {  	p1 =	slt.u32 s9, $0xF7A;
	s5 =	simm.s32 @!p2 $0x0  }
0x1d: {  	s5 =	simm.s32 @p1 $0x1;
	p0 =	seq.s32 s7, s2  }
0x1e: {  	s7 =	smul.u32 @!p0 $0xF7A, s2;
	p2 =	seq.s32 @!p0 s5, $0x0  }
0x1f: {  	s9 =	smul.u32 $0xF7A, s1;
	s8 =	simm.s32 @!p0 $0x1BF5;
	p2 =	por !p2, p0  }
0x20: {  	[sflag:s8] =	ssyncset.s32 @!p0 $0xFFFFF086;
	s6 =	sadd.s32 @!p0 s3, s7;
	s7 =	simm.s32 @!p0 $0x108  }
0x21: {  	s3 =	sadd.s32 s3, s9;
	s6 =	sadd.s32 @!p0 $0x88, s6;
	s7 =	simm.s32 @p2 $0x1082  }
0x22: {  	[simem:s7], [sflag:s8] =	dma.local @!p0 [hbm:s6], $0xF7A  }
0x23: {  	s9 =	sor.u32 $0xD0000000, s2;
	s6 =	simm.s32 $0x108;
	_ =	swait.ge @!p0 [sflag:s8], $0x0  }
0x24: {  	s3 =	sadd.s32 $0x88, s3;
	s6 =	simm.s32 @!p1 $0x1082;
	[sflag:s4] =	ssyncset.s32 $0xFFFFF086  }
0x25: {  	[simem:s6], [sflag:s4] =	dma.local [hbm:s3], $0xF7A  }
0x26: {  	[smem:$0x3F98] =	sst s1;
	(tag) =	ssettag s2;
	_ =	strace s9  }
0x27: {  	s1 =	sld [smem:$0x3FA8]  }
0x28: {  	s2 =	sld [smem:$0x3FA9]  }
0x29: {  	s4 =	sld [smem:$0x3FAB]  }
0x2a: {  	p0 =	seq.s32 s5, $0x0;
	s5 =	sld [smem:$0x3FAC]  }
0x2b: {  	s6 =	sld [smem:$0x3FAD]  }
0x2c: {  	s7 =	sld [smem:$0x3FAE]  }
0x2d: {  	s3 =	simm.s32 $0x108;
	s8 =	sld [smem:$0x3FAF]  }
0x2e: {  	s3 =	simm.s32 @!p0 $0x1082;
	s9 =	sld [smem:$0x3FB0]  }
0x2f: {  	lr =	sadd.s32 s0, s3;
	s0 =	sld [smem:$0x3FA7]  }
0x30: {  	s3 =	sld [smem:$0x3FAA]  }
0x31: {  	[smem:$0x3FB3] =	sst s10  }
0x32: {  	s10 =	sld [smem:$0x3FB1];
	_ =	sdelay $0x3  }
0x33: {  	p0 =	seq.s32 s10, $0x1;
	s10 =	sld [smem:$0x3FB3];
	_ =	sdelay $0x3  }
0x34: {  	[smem:$0x3FB3] =	sst s10  }
0x35: {  	s10 =	sld [smem:$0x3FB2];
	_ =	sdelay $0x3  }
0x36: {  	p1 =	seq.s32 s10, $0x1;
	s10 =	sld [smem:$0x3FB3];
	_ =	sdelay $0x3  }
0x37: {  	[smem:$0x3FB3] =	sst s10  }
0x38: {  	s10 =	sld [smem:$0x3FB4]  }
0x39: {  	_ = 	snop;
	(pc) =	sbr.ind lr, $3  }
0x3a: {  	_ = 	snop  }
0x3b: {  	_ = 	snop  }
0x3c: {  	p2 =	seq.s32 s10, $0x1;
	s10 =	sld [smem:$0x3FB3]  }
0x3d: {  	_ =	shalt  }
0x3e: {  	_ =	shalt  }
0x3f: {  	_ =	shalt  }
0x40: {  	_ =	shalt  }
0x41: {  	_ =	shalt  }
0x42: {  	_ =	shalt  }
0x43: {  	_ =	shalt  }
0x44: {  	_ =	shalt  }
0x45: {  	_ =	shalt  }
0x46: {  	_ =	shalt  }
0x47: {  	_ =	shalt  }
0x48: {  	_ =	shalt  }
0x49: {  	_ =	shalt  }
0x4a: {  	_ =	shalt  }
0x4b: {  	_ =	shalt  }
0x4c: {  	_ =	shalt  }
0x4d: {  	_ =	shalt  }
0x4e: {  	_ =	shalt  }
0x4f: {  	_ =	shalt  }
0x50: {  	_ =	shalt  }
0x51: {  	_ =	shalt  }
0x52: {  	_ =	shalt  }
0x53: {  	_ =	shalt  }
0x54: {  	_ =	shalt  }
0x55: {  	_ =	shalt  }
0x56: {  	_ =	shalt  }
0x57: {  	_ =	shalt  }
0x58: {  	_ =	shalt  }
0x59: {  	_ =	shalt  }
0x5a: {  	_ =	shalt  }
0x5b: {  	_ =	shalt  }
0x5c: {  	_ =	shalt  }
0x5d: {  	_ =	shalt  }
0x5e: {  	_ =	shalt  }
0x5f: {  	_ =	shalt  }
0x60: {  	_ =	shalt  }
0x61: {  	_ =	shalt  }
0x62: {  	_ =	shalt  }
0x63: {  	_ =	shalt  }
0x64: {  	_ =	shalt  }
0x65: {  	_ =	shalt  }
0x66: {  	_ =	shalt  }
0x67: {  	_ =	shalt  }
0x68: {  	_ =	shalt  }
0x69: {  	_ =	shalt  }
0x6a: {  	_ =	shalt  }
0x6b: {  	_ =	shalt  }
0x6c: {  	_ =	shalt  }
0x6d: {  	_ =	shalt  }
0x6e: {  	_ =	shalt  }
0x6f: {  	_ =	shalt  }
0x70: {  	_ =	shalt  }
0x71: {  	_ =	shalt  }
0x72: {  	_ =	shalt  }
0x73: {  	_ =	shalt  }
0x74: {  	_ =	shalt  }
0x75: {  	_ =	shalt  }
0x76: {  	_ =	shalt  }
0x77: {  	_ =	shalt  }
0x78: {  	_ =	shalt  }
0x79: {  	_ =	shalt  }
0x7a: {  	_ =	shalt  }
0x7b: {  	_ =	shalt  }
0x7c: {  	_ =	shalt  }
0x7d: {  	_ =	shalt  }
0x7e: {  	_ =	shalt  }
0x7f: {  	_ =	shalt  }
0x80: {  	_ =	shalt  }
0x81: {  	_ =	shalt  }
0x82: {  	_ =	shalt  }
0x83: {  	_ =	shalt  }
0x84: {  	_ =	shalt  }
0x85: {  	_ =	shalt  }
0x86: {  	_ =	shalt  }
0x87: {  	_ =	shalt  }
.Lfunc_end0:
.L_simem_size_0:
called_computation.3_lowered:
.L_overlay_start_0:
0x88: {  	s2 =	sld [smem:$0x3FD9]  }
0x89: {  	s3 =	sld [smem:$0x3FFE];
	_ =	sdelay $0x1  }
0x8a: {  	s1 =	srdreg.scid  }
0x8b: {  	s0 =	sand.u32 $0x1, s1  }
0x8c: {  	s17 =	sshll.u32 s0, $0xA;
	s2 =	sadd.s32 s3, s2  }
0x8d: {  	s2 =	sadd.s32 s2, s17  }
0x8e: {  	[smem:$0x3FBF] =	sst s2  }
0x8f: {  	_ = 	snop  }
0x90: {  	s2 =	sld [smem:$0x3FD0];
	(tm) =	ssettm $0x1  }
0x91: {  	s18 =	sld [smem:$0x3FFB];
	_ =	sdelay $0x3  }
0x92: {  	_ =	strace s18  }
0x93: {  	s3 =	sld [smem:$0x3FFC];
	_ =	sdelay $0x3  }
0x94: {  	_ =	strace s3  }
0x95: {  	s3 =	sld [smem:$0x3FFD];
	_ =	sdelay $0x3  }
0x96: {  	_ =	strace s3  }
0x97: {  	_ =	strace $0x8FFFFFFF  }
0x98: {  	s19 =	sld [smem:$0x3FDB];
	_ =	sdelay $0x1  }
0x99: {  	s4 =	simm.s32 $_scs_section_size  }
0x9a: {  	s5 =	simm.s32 $_size__tile_overlayer_lowered;
	s6 =	simm.s32 $_tile_overlayer_lowered  }
0x9b: {  	s22 =	simm.s32 $0x1BFF;
	s21 =	sshll.u32 s6, $0x1;
	s3 =	sadd.s32 s4, s19  }
0x9c: {  	s7 =	simm.s32 $0x0;
	s20 =	sshll.u32 s5, $0x1;
	s5 =	sadd.s32 s21, s3  }
0x9d: {  	[timem:s7], [sflag:s22] =	dma.local [hbm:s5], s20  }
0x9e: {  	_ =	swait.ge [sflag:s22], s20  }
0x9f: {  	s4 =	ssub.s32 $0x0, s20;
	[sflag:s22] =	ssyncset.done $0x0  }
0xa0: {  	[sflag:s22] =	ssyncadd.s32 s4;
	_ =	sdelay $0x1  }
0xa1: {  	s23 =	simm.s32 $0x1B8B  }
0xa2: {  	_ =	swait.ge [sflag:s23], $0x1  }
0xa3: {  	[sflag:s23] =	ssyncset.done $0x0  }
0xa4: {  	s25 =	simm.s32 $0x1B8E;
	s24 =	sld [smem:$0x3FFE];
	[sflag:s23] =	ssyncadd.s32 $0xFFFFFFFF  }
0xa5: {  	s26 =	simm.s32 $execute0_lowered;
	[smem:$0x3FD2] =	sst s25  }
0xa6: {  	s5 =	sshll.u32 s26, $0x1;
	_ =	strace $0x8000004F;
	[dreg:$0x1] =	wrdreg $0xFFFFFFFF  }
0xa7: {  	s28 =	simm.s32 $_size_execute0_lowered;
	s3 =	sadd.s32 s3, s5;
	[dreg:$0x0] =	wrdreg $0x0  }
0xa8: {  	s5 =	sshll.u32 s28, $0x1;
	[dreg:$0x2] =	wrdreg s3  }
0xa9: {  	[dreg:$0x3] =	wrdreg s5  }
0xaa: {  	[dreg:$0x4] =	wrdreg $0xC0  }
0xab: {  	_ =	task [dreg:s7], $0x5FFFF  }
0xac: {  	[dreg:$0x1] =	wrdreg $0xFFFFFFFF  }
0xad: {  	[dreg:$0x0] =	wrdreg $0x60  }
0xae: {  	[dreg:$0x2] =	wrdreg s24  }
0xaf: {  	[dreg:$0x3] =	wrdreg s2  }
0xb0: {  	[dreg:$0x4] =	wrdreg $0x9  }
0xb1: {  	_ =	task.clear_ibuf [dreg:s7], $0x5FFFF;
	_ =	strace $0x9000004F  }
0xb2: {  	s29 =	simm.s32 $0x9;
	_ =	strace $0x80000051  }
0xb3: {  	_ =	swait.ge [sflag:s29], $0x1  }
0xb4: {  	[sflag:s29] =	ssyncadd.s32 $0xFFFFFFFF  }
0xb5: {  	_ =	strace $0x90000051  }
0xb6: {  	_ =	sfence  }
0xb7: {  	s30 =	sld [smem:$0x0];
	_ =	sdelay $0x2  }
0xb8: {  	s31 =	sshll.u32 s1, $0xD;
	s1 =	sshrl.u32 s1, $0x2  }
0xb9: {  	s3 =	sand.u32 $0x4000, s31;
	s1 =	sadd.s32 s1, s30  }
0xba: {  	s0 =	sor.u32 s3, s0;
	s1 =	sshll.u32 s1, $0x11  }
0xbb: {  	s0 =	sor.u32 s1, s0  }
0xbc: {  	s0 =	sadd.s32 $0x8F2B, s0  }
0xbd: {  	[sflag:s0] =	ssyncadd.remote.s32 $0x1  }
0xbe: {  	_ =	sfence.sel $0xFFFF  }
0xbf: {  	[dreg:$0x0] =	wrdreg $0xFFFFFFFF;
	(pc) =	sbr.abs _section_cstart, $3  }
0xc0: {  	[dreg:$0x1] =	wrdreg $0xFFFFFFFF  }
0xc1: {  	_ =	task.clear_ibuf [dreg:s7], $0x2FFFF;
	_ =	strace $0x9FFFFFFF  }
0xc2: {  	(tm) =	ssettm $0x7FFFFFFF  }
0xc3: {  	_ =	shalt  }
tec
execute0_lowered:
.L_overlay_start_1:
0x0: {  	(tag) =	ssettag $0x1  }
0x1: {  	s6 =	rddreg [dreg:$0x0]  }
0x2: {  	s2 =	rddreg [dreg:$0x1]  }
0x3: {  	s0 =	rddreg [dreg:$0x2];
	s3 =	simm.s32 $0x0  }
0x4: {  	s4 =	srdreg.scid;
	s1 =	stileid.u32;
	s11 =	simm.s32 $0x400  }
0x5: {  	s12 =	simm.s32 $0x3;
	s13 =	simm.s32 $0x9C80;
	s14 =	simm.s32 $0x13900  }
0x6: {  	s15 =	simm.s32 $0x15880;
	s16 =	simm.s32 $0x17800;
	s17 =	simm.s32 $0x1  }
0x7: {  	s18 =	simm.s32 $0x19780;
	s19 =	simm.s32 $0x1B700;
	s20 =	simm.s32 $0x1D680  }
0x8: {  	s5 =	sand.u32 $0x1, s4;
	s29 =	sshrl.u32 s1, $0x2;
	s7 =	sshll.u32 s1, $0x8  }
0x9: {  	s4 =	smul.u32 $0x4E400, s29;
	s8 =	sshll.u32 s5, $0x7;
	s7 =	sand.u32 $0x300, s7  }
0xa: {  	s21 =	simm.s32 $0x2;
	[smem:$0x7FF] =	sst s3;
	s7 =	sor.u32 s8, s7  }
0xb: {  	s22 =	simm.s32 $0x0;
	_ =	strace $0x80000050;
	s7 =	sor.u32 s4, s7  }
0xc: {  	s30 =	ssub.s32 $0x2, s5;
	s5 =	sadd.s32 $0x1C00, s6;
	s7 =	sshrl.u32 s7, $0x3  }
0xd: {  	s31 =	sshrl.u32 s30, $0x1;
	s4 =	sadd.s32 $0xBA00, s6;
	s9 =	sadd.s32 s7, s6  }
0xe: {  	s10 =	ssub.s32 s30, s31;
	s6 =	sadd.s32 $0x3D000, s6;
	s7 =	sadd.s32 $0x15800, s9  }
0xf: {  	s8 =	sadd.s32 $0x3E400, s9;
	s9 =	smax.u32 s10, $0x1;
	s10 =	simm.s32 $0x80  }
.LBB2_1:
0x10: {  	[tilespmem:s3], [sflag:$0x3] =	stream.strided.gather [hbm4b:s7+s10], $0x9C80, s11, s10, $0x38;
	[tilespmem:$0x1F600] =	vst v63  }
0x11: {  	_ =	swait.ge [sflag:s12], $0x9C80  }
0x12: {  	[sflag:s12] =	ssyncset.done $0x0  }
0x13: {  	[sflag:s12] =	ssyncadd.s32 $0xFFFF6380  }
0x14: {  	[tilespmem:s13], [sflag:$0x3] =	stream.linear.gather [hbm4b:s6+s3], $0x9C80, $0x38;
	[tilespmem:$0x1F600] =	vst v63  }
0x15: {  	_ =	swait.ge [sflag:s12], $0x9C80  }
0x16: {  	[sflag:s12] =	ssyncset.done $0x0  }
0x17: {  	[sflag:s12] =	ssyncadd.s32 $0xFFFF6380  }
0x18: {  	[tilespmem:s14], [sflag:$0x1] =	stream.linear.gather [hbm4b:s4+s3], $0x1F40, $0x38;
	[tilespmem:$0x1F600] =	vst v63  }
0x19: {  	_ = 	snop  }
0x1a: {  	[tilespmem:s15], [sflag:$0x1] =	stream.linear.gather [hbm4b:s5+s3], $0x1F40, $0x38;
	[tilespmem:$0x1F600] =	vst v63  }
0x1b: {  	s23 =	simm.s32 $0x0  }
0x1c: {  	[tilespmem:s16], [sflag:$0x1] =	stream.linear.gather [hbm4b:s2+s3], $0x1F40, $0x38;
	[tilespmem:$0x1F600] =	vst v63  }
.LBB2_2:
0x1d: {  	_ =	swait.ge [sflag:s17], $0x1F40  }
0x1e: {  	[sflag:s17] =	ssyncset.done $0x0  }
0x1f: {  	[sflag:s17] =	ssyncadd.s32 $0xFFFFE0C0  }
0x20: {  	_ =	swait.ge [sflag:s17], $0x1F40  }
0x21: {  	s24 =	smul.u32 $0x3E80, s23;
	[sflag:s17] =	ssyncset.done $0x0  }
0x22: {  	[sflag:s17] =	ssyncadd.s32 $0xFFFFE0C0  }
0x23: {  	s25 =	sshrl.u32 s24, $0x3;
	_ =	swait.ge [sflag:s17], $0x1F40  }
0x24: {  	s25 =	sadd.s32 $0x3E8, s25;
	[sflag:s17] =	ssyncset.done $0x0  }
0x25: {  	s28 =	simm.s32 $0x0;
	s26 =	sadd.s32 s4, s25;
	[sflag:s17] =	ssyncadd.s32 $0xFFFFE0C0  }
0x26: {  	[tilespmem:s18], [sflag:$0x2] =	stream.linear.gather [hbm4b:s26+s28], $0x1F40, $0x38;
	[tilespmem:$0x1F600] =	vst v63  }
0x27: {  	s31 =	sadd.s32 s5, s25  }
0x28: {  	[tilespmem:s19], [sflag:$0x2] =	stream.linear.gather [hbm4b:s31+s28], $0x1F40, $0x38;
	[tilespmem:$0x1F600] =	vst v63  }
0x29: {  	s25 =	sadd.s32 s2, s25  }
0x2a: {  	[tilespmem:s20], [sflag:$0x2] =	stream.linear.gather [hbm4b:s25+s28], $0x1F40, $0x38;
	[tilespmem:$0x1F600] =	vst v63  }
0x2b: {  	s26 =	simm.s32 $0x0;
	s25 =	simm.s32 $0x40  }
.LBB2_3:
0x2c: {  	p0 =	sne.s32 s25, $0x7CC0;
	v0 =	vld [tilespmem:s26+$0x13900]  }
0x2d: {  	v1 =	vld [tilespmem:s26+$0x15880]  }
0x2e: {  	v2 =	vld [tilespmem:s26+$0x17800];
	_ =	sdelay $0x2  }
0x2f: {  	v0 =	vshll.u32 v0, $0x2;
	_ =	sdelay $0x4  }
0x30: {  	v3 =	vld.idx.msk [tilespmem:v0+s3+$0x0], $0xffff;
	_ =	sdelay $0x2  }
0x31: {  	v1 =	vshll.u32 v1, $0x2  }
0x32: {  	v4 =	vor.u32 $0x1, v0;
	_ =	sdelay $0x1  }
0x33: {  	v3 =	vmul.f32 v3, v2;
	_ =	sdelay $0x1  }
0x34: {  	[tilespmem:v1+s13+$0x0] =	vst.idx.add.f32.msk $0xffff, v3  }
0x35: {  	v3 =	vld.idx.msk [tilespmem:v4+s3+$0x0], $0xffff;
	_ =	sdelay $0x2  }
0x36: {  	v4 =	vor.u32 $0x1, v1  }
0x37: {  	v5 =	vor.u32 $0x2, v0;
	_ =	sdelay $0x1  }
0x38: {  	v3 =	vmul.f32 v3, v2;
	_ =	sdelay $0x1  }
0x39: {  	[tilespmem:v4+s13+$0x0] =	vst.idx.add.f32.msk $0xffff, v3  }
0x3a: {  	v3 =	vld.idx.msk [tilespmem:v5+s3+$0x0], $0xffff;
	_ =	sdelay $0x2  }
0x3b: {  	v4 =	vor.u32 $0x2, v1  }
0x3c: {  	v0 =	vor.u32 $0x3, v0;
	_ =	sdelay $0x1  }
0x3d: {  	v3 =	vmul.f32 v3, v2;
	_ =	sdelay $0x1  }
0x3e: {  	[tilespmem:v4+s13+$0x0] =	vst.idx.add.f32.msk $0xffff, v3  }
0x3f: {  	v0 =	vld.idx.msk [tilespmem:v0+s3+$0x0], $0xffff;
	_ =	sdelay $0x2  }
0x40: {  	v1 =	vor.u32 $0x3, v1  }
.Ltmp0:
0x41: {  	(pc) =	sbr.rel @p0 .LBB2_3-.Ltmp0, $3  }
0x42: {  	_ = 	snop  }
0x43: {  	v0 =	vmul.f32 v0, v2;
	_ =	sdelay $0x1  }
0x44: {  	s26 =	sshra.s32 s25, $0x2;
	s25 =	sadd.s32 $0x40, s25;
	[tilespmem:v1+s13+$0x0] =	vst.idx.add.f32.msk $0xffff, v0  }
0x45: {  	v0 =	vld [tilespmem:s26+$0x13900];
	_ =	sdelay $0x4  }
0x46: {  	v0 =	vshll.u32 v0, $0x2;
	_ =	sdelay $0x1  }
0x47: {  	v1 =	vld [tilespmem:s26+$0x15880];
	_ =	sdelay $0x1  }
0x48: {  	v2 =	vld [tilespmem:s26+$0x17800]  }
0x49: {  	v3 =	vld.idx.msk [tilespmem:v0+s3+$0x0], $0xffff;
	_ =	sdelay $0x1  }
0x4a: {  	v1 =	vshll.u32 v1, $0x2  }
0x4b: {  	v4 =	vor.u32 $0x1, v0;
	_ =	sdelay $0x1  }
0x4c: {  	v3 =	vmul.f32 v3, v2;
	_ =	sdelay $0x1  }
0x4d: {  	[tilespmem:v1+s13+$0x0] =	vst.idx.add.f32.msk $0xffff, v3  }
0x4e: {  	v3 =	vld.idx.msk [tilespmem:v4+s3+$0x0], $0xffff;
	_ =	sdelay $0x1  }
0x4f: {  	v62 =	vor.u32 $0x1, v1  }
0x50: {  	v5 =	vor.u32 $0x2, v0;
	_ =	sdelay $0x1  }
0x51: {  	v3 =	vmul.f32 v3, v2;
	_ =	sdelay $0x1  }
0x52: {  	[tilespmem:v62+s13+$0x0] =	vst.idx.add.f32.msk $0xffff, v3  }
0x53: {  	v3 =	vld.idx.msk [tilespmem:v5+s3+$0x0], $0xffff;
	_ =	sdelay $0x1  }
0x54: {  	v63 =	vor.u32 $0x2, v1  }
0x55: {  	v0 =	vor.u32 $0x3, v0;
	_ =	sdelay $0x1  }
0x56: {  	v3 =	vmul.f32 v3, v2;
	_ =	sdelay $0x1  }
0x57: {  	[tilespmem:v63+s13+$0x0] =	vst.idx.add.f32.msk $0xffff, v3  }
0x58: {  	v0 =	vld.idx.msk [tilespmem:v0+s3+$0x0], $0xffff;
	_ =	sdelay $0x1  }
0x59: {  	v1 =	vor.u32 $0x3, v1;
	_ =	sdelay $0x2  }
0x5a: {  	v0 =	vmul.f32 v0, v2;
	_ =	sdelay $0x1  }
0x5b: {  	[tilespmem:v1+s13+$0x0] =	vst.idx.add.f32.msk $0xffff, v0  }
0x5c: {  	_ =	swait.ge [sflag:s21], $0x1F40  }
0x5d: {  	[sflag:s21] =	ssyncset.done $0x0  }
0x5e: {  	[sflag:s21] =	ssyncadd.s32 $0xFFFFE0C0  }
0x5f: {  	_ =	swait.ge [sflag:s21], $0x1F40  }
0x60: {  	[sflag:s21] =	ssyncset.done $0x0  }
0x61: {  	p0 =	seq.s32 s23, $0x13;
	[sflag:s21] =	ssyncadd.s32 $0xFFFFE0C0  }
0x62: {  	s24 =	sshrl.u32 @!p0 s24, $0x3;
	_ =	swait.ge [sflag:s21], $0x1F40  }
0x63: {  	s26 =	simm.s32 @!p0 $0x0;
	s24 =	sadd.s32 @!p0 $0x7D0, s24;
	[sflag:s21] =	ssyncset.done $0x0  }
0x64: {  	s28 =	simm.s32 @!p0 $0x13900;
	s25 =	sadd.s32 @!p0 s4, s24;
	[sflag:s21] =	ssyncadd.s32 $0xFFFFE0C0  }
0x65: {  	[tilespmem:s28], [sflag:$0x1] =	stream.linear.gather @!p0 [hbm4b:s25+s26], $0x1F40, $0x38;
	[tilespmem:$0x1F600] =	vst v63  }
0x66: {  	s25 =	sadd.s32 @!p0 s5, s24;
	s28 =	simm.s32 @!p0 $0x15880  }
0x67: {  	[tilespmem:s28], [sflag:$0x1] =	stream.linear.gather @!p0 [hbm4b:s25+s26], $0x1F40, $0x38;
	[tilespmem:$0x1F600] =	vst v63  }
0x68: {  	s24 =	sadd.s32 @!p0 s2, s24;
	s25 =	simm.s32 @!p0 $0x17800  }
0x69: {  	[tilespmem:s25], [sflag:$0x1] =	stream.linear.gather @!p0 [hbm4b:s24+s26], $0x1F40, $0x38;
	[tilespmem:$0x1F600] =	vst v63  }
0x6a: {  	s25 =	simm.s32 $0x0;
	s24 =	simm.s32 $0x40  }
.LBB2_5:
0x6b: {  	p0 =	sne.s32 s24, $0x7CC0;
	v0 =	vld [tilespmem:s25+$0x19780]  }
0x6c: {  	v1 =	vld [tilespmem:s25+$0x1B700]  }
0x6d: {  	v2 =	vld [tilespmem:s25+$0x1D680];
	_ =	sdelay $0x2  }
0x6e: {  	v0 =	vshll.u32 v0, $0x2;
	_ =	sdelay $0x4  }
0x6f: {  	v3 =	vld.idx.msk [tilespmem:v0+s3+$0x0], $0xffff;
	_ =	sdelay $0x2  }
0x70: {  	v1 =	vshll.u32 v1, $0x2  }
0x71: {  	v4 =	vor.u32 $0x1, v0;
	_ =	sdelay $0x1  }
0x72: {  	v3 =	vmul.f32 v3, v2;
	_ =	sdelay $0x1  }
0x73: {  	[tilespmem:v1+s13+$0x0] =	vst.idx.add.f32.msk $0xffff, v3  }
0x74: {  	v3 =	vld.idx.msk [tilespmem:v4+s3+$0x0], $0xffff;
	_ =	sdelay $0x2  }
0x75: {  	v4 =	vor.u32 $0x1, v1  }
0x76: {  	v5 =	vor.u32 $0x2, v0;
	_ =	sdelay $0x1  }
0x77: {  	v3 =	vmul.f32 v3, v2;
	_ =	sdelay $0x1  }
0x78: {  	[tilespmem:v4+s13+$0x0] =	vst.idx.add.f32.msk $0xffff, v3  }
0x79: {  	v3 =	vld.idx.msk [tilespmem:v5+s3+$0x0], $0xffff;
	_ =	sdelay $0x2  }
0x7a: {  	v4 =	vor.u32 $0x2, v1  }
0x7b: {  	v0 =	vor.u32 $0x3, v0;
	_ =	sdelay $0x1  }
0x7c: {  	v3 =	vmul.f32 v3, v2;
	_ =	sdelay $0x1  }
0x7d: {  	[tilespmem:v4+s13+$0x0] =	vst.idx.add.f32.msk $0xffff, v3  }
0x7e: {  	v0 =	vld.idx.msk [tilespmem:v0+s3+$0x0], $0xffff;
	_ =	sdelay $0x2  }
0x7f: {  	v1 =	vor.u32 $0x3, v1  }
.Ltmp1:
0x80: {  	(pc) =	sbr.rel @p0 .LBB2_5-.Ltmp1, $3  }
0x81: {  	_ = 	snop  }
0x82: {  	v0 =	vmul.f32 v0, v2;
	_ =	sdelay $0x1  }
0x83: {  	s25 =	sshra.s32 s24, $0x2;
	s24 =	sadd.s32 $0x40, s24;
	[tilespmem:v1+s13+$0x0] =	vst.idx.add.f32.msk $0xffff, v0  }
0x84: {  	v0 =	vld [tilespmem:s25+$0x19780];
	_ =	sdelay $0x4  }
0x85: {  	v0 =	vshll.u32 v0, $0x2;
	_ =	sdelay $0x1  }
0x86: {  	v1 =	vld [tilespmem:s25+$0x1B700];
	_ =	sdelay $0x1  }
0x87: {  	v2 =	vld [tilespmem:s25+$0x1D680]  }
0x88: {  	v3 =	vld.idx.msk [tilespmem:v0+s3+$0x0], $0xffff;
	_ =	sdelay $0x1  }
0x89: {  	v1 =	vshll.u32 v1, $0x2  }
0x8a: {  	v4 =	vor.u32 $0x1, v0;
	_ =	sdelay $0x1  }
0x8b: {  	v3 =	vmul.f32 v3, v2;
	_ =	sdelay $0x1  }
0x8c: {  	[tilespmem:v1+s13+$0x0] =	vst.idx.add.f32.msk $0xffff, v3  }
0x8d: {  	v3 =	vld.idx.msk [tilespmem:v4+s3+$0x0], $0xffff;
	_ =	sdelay $0x1  }
0x8e: {  	v62 =	vor.u32 $0x1, v1  }
0x8f: {  	v5 =	vor.u32 $0x2, v0;
	_ =	sdelay $0x1  }
0x90: {  	v3 =	vmul.f32 v3, v2;
	_ =	sdelay $0x1  }
0x91: {  	[tilespmem:v62+s13+$0x0] =	vst.idx.add.f32.msk $0xffff, v3  }
0x92: {  	v3 =	vld.idx.msk [tilespmem:v5+s3+$0x0], $0xffff;
	_ =	sdelay $0x1  }
0x93: {  	v63 =	vor.u32 $0x2, v1  }
0x94: {  	v0 =	vor.u32 $0x3, v0;
	_ =	sdelay $0x1  }
0x95: {  	v3 =	vmul.f32 v3, v2;
	_ =	sdelay $0x1  }
0x96: {  	[tilespmem:v63+s13+$0x0] =	vst.idx.add.f32.msk $0xffff, v3  }
0x97: {  	v0 =	vld.idx.msk [tilespmem:v0+s3+$0x0], $0xffff  }
0x98: {  	s23 =	sadd.s32 $0x1, s23  }
0x99: {  	p0 =	sne.s32 s23, $0x14;
	v1 =	vor.u32 $0x3, v1  }
.Ltmp2:
0x9a: {  	_ = 	snop;
	(pc) =	sbr.rel @p0 .LBB2_2-.Ltmp2, $3  }
0x9b: {  	_ = 	snop  }
0x9c: {  	v0 =	vmul.f32 v0, v2;
	_ =	sdelay $0x1  }
0x9d: {  	[tilespmem:v1+s13+$0x0] =	vst.idx.add.f32.msk $0xffff, v0  }
0x9e: {  	s22 =	sadd.s32 $0x1, s22  }
0x9f: {  	p0 =	sne.s32 s22, s9  }
.Ltmp3:
0xa0: {  	_ = 	snop;
	(pc) =	sbr.rel @p0 .LBB2_1-.Ltmp3, $4  }
0xa1: {  	[hbm4b:s8+s10] =	stream.strided.scatter [tilespmem:s13], [sflag:$0x3], $0x9C80, s11, s10, $0x38;
	[tilespmem:$0x1F600] =	vst v63  }
0xa2: {  	_ =	swait.ge [sflag:s12], $0x9C80  }
0xa3: {  	[sflag:s12] =	ssyncset.done $0x0  }
0xa4: {  	[sflag:s12] =	ssyncadd.s32 $0xFFFF6380  }
0xa5: {  	_ =	sfence.sel $0x180000  }
0xa6: {  	[bflag:$0x0] =	sbarrier.arrive $0xFFFF  }
0xa7: {  	p0 =	sne.s32 s1, $0x0;
	_ =	strace $0x90000050  }
0xa8: {  	s0 =	sadd.s32 @!p0 $0x100000, s0;
	[bflag:$0x2] =	sbarrier.arrive $0xFFFF  }
0xa9: {  	[sflag:s0] =	ssyncadd.tile.s32 @!p0 $0x1;
	_ =	shalt  }
.Lfunc_end2:
_tile_overlayer_lowered:
.L_overlay_start_2:
0xaa: {  	(tag) =	ssettag $0x2  }
0xab: {  	s0 =	rddreg [dreg:$0x0];
	s2 =	stileid.u32  }
0xac: {  	s1 =	rddreg [dreg:$0x1];
	p0 =	sne.s32 s2, $0x0  }
0xad: {  	s3 =	rddreg [dreg:$0x2];
	[bflag:$0x3] =	sbarrier.arrive $0xFFFF;
	s2 =	simm.s32 @!p0 $0x1C03  }
0xae: {  	[timem:s3], [sflag:s2] =	dma.local @!p0 [hbm:s0], s1  }
0xaf: {  	s0 =	simm.s32 @!p0 $0x3  }
0xb0: {  	_ =	swait.ge @!p0 [sflag:s0], s1  }
0xb1: {  	s1 =	ssub.s32 @!p0 $0x0, s1;
	[sflag:s0] =	ssyncset.done @!p0 $0x0  }
0xb2: {  	[sflag:s0] =	ssyncadd.s32 @!p0 s1  }
0xb3: {  	[bflag:$0x3] =	sbarrier.arrive $0xFFFF  }
0xb4: {  	_ =	shalt  }

// kernel: kernel.22.cloned.1.call-start
scs
__scs_entry_jumppad:
0x0: {  	(pc) =	sbr.rel $0x88, $3  }
0x1: {  	(tag) =	ssettag $0x0;
	lr =	simm.s32 $0x1  }
0x2: {  	[smem:$0x3F98] =	sst lr;
	_ =	strace $0xD0000000  }
0x3: {  	_ = 	snop  }
0x4: {  	_ = 	snop  }
0x5: {  	_ = 	snop  }
0x6: {  	_ = 	snop  }
0x7: {  	_ = 	snop  }
__scs_overlays_trampoline_lowered:
0x8: {  	[smem:$0x3FA7] =	sst s0  }
0x9: {  	[smem:$0x3FA8] =	sst s1  }
0xa: {  	[smem:$0x3FA9] =	sst s2  }
0xb: {  	[smem:$0x3FAA] =	sst s3  }
0xc: {  	[smem:$0x3FAB] =	sst s4  }
0xd: {  	[smem:$0x3FAC] =	sst s5  }
0xe: {  	[smem:$0x3FAD] =	sst s6  }
0xf: {  	[smem:$0x3FAE] =	sst s7  }
0x10: {  	[smem:$0x3FAF] =	sst s8  }
0x11: {  	[smem:$0x3FB0] =	sst s9;
	s0 =	simm.s32 @!p0 $0x0  }
0x12: {  	s1 =	sld [smem:$0x3F96];
	s0 =	simm.s32 @p0 $0x1  }
0x13: {  	[smem:$0x3FB1] =	sst s0;
	s0 =	simm.s32 @!p1 $0x0  }
0x14: {  	s2 =	sld [smem:$0x3F95];
	s0 =	simm.s32 @p1 $0x1  }
0x15: {  	[smem:$0x3FB2] =	sst s0;
	s0 =	simm.s32 @!p2 $0x0  }
0x16: {  	s3 =	sld [smem:$0x3FDB];
	s0 =	simm.s32 @p2 $0x1  }
0x17: {  	s4 =	simm.s32 $0x1BF5;
	[smem:$0x3FB4] =	sst s0  }
0x18: {  	s0 =	sld [smem:$0x3F97];
	_ =	swait.ge [sflag:s4], $0x0  }
0x19: {  	s7 =	sld [smem:$0x3F98]  }
0x1a: {  	s8 =	sadd.s32 $0xFFFFE003, lr  }
0x1b: {  	s9 =	sadd.s32 $0xFFFFFEF7, lr;
	s5 =	simm.s32 $0xFFFFFFFF;
	p2 =	slt.u32 s8, $0xFFFFF086  }
0x1c: {  	p1 =	slt.u32 s9, $0xF7A;
	s5 =	simm.s32 @!p2 $0x0  }
0x1d: {  	s5 =	simm.s32 @p1 $0x1;
	p0 =	seq.s32 s7, s2  }
0x1e: {  	s7 =	smul.u32 @!p0 $0xF7A, s2;
	p2 =	seq.s32 @!p0 s5, $0x0  }
0x1f: {  	s9 =	smul.u32 $0xF7A, s1;
	s8 =	simm.s32 @!p0 $0x1BF5;
	p2 =	por !p2, p0  }
0x20: {  	[sflag:s8] =	ssyncset.s32 @!p0 $0xFFFFF086;
	s6 =	sadd.s32 @!p0 s3, s7;
	s7 =	simm.s32 @!p0 $0x108  }
0x21: {  	s3 =	sadd.s32 s3, s9;
	s6 =	sadd.s32 @!p0 $0x88, s6;
	s7 =	simm.s32 @p2 $0x1082  }
0x22: {  	[simem:s7], [sflag:s8] =	dma.local @!p0 [hbm:s6], $0xF7A  }
0x23: {  	s9 =	sor.u32 $0xD0000000, s2;
	s6 =	simm.s32 $0x108;
	_ =	swait.ge @!p0 [sflag:s8], $0x0  }
0x24: {  	s3 =	sadd.s32 $0x88, s3;
	s6 =	simm.s32 @!p1 $0x1082;
	[sflag:s4] =	ssyncset.s32 $0xFFFFF086  }
0x25: {  	[simem:s6], [sflag:s4] =	dma.local [hbm:s3], $0xF7A  }
0x26: {  	[smem:$0x3F98] =	sst s1;
	(tag) =	ssettag s2;
	_ =	strace s9  }
0x27: {  	s1 =	sld [smem:$0x3FA8]  }
0x28: {  	s2 =	sld [smem:$0x3FA9]  }
0x29: {  	s4 =	sld [smem:$0x3FAB]  }
0x2a: {  	p0 =	seq.s32 s5, $0x0;
	s5 =	sld [smem:$0x3FAC]  }
0x2b: {  	s6 =	sld [smem:$0x3FAD]  }
0x2c: {  	s7 =	sld [smem:$0x3FAE]  }
0x2d: {  	s3 =	simm.s32 $0x108;
	s8 =	sld [smem:$0x3FAF]  }
0x2e: {  	s3 =	simm.s32 @!p0 $0x1082;
	s9 =	sld [smem:$0x3FB0]  }
0x2f: {  	lr =	sadd.s32 s0, s3;
	s0 =	sld [smem:$0x3FA7]  }
0x30: {  	s3 =	sld [smem:$0x3FAA]  }
0x31: {  	[smem:$0x3FB3] =	sst s10  }
0x32: {  	s10 =	sld [smem:$0x3FB1];
	_ =	sdelay $0x3  }
0x33: {  	p0 =	seq.s32 s10, $0x1;
	s10 =	sld [smem:$0x3FB3];
	_ =	sdelay $0x3  }
0x34: {  	[smem:$0x3FB3] =	sst s10  }
0x35: {  	s10 =	sld [smem:$0x3FB2];
	_ =	sdelay $0x3  }
0x36: {  	p1 =	seq.s32 s10, $0x1;
	s10 =	sld [smem:$0x3FB3];
	_ =	sdelay $0x3  }
0x37: {  	[smem:$0x3FB3] =	sst s10  }
0x38: {  	s10 =	sld [smem:$0x3FB4]  }
0x39: {  	_ = 	snop;
	(pc) =	sbr.ind lr, $3  }
0x3a: {  	_ = 	snop  }
0x3b: {  	_ = 	snop  }
0x3c: {  	p2 =	seq.s32 s10, $0x1;
	s10 =	sld [smem:$0x3FB3]  }
0x3d: {  	_ =	shalt  }
0x3e: {  	_ =	shalt  }
0x3f: {  	_ =	shalt  }
0x40: {  	_ =	shalt  }
0x41: {  	_ =	shalt  }
0x42: {  	_ =	shalt  }
0x43: {  	_ =	shalt  }
0x44: {  	_ =	shalt  }
0x45: {  	_ =	shalt  }
0x46: {  	_ =	shalt  }
0x47: {  	_ =	shalt  }
0x48: {  	_ =	shalt  }
0x49: {  	_ =	shalt  }
0x4a: {  	_ =	shalt  }
0x4b: {  	_ =	shalt  }
0x4c: {  	_ =	shalt  }
0x4d: {  	_ =	shalt  }
0x4e: {  	_ =	shalt  }
0x4f: {  	_ =	shalt  }
0x50: {  	_ =	shalt  }
0x51: {  	_ =	shalt  }
0x52: {  	_ =	shalt  }
0x53: {  	_ =	shalt  }
0x54: {  	_ =	shalt  }
0x55: {  	_ =	shalt  }
0x56: {  	_ =	shalt  }
0x57: {  	_ =	shalt  }
0x58: {  	_ =	shalt  }
0x59: {  	_ =	shalt  }
0x5a: {  	_ =	shalt  }
0x5b: {  	_ =	shalt  }
0x5c: {  	_ =	shalt  }
0x5d: {  	_ =	shalt  }
0x5e: {  	_ =	shalt  }
0x5f: {  	_ =	shalt  }
0x60: {  	_ =	shalt  }
0x61: {  	_ =	shalt  }
0x62: {  	_ =	shalt  }
0x63: {  	_ =	shalt  }
0x64: {  	_ =	shalt  }
0x65: {  	_ =	shalt  }
0x66: {  	_ =	shalt  }
0x67: {  	_ =	shalt  }
0x68: {  	_ =	shalt  }
0x69: {  	_ =	shalt  }
0x6a: {  	_ =	shalt  }
0x6b: {  	_ =	shalt  }
0x6c: {  	_ =	shalt  }
0x6d: {  	_ =	shalt  }
0x6e: {  	_ =	shalt  }
0x6f: {  	_ =	shalt  }
0x70: {  	_ =	shalt  }
0x71: {  	_ =	shalt  }
0x72: {  	_ =	shalt  }
0x73: {  	_ =	shalt  }
0x74: {  	_ =	shalt  }
0x75: {  	_ =	shalt  }
0x76: {  	_ =	shalt  }
0x77: {  	_ =	shalt  }
0x78: {  	_ =	shalt  }
0x79: {  	_ =	shalt  }
0x7a: {  	_ =	shalt  }
0x7b: {  	_ =	shalt  }
0x7c: {  	_ =	shalt  }
0x7d: {  	_ =	shalt  }
0x7e: {  	_ =	shalt  }
0x7f: {  	_ =	shalt  }
0x80: {  	_ =	shalt  }
0x81: {  	_ =	shalt  }
0x82: {  	_ =	shalt  }
0x83: {  	_ =	shalt  }
0x84: {  	_ =	shalt  }
0x85: {  	_ =	shalt  }
0x86: {  	_ =	shalt  }
0x87: {  	_ =	shalt  }
.Lfunc_end0:
.L_simem_size_0:
called_computation.4_lowered:
.L_overlay_start_0:
0x88: {  	s2 =	sld [smem:$0x3FD9]  }
0x89: {  	s3 =	sld [smem:$0x3FFE];
	_ =	sdelay $0x1  }
0x8a: {  	s1 =	srdreg.scid  }
0x8b: {  	s0 =	sand.u32 $0x1, s1  }
0x8c: {  	s17 =	sshll.u32 s0, $0xA;
	s2 =	sadd.s32 s3, s2  }
0x8d: {  	s2 =	sadd.s32 s2, s17  }
0x8e: {  	[smem:$0x3FBF] =	sst s2  }
0x8f: {  	_ = 	snop  }
0x90: {  	s2 =	sld [smem:$0x3FD0];
	(tm) =	ssettm $0x1  }
0x91: {  	s18 =	sld [smem:$0x3FFB];
	_ =	sdelay $0x3  }
0x92: {  	_ =	strace s18  }
0x93: {  	s3 =	sld [smem:$0x3FFC];
	_ =	sdelay $0x3  }
0x94: {  	_ =	strace s3  }
0x95: {  	s3 =	sld [smem:$0x3FFD];
	_ =	sdelay $0x3  }
0x96: {  	_ =	strace s3  }
0x97: {  	_ =	strace $0x8FFFFFFF  }
0x98: {  	s19 =	sld [smem:$0x3FDB];
	_ =	sdelay $0x1  }
0x99: {  	s4 =	simm.s32 $_scs_section_size  }
0x9a: {  	s5 =	simm.s32 $_size__tile_overlayer_lowered;
	s6 =	simm.s32 $_tile_overlayer_lowered  }
0x9b: {  	s22 =	simm.s32 $0x1BFF;
	s21 =	sshll.u32 s6, $0x1;
	s3 =	sadd.s32 s4, s19  }
0x9c: {  	s7 =	simm.s32 $0x0;
	s20 =	sshll.u32 s5, $0x1;
	s5 =	sadd.s32 s21, s3  }
0x9d: {  	[timem:s7], [sflag:s22] =	dma.local [hbm:s5], s20  }
0x9e: {  	_ =	swait.ge [sflag:s22], s20  }
0x9f: {  	s4 =	ssub.s32 $0x0, s20;
	[sflag:s22] =	ssyncset.done $0x0  }
0xa0: {  	[sflag:s22] =	ssyncadd.s32 s4;
	_ =	sdelay $0x1  }
0xa1: {  	s23 =	simm.s32 $0x1B8B  }
0xa2: {  	_ =	swait.ge [sflag:s23], $0x1  }
0xa3: {  	[sflag:s23] =	ssyncset.done $0x0  }
0xa4: {  	s25 =	simm.s32 $0x1B8E;
	s24 =	sld [smem:$0x3FFE];
	[sflag:s23] =	ssyncadd.s32 $0xFFFFFFFF  }
0xa5: {  	s26 =	simm.s32 $execute0_lowered;
	[smem:$0x3FD2] =	sst s25  }
0xa6: {  	s5 =	sshll.u32 s26, $0x1;
	_ =	strace $0x80000052;
	[dreg:$0x1] =	wrdreg $0xFFFFFFFF  }
0xa7: {  	s28 =	simm.s32 $_size_execute0_lowered;
	s3 =	sadd.s32 s3, s5;
	[dreg:$0x0] =	wrdreg $0x0  }
0xa8: {  	s5 =	sshll.u32 s28, $0x1;
	[dreg:$0x2] =	wrdreg s3  }
0xa9: {  	[dreg:$0x3] =	wrdreg s5  }
0xaa: {  	[dreg:$0x4] =	wrdreg $0xC0  }
0xab: {  	_ =	task [dreg:s7], $0x5FFFF  }
0xac: {  	[dreg:$0x1] =	wrdreg $0xFFFFFFFF  }
0xad: {  	[dreg:$0x0] =	wrdreg $0x60  }
0xae: {  	[dreg:$0x2] =	wrdreg s24  }
0xaf: {  	[dreg:$0x3] =	wrdreg s2  }
0xb0: {  	[dreg:$0x4] =	wrdreg $0x9  }
0xb1: {  	_ =	task.clear_ibuf [dreg:s7], $0x5FFFF;
	_ =	strace $0x90000052  }
0xb2: {  	s29 =	simm.s32 $0x9;
	_ =	strace $0x80000054  }
0xb3: {  	_ =	swait.ge [sflag:s29], $0x1  }
0xb4: {  	[sflag:s29] =	ssyncadd.s32 $0xFFFFFFFF  }
0xb5: {  	_ =	strace $0x90000054  }
0xb6: {  	_ =	sfence  }
0xb7: {  	s30 =	sld [smem:$0x0];
	_ =	sdelay $0x2  }
0xb8: {  	s31 =	sshll.u32 s1, $0xD;
	s1 =	sshrl.u32 s1, $0x2  }
0xb9: {  	s3 =	sand.u32 $0x4000, s31;
	s1 =	sadd.s32 s1, s30  }
0xba: {  	s0 =	sor.u32 s3, s0;
	s1 =	sshll.u32 s1, $0x11  }
0xbb: {  	s0 =	sor.u32 s1, s0  }
0xbc: {  	s0 =	sadd.s32 $0x8F2B, s0  }
0xbd: {  	[sflag:s0] =	ssyncadd.remote.s32 $0x1  }
0xbe: {  	_ =	sfence.sel $0xFFFF  }
0xbf: {  	[dreg:$0x0] =	wrdreg $0xFFFFFFFF;
	(pc) =	sbr.abs _section_cstart, $3  }
0xc0: {  	[dreg:$0x1] =	wrdreg $0xFFFFFFFF  }
0xc1: {  	_ =	task.clear_ibuf [dreg:s7], $0x2FFFF;
	_ =	strace $0x9FFFFFFF  }
0xc2: {  	(tm) =	ssettm $0x7FFFFFFF  }
0xc3: {  	_ =	shalt  }
tec
execute0_lowered:
.L_overlay_start_1:
0x0: {  	(tag) =	ssettag $0x1  }
0x1: {  	s6 =	rddreg [dreg:$0x0]  }
0x2: {  	s2 =	rddreg [dreg:$0x1]  }
0x3: {  	s0 =	rddreg [dreg:$0x2];
	s3 =	simm.s32 $0x0  }
0x4: {  	s4 =	srdreg.scid;
	s1 =	stileid.u32;
	s11 =	simm.s32 $0x400  }
0x5: {  	s12 =	simm.s32 $0x3;
	s13 =	simm.s32 $0x9C80;
	s14 =	simm.s32 $0x13900  }
0x6: {  	s15 =	simm.s32 $0x15880;
	s16 =	simm.s32 $0x17800;
	s17 =	simm.s32 $0x1  }
0x7: {  	s18 =	simm.s32 $0x19780;
	s19 =	simm.s32 $0x1B700;
	s20 =	simm.s32 $0x1D680  }
0x8: {  	s5 =	sand.u32 $0x1, s4;
	s29 =	sshrl.u32 s1, $0x2;
	s7 =	sshll.u32 s1, $0x8  }
0x9: {  	s4 =	smul.u32 $0x4E400, s29;
	s8 =	sshll.u32 s5, $0x7;
	s7 =	sand.u32 $0x300, s7  }
0xa: {  	s21 =	simm.s32 $0x2;
	[smem:$0x7FF] =	sst s3;
	s7 =	sor.u32 s8, s7  }
0xb: {  	s22 =	simm.s32 $0x0;
	_ =	strace $0x80000053;
	s7 =	sor.u32 s4, s7  }
0xc: {  	s30 =	ssub.s32 $0x2, s5;
	s5 =	sadd.s32 $0x1C00, s6;
	s7 =	sshrl.u32 s7, $0x3  }
0xd: {  	s31 =	sshrl.u32 s30, $0x1;
	s4 =	sadd.s32 $0xBA00, s6;
	s9 =	sadd.s32 s7, s6  }
0xe: {  	s10 =	ssub.s32 s30, s31;
	s6 =	sadd.s32 $0x3D000, s6;
	s7 =	sadd.s32 $0x15800, s9  }
0xf: {  	s8 =	sadd.s32 $0x3E400, s9;
	s9 =	smax.u32 s10, $0x1;
	s10 =	simm.s32 $0x80  }
.LBB2_1:
0x10: {  	[tilespmem:s3], [sflag:$0x3] =	stream.strided.gather [hbm4b:s7+s10], $0x9C80, s11, s10, $0x38;
	[tilespmem:$0x1F600] =	vst v63  }
0x11: {  	_ =	swait.ge [sflag:s12], $0x9C80  }
0x12: {  	[sflag:s12] =	ssyncset.done $0x0  }
0x13: {  	[sflag:s12] =	ssyncadd.s32 $0xFFFF6380  }
0x14: {  	[tilespmem:s13], [sflag:$0x3] =	stream.linear.gather [hbm4b:s6+s3], $0x9C80, $0x38;
	[tilespmem:$0x1F600] =	vst v63  }
0x15: {  	_ =	swait.ge [sflag:s12], $0x9C80  }
0x16: {  	[sflag:s12] =	ssyncset.done $0x0  }
0x17: {  	[sflag:s12] =	ssyncadd.s32 $0xFFFF6380  }
0x18: {  	[tilespmem:s14], [sflag:$0x1] =	stream.linear.gather [hbm4b:s4+s3], $0x1F40, $0x38;
	[tilespmem:$0x1F600] =	vst v63  }
0x19: {  	_ = 	snop  }
0x1a: {  	[tilespmem:s15], [sflag:$0x1] =	stream.linear.gather [hbm4b:s5+s3], $0x1F40, $0x38;
	[tilespmem:$0x1F600] =	vst v63  }
0x1b: {  	s23 =	simm.s32 $0x0  }
0x1c: {  	[tilespmem:s16], [sflag:$0x1] =	stream.linear.gather [hbm4b:s2+s3], $0x1F40, $0x38;
	[tilespmem:$0x1F600] =	vst v63  }
.LBB2_2:
0x1d: {  	_ =	swait.ge [sflag:s17], $0x1F40  }
0x1e: {  	[sflag:s17] =	ssyncset.done $0x0  }
0x1f: {  	[sflag:s17] =	ssyncadd.s32 $0xFFFFE0C0  }
0x20: {  	_ =	swait.ge [sflag:s17], $0x1F40  }
0x21: {  	s24 =	smul.u32 $0x3E80, s23;
	[sflag:s17] =	ssyncset.done $0x0  }
0x22: {  	[sflag:s17] =	ssyncadd.s32 $0xFFFFE0C0  }
0x23: {  	s25 =	sshrl.u32 s24, $0x3;
	_ =	swait.ge [sflag:s17], $0x1F40  }
0x24: {  	s25 =	sadd.s32 $0x3E8, s25;
	[sflag:s17] =	ssyncset.done $0x0  }
0x25: {  	s28 =	simm.s32 $0x0;
	s26 =	sadd.s32 s4, s25;
	[sflag:s17] =	ssyncadd.s32 $0xFFFFE0C0  }
0x26: {  	[tilespmem:s18], [sflag:$0x2] =	stream.linear.gather [hbm4b:s26+s28], $0x1F40, $0x38;
	[tilespmem:$0x1F600] =	vst v63  }
0x27: {  	s31 =	sadd.s32 s5, s25  }
0x28: {  	[tilespmem:s19], [sflag:$0x2] =	stream.linear.gather [hbm4b:s31+s28], $0x1F40, $0x38;
	[tilespmem:$0x1F600] =	vst v63  }
0x29: {  	s25 =	sadd.s32 s2, s25  }
0x2a: {  	[tilespmem:s20], [sflag:$0x2] =	stream.linear.gather [hbm4b:s25+s28], $0x1F40, $0x38;
	[tilespmem:$0x1F600] =	vst v63  }
0x2b: {  	s26 =	simm.s32 $0x0;
	s25 =	simm.s32 $0x40  }
.LBB2_3:
0x2c: {  	p0 =	sne.s32 s25, $0x7CC0;
	v0 =	vld [tilespmem:s26+$0x13900]  }
0x2d: {  	v1 =	vld [tilespmem:s26+$0x15880]  }
0x2e: {  	v2 =	vld [tilespmem:s26+$0x17800];
	_ =	sdelay $0x2  }
0x2f: {  	v0 =	vshll.u32 v0, $0x2;
	_ =	sdelay $0x4  }
0x30: {  	v3 =	vld.idx.msk [tilespmem:v0+s3+$0x0], $0xffff;
	_ =	sdelay $0x2  }
0x31: {  	v1 =	vshll.u32 v1, $0x2  }
0x32: {  	v4 =	vor.u32 $0x1, v0;
	_ =	sdelay $0x1  }
0x33: {  	v3 =	vmul.f32 v3, v2;
	_ =	sdelay $0x1  }
0x34: {  	[tilespmem:v1+s13+$0x0] =	vst.idx.add.f32.msk $0xffff, v3  }
0x35: {  	v3 =	vld.idx.msk [tilespmem:v4+s3+$0x0], $0xffff;
	_ =	sdelay $0x2  }
0x36: {  	v4 =	vor.u32 $0x1, v1  }
0x37: {  	v5 =	vor.u32 $0x2, v0;
	_ =	sdelay $0x1  }
0x38: {  	v3 =	vmul.f32 v3, v2;
	_ =	sdelay $0x1  }
0x39: {  	[tilespmem:v4+s13+$0x0] =	vst.idx.add.f32.msk $0xffff, v3  }
0x3a: {  	v3 =	vld.idx.msk [tilespmem:v5+s3+$0x0], $0xffff;
	_ =	sdelay $0x2  }
0x3b: {  	v4 =	vor.u32 $0x2, v1  }
0x3c: {  	v0 =	vor.u32 $0x3, v0;
	_ =	sdelay $0x1  }
0x3d: {  	v3 =	vmul.f32 v3, v2;
	_ =	sdelay $0x1  }
0x3e: {  	[tilespmem:v4+s13+$0x0] =	vst.idx.add.f32.msk $0xffff, v3  }
0x3f: {  	v0 =	vld.idx.msk [tilespmem:v0+s3+$0x0], $0xffff;
	_ =	sdelay $0x2  }
0x40: {  	v1 =	vor.u32 $0x3, v1  }
.Ltmp0:
0x41: {  	(pc) =	sbr.rel @p0 .LBB2_3-.Ltmp0, $3  }
0x42: {  	_ = 	snop  }
0x43: {  	v0 =	vmul.f32 v0, v2;
	_ =	sdelay $0x1  }
0x44: {  	s26 =	sshra.s32 s25, $0x2;
	s25 =	sadd.s32 $0x40, s25;
	[tilespmem:v1+s13+$0x0] =	vst.idx.add.f32.msk $0xffff, v0  }
0x45: {  	v0 =	vld [tilespmem:s26+$0x13900];
	_ =	sdelay $0x4  }
0x46: {  	v0 =	vshll.u32 v0, $0x2;
	_ =	sdelay $0x1  }
0x47: {  	v1 =	vld [tilespmem:s26+$0x15880];
	_ =	sdelay $0x1  }
0x48: {  	v2 =	vld [tilespmem:s26+$0x17800]  }
0x49: {  	v3 =	vld.idx.msk [tilespmem:v0+s3+$0x0], $0xffff;
	_ =	sdelay $0x1  }
0x4a: {  	v1 =	vshll.u32 v1, $0x2  }
0x4b: {  	v4 =	vor.u32 $0x1, v0;
	_ =	sdelay $0x1  }
0x4c: {  	v3 =	vmul.f32 v3, v2;
	_ =	sdelay $0x1  }
0x4d: {  	[tilespmem:v1+s13+$0x0] =	vst.idx.add.f32.msk $0xffff, v3  }
0x4e: {  	v3 =	vld.idx.msk [tilespmem:v4+s3+$0x0], $0xffff;
	_ =	sdelay $0x1  }
0x4f: {  	v62 =	vor.u32 $0x1, v1  }
0x50: {  	v5 =	vor.u32 $0x2, v0;
	_ =	sdelay $0x1  }
0x51: {  	v3 =	vmul.f32 v3, v2;
	_ =	sdelay $0x1  }
0x52: {  	[tilespmem:v62+s13+$0x0] =	vst.idx.add.f32.msk $0xffff, v3  }
0x53: {  	v3 =	vld.idx.msk [tilespmem:v5+s3+$0x0], $0xffff;
	_ =	sdelay $0x1  }
0x54: {  	v63 =	vor.u32 $0x2, v1  }
0x55: {  	v0 =	vor.u32 $0x3, v0;
	_ =	sdelay $0x1  }
0x56: {  	v3 =	vmul.f32 v3, v2;
	_ =	sdelay $0x1  }
0x57: {  	[tilespmem:v63+s13+$0x0] =	vst.idx.add.f32.msk $0xffff, v3  }
0x58: {  	v0 =	vld.idx.msk [tilespmem:v0+s3+$0x0], $0xffff;
	_ =	sdelay $0x1  }
0x59: {  	v1 =	vor.u32 $0x3, v1;
	_ =	sdelay $0x2  }
0x5a: {  	v0 =	vmul.f32 v0, v2;
	_ =	sdelay $0x1  }
0x5b: {  	[tilespmem:v1+s13+$0x0] =	vst.idx.add.f32.msk $0xffff, v0  }
0x5c: {  	_ =	swait.ge [sflag:s21], $0x1F40  }
0x5d: {  	[sflag:s21] =	ssyncset.done $0x0  }
0x5e: {  	[sflag:s21] =	ssyncadd.s32 $0xFFFFE0C0  }
0x5f: {  	_ =	swait.ge [sflag:s21], $0x1F40  }
0x60: {  	[sflag:s21] =	ssyncset.done $0x0  }
0x61: {  	p0 =	seq.s32 s23, $0x13;
	[sflag:s21] =	ssyncadd.s32 $0xFFFFE0C0  }
0x62: {  	s24 =	sshrl.u32 @!p0 s24, $0x3;
	_ =	swait.ge [sflag:s21], $0x1F40  }
0x63: {  	s26 =	simm.s32 @!p0 $0x0;
	s24 =	sadd.s32 @!p0 $0x7D0, s24;
	[sflag:s21] =	ssyncset.done $0x0  }
0x64: {  	s28 =	simm.s32 @!p0 $0x13900;
	s25 =	sadd.s32 @!p0 s4, s24;
	[sflag:s21] =	ssyncadd.s32 $0xFFFFE0C0  }
0x65: {  	[tilespmem:s28], [sflag:$0x1] =	stream.linear.gather @!p0 [hbm4b:s25+s26], $0x1F40, $0x38;
	[tilespmem:$0x1F600] =	vst v63  }
0x66: {  	s25 =	sadd.s32 @!p0 s5, s24;
	s28 =	simm.s32 @!p0 $0x15880  }
0x67: {  	[tilespmem:s28], [sflag:$0x1] =	stream.linear.gather @!p0 [hbm4b:s25+s26], $0x1F40, $0x38;
	[tilespmem:$0x1F600] =	vst v63  }
0x68: {  	s24 =	sadd.s32 @!p0 s2, s24;
	s25 =	simm.s32 @!p0 $0x17800  }
0x69: {  	[tilespmem:s25], [sflag:$0x1] =	stream.linear.gather @!p0 [hbm4b:s24+s26], $0x1F40, $0x38;
	[tilespmem:$0x1F600] =	vst v63  }
0x6a: {  	s25 =	simm.s32 $0x0;
	s24 =	simm.s32 $0x40  }
.LBB2_5:
0x6b: {  	p0 =	sne.s32 s24, $0x7CC0;
	v0 =	vld [tilespmem:s25+$0x19780]  }
0x6c: {  	v1 =	vld [tilespmem:s25+$0x1B700]  }
0x6d: {  	v2 =	vld [tilespmem:s25+$0x1D680];
	_ =	sdelay $0x2  }
0x6e: {  	v0 =	vshll.u32 v0, $0x2;
	_ =	sdelay $0x4  }
0x6f: {  	v3 =	vld.idx.msk [tilespmem:v0+s3+$0x0], $0xffff;
	_ =	sdelay $0x2  }
0x70: {  	v1 =	vshll.u32 v1, $0x2  }
0x71: {  	v4 =	vor.u32 $0x1, v0;
	_ =	sdelay $0x1  }
0x72: {  	v3 =	vmul.f32 v3, v2;
	_ =	sdelay $0x1  }
0x73: {  	[tilespmem:v1+s13+$0x0] =	vst.idx.add.f32.msk $0xffff, v3  }
0x74: {  	v3 =	vld.idx.msk [tilespmem:v4+s3+$0x0], $0xffff;
	_ =	sdelay $0x2  }
0x75: {  	v4 =	vor.u32 $0x1, v1  }
0x76: {  	v5 =	vor.u32 $0x2, v0;
	_ =	sdelay $0x1  }
0x77: {  	v3 =	vmul.f32 v3, v2;
	_ =	sdelay $0x1  }
0x78: {  	[tilespmem:v4+s13+$0x0] =	vst.idx.add.f32.msk $0xffff, v3  }
0x79: {  	v3 =	vld.idx.msk [tilespmem:v5+s3+$0x0], $0xffff;
	_ =	sdelay $0x2  }
0x7a: {  	v4 =	vor.u32 $0x2, v1  }
0x7b: {  	v0 =	vor.u32 $0x3, v0;
	_ =	sdelay $0x1  }
0x7c: {  	v3 =	vmul.f32 v3, v2;
	_ =	sdelay $0x1  }
0x7d: {  	[tilespmem:v4+s13+$0x0] =	vst.idx.add.f32.msk $0xffff, v3  }
0x7e: {  	v0 =	vld.idx.msk [tilespmem:v0+s3+$0x0], $0xffff;
	_ =	sdelay $0x2  }
0x7f: {  	v1 =	vor.u32 $0x3, v1  }
.Ltmp1:
0x80: {  	(pc) =	sbr.rel @p0 .LBB2_5-.Ltmp1, $3  }
0x81: {  	_ = 	snop  }
0x82: {  	v0 =	vmul.f32 v0, v2;
	_ =	sdelay $0x1  }
0x83: {  	s25 =	sshra.s32 s24, $0x2;
	s24 =	sadd.s32 $0x40, s24;
	[tilespmem:v1+s13+$0x0] =	vst.idx.add.f32.msk $0xffff, v0  }
0x84: {  	v0 =	vld [tilespmem:s25+$0x19780];
	_ =	sdelay $0x4  }
0x85: {  	v0 =	vshll.u32 v0, $0x2;
	_ =	sdelay $0x1  }
0x86: {  	v1 =	vld [tilespmem:s25+$0x1B700];
	_ =	sdelay $0x1  }
0x87: {  	v2 =	vld [tilespmem:s25+$0x1D680]  }
0x88: {  	v3 =	vld.idx.msk [tilespmem:v0+s3+$0x0], $0xffff;
	_ =	sdelay $0x1  }
0x89: {  	v1 =	vshll.u32 v1, $0x2  }
0x8a: {  	v4 =	vor.u32 $0x1, v0;
	_ =	sdelay $0x1  }
0x8b: {  	v3 =	vmul.f32 v3, v2;
	_ =	sdelay $0x1  }
0x8c: {  	[tilespmem:v1+s13+$0x0] =	vst.idx.add.f32.msk $0xffff, v3  }
0x8d: {  	v3 =	vld.idx.msk [tilespmem:v4+s3+$0x0], $0xffff;
	_ =	sdelay $0x1  }
0x8e: {  	v62 =	vor.u32 $0x1, v1  }
0x8f: {  	v5 =	vor.u32 $0x2, v0;
	_ =	sdelay $0x1  }
0x90: {  	v3 =	vmul.f32 v3, v2;
	_ =	sdelay $0x1  }
0x91: {  	[tilespmem:v62+s13+$0x0] =	vst.idx.add.f32.msk $0xffff, v3  }
0x92: {  	v3 =	vld.idx.msk [tilespmem:v5+s3+$0x0], $0xffff;
	_ =	sdelay $0x1  }
0x93: {  	v63 =	vor.u32 $0x2, v1  }
0x94: {  	v0 =	vor.u32 $0x3, v0;
	_ =	sdelay $0x1  }
0x95: {  	v3 =	vmul.f32 v3, v2;
	_ =	sdelay $0x1  }
0x96: {  	[tilespmem:v63+s13+$0x0] =	vst.idx.add.f32.msk $0xffff, v3  }
0x97: {  	v0 =	vld.idx.msk [tilespmem:v0+s3+$0x0], $0xffff  }
0x98: {  	s23 =	sadd.s32 $0x1, s23  }
0x99: {  	p0 =	sne.s32 s23, $0x14;
	v1 =	vor.u32 $0x3, v1  }
.Ltmp2:
0x9a: {  	_ = 	snop;
	(pc) =	sbr.rel @p0 .LBB2_2-.Ltmp2, $3  }
0x9b: {  	_ = 	snop  }
0x9c: {  	v0 =	vmul.f32 v0, v2;
	_ =	sdelay $0x1  }
0x9d: {  	[tilespmem:v1+s13+$0x0] =	vst.idx.add.f32.msk $0xffff, v0  }
0x9e: {  	s22 =	sadd.s32 $0x1, s22  }
0x9f: {  	p0 =	sne.s32 s22, s9  }
.Ltmp3:
0xa0: {  	_ = 	snop;
	(pc) =	sbr.rel @p0 .LBB2_1-.Ltmp3, $4  }
0xa1: {  	[hbm4b:s8+s10] =	stream.strided.scatter [tilespmem:s13], [sflag:$0x3], $0x9C80, s11, s10, $0x38;
	[tilespmem:$0x1F600] =	vst v63  }
0xa2: {  	_ =	swait.ge [sflag:s12], $0x9C80  }
0xa3: {  	[sflag:s12] =	ssyncset.done $0x0  }
0xa4: {  	[sflag:s12] =	ssyncadd.s32 $0xFFFF6380  }
0xa5: {  	_ =	sfence.sel $0x180000  }
0xa6: {  	[bflag:$0x0] =	sbarrier.arrive $0xFFFF  }
0xa7: {  	p0 =	sne.s32 s1, $0x0;
	_ =	strace $0x90000053  }
0xa8: {  	s0 =	sadd.s32 @!p0 $0x100000, s0;
	[bflag:$0x2] =	sbarrier.arrive $0xFFFF  }
0xa9: {  	[sflag:s0] =	ssyncadd.tile.s32 @!p0 $0x1;
	_ =	shalt  }
.Lfunc_end2:
_tile_overlayer_lowered:
.L_overlay_start_2:
0xaa: {  	(tag) =	ssettag $0x2  }
0xab: {  	s0 =	rddreg [dreg:$0x0];
	s2 =	stileid.u32  }
0xac: {  	s1 =	rddreg [dreg:$0x1];
	p0 =	sne.s32 s2, $0x0  }
0xad: {  	s3 =	rddreg [dreg:$0x2];
	[bflag:$0x3] =	sbarrier.arrive $0xFFFF;
	s2 =	simm.s32 @!p0 $0x1C03  }
0xae: {  	[timem:s3], [sflag:s2] =	dma.local @!p0 [hbm:s0], s1  }
0xaf: {  	s0 =	simm.s32 @!p0 $0x3  }
0xb0: {  	_ =	swait.ge @!p0 [sflag:s0], s1  }
0xb1: {  	s1 =	ssub.s32 @!p0 $0x0, s1;
	[sflag:s0] =	ssyncset.done @!p0 $0x0  }
0xb2: {  	[sflag:s0] =	ssyncadd.s32 @!p0 s1  }
0xb3: {  	[bflag:$0x3] =	sbarrier.arrive $0xFFFF  }
0xb4: {  	_ =	shalt  }

</sc_bundles>
